<compile_context>
chip_gen: v7x
topology: tpu7x:2x2x1
jax: 0.10.2.dev20260603
libtpu: 0.0.44.dev20260713+nightly
codegen_flags: <defaults>
</compile_context>

<pallas_src>
import jax
import jax.numpy as jnp
from jax import lax
from jax.experimental import pallas as pl
from jax.experimental.pallas import tpu as pltpu
from jax.experimental.pallas import tpu_sc as plsc

_N = 10000
_E = 320000
_D = 128
_L = 3
_G = 128

_NC = 2
_NS = 16
_NW = _NC * _NS
_EPW = _E // _NW
_CHUNK = 80
_NCHUNK = _EPW // _CHUNK
_RPS = 624
_RTAIL = _N - _NS * _RPS

_BN = 1000
_NBLK = _N // _BN


def _sc_agg_body(h_hbm, src_hbm, dst_hbm, out_hbm, acc, src_all, dst_all,
                 rows0, rows1, rows2, gsem0, gsem1, gsem2,
                 ssem0, ssem1, ssem2):
    c = lax.axis_index("c")
    s = lax.axis_index("s")
    wid = s * _NC + c
    pltpu.sync_copy(src_hbm.at[wid], src_all)
    pltpu.sync_copy(dst_hbm.at[wid], dst_all)

    bufs = (rows0, rows1, rows2)
    gsems = (gsem0, gsem1, gsem2)
    ssems = (ssem0, ssem1, ssem2)

    def gath(j, b):
        return pltpu.async_copy(
            h_hbm.at[src_all.at[pl.ds(j * _CHUNK, _CHUNK)]], bufs[b],
            gsems[b])

    gath(0, 0)
    gath(1, 1)

    row0 = s * _RPS
    pltpu.sync_copy(h_hbm.at[pl.ds(row0, _RPS)], acc.at[pl.ds(row0, _RPS)])

    @pl.when(s == _NS - 1)
    def _():
        pltpu.sync_copy(h_hbm.at[pl.ds(_NS * _RPS, _RTAIL)],
                        acc.at[pl.ds(_NS * _RPS, _RTAIL)])

    plsc.subcore_barrier()

    def proc(r, j, first=False, prefetch=True):
        b2 = (r + 2) % 3
        if prefetch:
            if not first:
                pltpu.make_async_copy(bufs[b2], acc.at[dst_all.at[j]],
                                      ssems[b2]).wait()
            gath(j + 2, b2)
        pltpu.make_async_copy(
            h_hbm.at[src_all.at[pl.ds(j * _CHUNK, _CHUNK)]], bufs[r],
            gsems[r]).wait()
        pltpu.async_copy(bufs[r], acc.at[dst_all.at[j]], ssems[r], add=True)

    proc(0, 0, first=True)
    proc(1, 1)
    proc(2, 2)

    def step(i, carry):
        proc(0, 3 * i)
        proc(1, 3 * i + 1)
        proc(2, 3 * i + 2)
        return carry

    lax.fori_loop(1, (_NCHUNK - 2) // 3, step, 0)
    proc(0, _NCHUNK - 2, prefetch=False)
    proc(1, _NCHUNK - 1, prefetch=False)
    pltpu.make_async_copy(rows2, acc.at[dst_all.at[_NCHUNK - 3]], ssem2).wait()
    pltpu.make_async_copy(rows0, acc.at[dst_all.at[_NCHUNK - 2]], ssem0).wait()
    pltpu.make_async_copy(rows1, acc.at[dst_all.at[_NCHUNK - 1]], ssem1).wait()
    plsc.subcore_barrier()
    pltpu.sync_copy(acc.at[pl.ds(row0, _RPS)], out_hbm.at[c, pl.ds(row0, _RPS)])

    @pl.when(s == _NS - 1)
    def _():
        pltpu.sync_copy(acc.at[pl.ds(_NS * _RPS, _RTAIL)],
                        out_hbm.at[c, pl.ds(_NS * _RPS, _RTAIL)])


_SC_AGG_CACHE = []


def _sc_agg(h, src, dst):
    if not _SC_AGG_CACHE:
        _SC_AGG_CACHE.append(pl.kernel(
            _sc_agg_body,
            out_type=jax.ShapeDtypeStruct((_NC, _N, _D), jnp.float32),
            mesh=plsc.VectorSubcoreMesh(core_axis_name="c",
                                        subcore_axis_name="s",
                                        num_cores=_NC, num_subcores=_NS),
            compiler_params=pltpu.CompilerParams(use_tc_tiling_on_sc=False),
            scratch_types=[
                pltpu.VMEM_SHARED((_N, _D), jnp.float32),
                pltpu.VMEM((_EPW,), jnp.int32),
                pltpu.VMEM((_NCHUNK, _CHUNK), jnp.int32),
                pltpu.VMEM((_CHUNK, _D), jnp.float32),
                pltpu.VMEM((_CHUNK, _D), jnp.float32),
                pltpu.VMEM((_CHUNK, _D), jnp.float32),
                pltpu.SemaphoreType.DMA,
                pltpu.SemaphoreType.DMA,
                pltpu.SemaphoreType.DMA,
                pltpu.SemaphoreType.DMA,
                pltpu.SemaphoreType.DMA,
                pltpu.SemaphoreType.DMA,
            ],
        ))
    return _SC_AGG_CACHE[0](h, src, dst)


def _fc_body(x_ref, w_ref, o_ref):
    o_ref[...] = lax.dot_general(x_ref[...], w_ref[...],
                                 (((1,), (1,)), ((), ())),
                                 preferred_element_type=jnp.float32)


def _fc(x, w):
    return pl.pallas_call(
        _fc_body,
        grid=(_NBLK,),
        in_specs=[pl.BlockSpec((_BN, _D), lambda i: (i, 0)),
                  pl.BlockSpec((_D, _D), lambda i: (0, 0))],
        out_specs=pl.BlockSpec((_BN, _D), lambda i: (i, 0)),
        out_shape=jax.ShapeDtypeStruct((_N, _D), jnp.float32),
    )(x, w)


def _layer_body(p_ref, h_ref, w1_ref, b1_ref, w2_ref, b2_ref, g_ref, be_ref,
                batch_ref, pin_ref, h_out_ref, pout_ref, z_scr, s_scr, q_scr):
    ph = pl.program_id(0)
    i = pl.program_id(1)

    @pl.when(ph == 0)
    def _():
        z0 = p_ref[0] + p_ref[1] - h_ref[...]
        z1 = jnp.maximum(
            lax.dot_general(z0, w1_ref[...], (((1,), (1,)), ((), ())),
                            preferred_element_type=jnp.float32)
            + b1_ref[...], 0.0)
        z2 = jnp.maximum(
            lax.dot_general(z1, w2_ref[...], (((1,), (1,)), ((), ())),
                            preferred_element_type=jnp.float32)
            + b2_ref[...], 0.0)
        z_scr[pl.ds(i * _BN, _BN), :] = z2
        s = jnp.sum(z2, axis=0, keepdims=True)
        q = jnp.sum(z2 * z2, axis=0, keepdims=True)

        @pl.when(i == 0)
        def _():
            s_scr[...] = s
            q_scr[...] = q

        @pl.when(i > 0)
        def _():
            s_scr[...] += s
            q_scr[...] += q

    @pl.when(ph == 1)
    def _():
        mean = s_scr[...] / _N
        var = q_scr[...] / _N - mean * mean
        inv = lax.rsqrt(var + 1e-5) * g_ref[...]
        hn = (z_scr[pl.ds(i * _BN, _BN), :] - mean) * inv + be_ref[...]
        h_out_ref[...] = hn
        b = batch_ref[0, 0, :]
        onehot = (b[:, None] == lax.broadcasted_iota(jnp.int32, (_BN, _G), 1)
                  ).astype(jnp.float32)
        contrib = lax.dot_general(onehot, hn, (((0,), (0,)), ((), ())),
                                  preferred_element_type=jnp.float32)

        @pl.when(i == 0)
        def _():
            pout_ref[...] = pin_ref[...] + contrib

        @pl.when(i > 0)
        def _():
            pout_ref[...] += contrib


def _layer(p, h, w1, b1, w2, b2, g, be, batch3, pin):
    return pl.pallas_call(
        _layer_body,
        grid=(2, _NBLK),
        in_specs=[
            pl.BlockSpec((_NC, _BN, _D), lambda ph, i: (0, i * (1 - ph), 0)),
            pl.BlockSpec((_BN, _D), lambda ph, i: (i * (1 - ph), 0)),
            pl.BlockSpec((_D, _D), lambda ph, i: (0, 0)),
            pl.BlockSpec((1, _D), lambda ph, i: (0, 0)),
            pl.BlockSpec((_D, _D), lambda ph, i: (0, 0)),
            pl.BlockSpec((1, _D), lambda ph, i: (0, 0)),
            pl.BlockSpec((1, _D), lambda ph, i: (0, 0)),
            pl.BlockSpec((1, _D), lambda ph, i: (0, 0)),
            pl.BlockSpec((1, 1, _BN), lambda ph, i: (i * ph, 0, 0)),
            pl.BlockSpec((_G, _D), lambda ph, i: (0, 0)),
        ],
        out_specs=[pl.BlockSpec((_BN, _D), lambda ph, i: (i * ph, 0)),
                   pl.BlockSpec((_G, _D), lambda ph, i: (0, 0))],
        out_shape=[jax.ShapeDtypeStruct((_N, _D), jnp.float32),
                   jax.ShapeDtypeStruct((_G, _D), jnp.float32)],
        scratch_shapes=[pltpu.VMEM((_N, _D), jnp.float32),
                        pltpu.VMEM((1, _D), jnp.float32),
                        pltpu.VMEM((1, _D), jnp.float32)],
    )(p, h, w1, b1, w2, b2, g, be, batch3, pin)


def kernel(x, edge_index, batch, fc_W, W1, b1, W2, b2, gamma, beta):
    src = edge_index[0].reshape(_NW, _EPW)
    dst = edge_index[1].reshape(_NW, _NCHUNK, _CHUNK)
    batch3 = batch.reshape(_NBLK, 1, _BN)
    h = _fc(x, fc_W)
    pooled = jnp.zeros((_G, _D), jnp.float32)
    xs = []
    for l in range(_L):
        p = _sc_agg(h, src, dst)
        h, pooled = _layer(p, h, W1[l], b1[l].reshape(1, _D),
                           W2[l], b2[l].reshape(1, _D),
                           gamma[l].reshape(1, _D), beta[l].reshape(1, _D),
                           batch3, pooled)
        xs.append(h)
    return (pooled, jnp.concatenate(xs, axis=1))

# --- scband reference (transcript-rebuilt; emitter-appended) ---
"""Pipeline reference for scband-encoder-26474178412960 (READ-ONLY COPY).

The authoritative reference and input builder live on the scoring server;
editing this copy changes nothing except your own understanding.
"""

import jax, jax.numpy as jnp
import numpy as np

N = 10000
E = 320000
D = 128
L = 3
G = 128

def setup_inputs(seed: int = 0):
    key = jax.random.key(seed)
    ks = jax.random.split(key, 10)
    x = jax.random.normal(ks[0], (N, D), dtype=jnp.float32)
    edge_index = jax.random.randint(ks[1], (2, E), 0, N, dtype=jnp.int32)
    batch = jnp.sort(jax.random.randint(ks[2], (N,), 0, G, dtype=jnp.int32))
    fc_W = jax.random.normal(ks[3], (D, D), dtype=jnp.float32) * (1.0 / np.sqrt(D))
    W1 = jax.random.normal(ks[4], (L, D, D), dtype=jnp.float32) * (1.0 / np.sqrt(D))
    b1 = jnp.zeros((L, D), dtype=jnp.float32)
    W2 = jax.random.normal(ks[5], (L, D, D), dtype=jnp.float32) * (1.0 / np.sqrt(D))
    b2 = jnp.zeros((L, D), dtype=jnp.float32)
    gamma = jnp.ones((L, D), dtype=jnp.float32)
    beta = jnp.zeros((L, D), dtype=jnp.float32)
    return {"x": x, "edge_index": edge_index, "batch": batch, "fc_W": fc_W, "W1": W1, "b1": b1, "W2": W2, "b2": b2, "gamma": gamma, "beta": beta}

def reference(x, edge_index, batch, fc_W, W1, b1, W2, b2, gamma, beta):
    # Encoder.forward: fc (no bias) -> L x [GINConv(MLP) -> ReLU -> BatchNorm1d] -> 'add' pooling of global_add_pool per layer
    src = edge_index[0]
    dst = edge_index[1]
    h = x @ fc_W.T
    xs = []
    for l in range(L):
        # GINConv, eps=0: mlp((1+eps)*h + sum_{j in N(i)} h_j)
        agg = jax.ops.segment_sum(h[src], dst, num_segments=N)
        z = h + agg
        z = z @ W1[l].T + b1[l]
        z = jax.nn.relu(z)
        z = z @ W2[l].T + b2[l]
        z = jax.nn.relu(z)  # acts[l]
        # BatchNorm1d (training mode: batch statistics, biased variance)
        mean = jnp.mean(z, axis=0)
        var = jnp.var(z, axis=0)
        z = (z - mean) / jnp.sqrt(var + 1e-5) * gamma[l] + beta[l]
        h = z
        xs.append(h)
    pooled = [jax.ops.segment_sum(t, batch, num_segments=G) for t in xs]
    out = pooled[0]
    for l in range(1, L):
        out = out + pooled[l]
    return (out, jnp.concatenate(xs, axis=1))

if __name__ == "__main__":
    import jax
    _d = setup_inputs()
    print(jax.jit(kernel)(*tuple(_d.values())))

</pallas_src>

<mosaic_0001>
#map = affine_map<(d0, d1) -> (0, 0)>
#map1 = affine_map<(d0, d1) -> (0, 0, 0)>
module attributes {stable_mosaic.version = 14 : i64} {
  func.func @_sc_agg_body(%arg0: i32, %arg1: i32, %arg2: memref<10000x128xf32, #tpu.memory_space<hbm>>, %arg3: memref<32x10000xi32, #tpu.memory_space<hbm>>, %arg4: memref<32x125x80xi32, #tpu.memory_space<hbm>>, %arg5: memref<2x10000x128xf32, #tpu.memory_space<hbm>>, %arg6: memref<10000x128xf32, #tpu.memory_space<vmem_shared>>, %arg7: memref<10000xi32, #tpu.memory_space<vmem>>, %arg8: memref<125x80xi32, #tpu.memory_space<vmem>>, %arg9: memref<80x128xf32, #tpu.memory_space<vmem>>, %arg10: memref<80x128xf32, #tpu.memory_space<vmem>>, %arg11: memref<80x128xf32, #tpu.memory_space<vmem>>, %arg12: memref<!tpu.dma_semaphore, #tpu.memory_space<semaphore_mem>>, %arg13: memref<!tpu.dma_semaphore, #tpu.memory_space<semaphore_mem>>, %arg14: memref<!tpu.dma_semaphore, #tpu.memory_space<semaphore_mem>>, %arg15: memref<!tpu.dma_semaphore, #tpu.memory_space<semaphore_mem>>, %arg16: memref<!tpu.dma_semaphore, #tpu.memory_space<semaphore_mem>>, %arg17: memref<!tpu.dma_semaphore, #tpu.memory_space<semaphore_mem>>) attributes {dimension_semantics = [#tpu.dimension_semantics<core_parallel>, #tpu.dimension_semantics<subcore_parallel>], iteration_bounds = array<i64: 2, 16>, scalar_prefetch = 0 : i64, scratch_operands = 12 : i64, tpu.core_type = #tpu.core_type<sc_vector_subcore>, window_params = [{transform_indices = #map}, {transform_indices = #map}, {transform_indices = #map1}, {transform_indices = #map1}]} {
    %mul3A = arith.constant 2 : i32
    %mul3A_0 = arith.muli %arg1, %mul3A : i32
    %add3A = arith.addi %mul3A_0, %arg0 : i32
    "tpu.region"() ({
      %run_scoped3A = tpu.sem_alloc : memref<!tpu.dma_semaphore, #tpu.memory_space<semaphore_mem>>
      %dma_start3A_134 = arith.constant 0 : i32
      %dma_start3A_135 = tpu.memref_slice %arg3[%add3A, %dma_start3A_134] : memref<32x10000xi32, #tpu.memory_space<hbm>> -> memref<1x10000xi32, #tpu.memory_space<hbm>>
      %dma_start3A_136 = tpu.memref_squeeze %dma_start3A_135 : memref<1x10000xi32, #tpu.memory_space<hbm>> -> memref<10000xi32, #tpu.memory_space<hbm>>
      %dma_start3A_137 = arith.constant 0 : i32
      %dma_start3A_138 = tpu.memref_slice %arg3[%add3A, %dma_start3A_137] : memref<32x10000xi32, #tpu.memory_space<hbm>> -> memref<1x10000xi32, #tpu.memory_space<hbm>>
      %dma_start3A_139 = tpu.memref_squeeze %dma_start3A_138 : memref<1x10000xi32, #tpu.memory_space<hbm>> -> memref<10000xi32, #tpu.memory_space<hbm>>
      tpu.enqueue_dma source(%dma_start3A_139 : memref<10000xi32, #tpu.memory_space<hbm>>) target(%arg7 : memref<10000xi32, #tpu.memory_space<vmem>>) target_semaphore(%run_scoped3A : memref<!tpu.dma_semaphore, #tpu.memory_space<semaphore_mem>>)
      %dma_wait3A_140 = arith.constant 0 : i32
      %dma_wait3A_141 = tpu.memref_slice %arg3[%add3A, %dma_wait3A_140] : memref<32x10000xi32, #tpu.memory_space<hbm>> -> memref<1x10000xi32, #tpu.memory_space<hbm>>
      %dma_wait3A_142 = tpu.memref_squeeze %dma_wait3A_141 : memref<1x10000xi32, #tpu.memory_space<hbm>> -> memref<10000xi32, #tpu.memory_space<hbm>>
      %dma_wait3A_143 = arith.constant 0 : i32
      %dma_wait3A_144 = tpu.memref_slice %arg3[%add3A, %dma_wait3A_143] : memref<32x10000xi32, #tpu.memory_space<hbm>> -> memref<1x10000xi32, #tpu.memory_space<hbm>>
      %dma_wait3A_145 = tpu.memref_squeeze %dma_wait3A_144 : memref<1x10000xi32, #tpu.memory_space<hbm>> -> memref<10000xi32, #tpu.memory_space<hbm>>
      tpu.wait_dma2 semaphore(%run_scoped3A : memref<!tpu.dma_semaphore, #tpu.memory_space<semaphore_mem>>) src(%dma_wait3A_145 : memref<10000xi32, #tpu.memory_space<hbm>>) dst(%arg7 : memref<10000xi32, #tpu.memory_space<vmem>>)
      tpu.yield
    }) : () -> ()
    "tpu.region"() ({
      %run_scoped3A = tpu.sem_alloc : memref<!tpu.dma_semaphore, #tpu.memory_space<semaphore_mem>>
      %dma_start3A_134 = arith.constant 0 : i32
      %dma_start3A_135 = arith.constant 0 : i32
      %dma_start3A_136 = tpu.memref_slice %arg4[%add3A, %dma_start3A_134, %dma_start3A_135] : memref<32x125x80xi32, #tpu.memory_space<hbm>> -> memref<1x125x80xi32, #tpu.memory_space<hbm>>
      %dma_start3A_137 = tpu.memref_squeeze %dma_start3A_136 : memref<1x125x80xi32, #tpu.memory_space<hbm>> -> memref<125x80xi32, #tpu.memory_space<hbm>>
      %dma_start3A_138 = arith.constant 0 : i32
      %dma_start3A_139 = arith.constant 0 : i32
      %dma_start3A_140 = tpu.memref_slice %arg4[%add3A, %dma_start3A_138, %dma_start3A_139] : memref<32x125x80xi32, #tpu.memory_space<hbm>> -> memref<1x125x80xi32, #tpu.memory_space<hbm>>
      %dma_start3A_141 = tpu.memref_squeeze %dma_start3A_140 : memref<1x125x80xi32, #tpu.memory_space<hbm>> -> memref<125x80xi32, #tpu.memory_space<hbm>>
      tpu.enqueue_dma source(%dma_start3A_141 : memref<125x80xi32, #tpu.memory_space<hbm>>) target(%arg8 : memref<125x80xi32, #tpu.memory_space<vmem>>) target_semaphore(%run_scoped3A : memref<!tpu.dma_semaphore, #tpu.memory_space<semaphore_mem>>)
      %dma_wait3A_142 = arith.constant 0 : i32
      %dma_wait3A_143 = arith.constant 0 : i32
      %dma_wait3A_144 = tpu.memref_slice %arg4[%add3A, %dma_wait3A_142, %dma_wait3A_143] : memref<32x125x80xi32, #tpu.memory_space<hbm>> -> memref<1x125x80xi32, #tpu.memory_space<hbm>>
      %dma_wait3A_145 = tpu.memref_squeeze %dma_wait3A_144 : memref<1x125x80xi32, #tpu.memory_space<hbm>> -> memref<125x80xi32, #tpu.memory_space<hbm>>
      %dma_wait3A_146 = arith.constant 0 : i32
      %dma_wait3A_147 = arith.constant 0 : i32
      %dma_wait3A_148 = tpu.memref_slice %arg4[%add3A, %dma_wait3A_146, %dma_wait3A_147] : memref<32x125x80xi32, #tpu.memory_space<hbm>> -> memref<1x125x80xi32, #tpu.memory_space<hbm>>
      %dma_wait3A_149 = tpu.memref_squeeze %dma_wait3A_148 : memref<1x125x80xi32, #tpu.memory_space<hbm>> -> memref<125x80xi32, #tpu.memory_space<hbm>>
      tpu.wait_dma2 semaphore(%run_scoped3A : memref<!tpu.dma_semaphore, #tpu.memory_space<semaphore_mem>>) src(%dma_wait3A_149 : memref<125x80xi32, #tpu.memory_space<hbm>>) dst(%arg8 : memref<125x80xi32, #tpu.memory_space<vmem>>)
      tpu.yield
    }) : () -> ()
    %dma_start3A = arith.constant 0 : i32
    %dma_start3A_1 = tpu.memref_slice %arg7[%dma_start3A] : memref<10000xi32, #tpu.memory_space<vmem>> -> memref<80xi32, #tpu.memory_space<vmem>>
    %dma_start3A_2 = arith.constant 0 : i32
    %dma_start3A_3 = arith.constant 0 : i32
    %dma_start3A_4 = tpu.memref_slice %arg2[%dma_start3A_2, %dma_start3A_3] : memref<10000x128xf32, #tpu.memory_space<hbm>> -> memref<10000x128xf32, #tpu.memory_space<hbm>>
    tpu.enqueue_indirect_dma source(%dma_start3A_4 : memref<10000x128xf32, #tpu.memory_space<hbm>>) target(%arg9 : memref<80x128xf32, #tpu.memory_space<vmem>>) offsets(%dma_start3A_1 : memref<80xi32, #tpu.memory_space<vmem>>) semaphore(%arg12 : memref<!tpu.dma_semaphore, #tpu.memory_space<semaphore_mem>>)
    %dma_start3A_5 = arith.constant 80 : i32
    %dma_start3A_6 = tpu.memref_slice %arg7[%dma_start3A_5] : memref<10000xi32, #tpu.memory_space<vmem>> -> memref<80xi32, #tpu.memory_space<vmem>>
    %dma_start3A_7 = arith.constant 0 : i32
    %dma_start3A_8 = arith.constant 0 : i32
    %dma_start3A_9 = tpu.memref_slice %arg2[%dma_start3A_7, %dma_start3A_8] : memref<10000x128xf32, #tpu.memory_space<hbm>> -> memref<10000x128xf32, #tpu.memory_space<hbm>>
    tpu.enqueue_indirect_dma source(%dma_start3A_9 : memref<10000x128xf32, #tpu.memory_space<hbm>>) target(%arg10 : memref<80x128xf32, #tpu.memory_space<vmem>>) offsets(%dma_start3A_6 : memref<80xi32, #tpu.memory_space<vmem>>) semaphore(%arg13 : memref<!tpu.dma_semaphore, #tpu.memory_space<semaphore_mem>>)
    %mul3A_10 = arith.constant 624 : i32
    %mul3A_11 = arith.muli %arg1, %mul3A_10 : i32
    "tpu.region"() ({
      %run_scoped3A = tpu.sem_alloc : memref<!tpu.dma_semaphore, #tpu.memory_space<semaphore_mem>>
      %dma_start3A_134 = arith.constant 0 : i32
      %dma_start3A_135 = tpu.memref_slice %arg6[%mul3A_11, %dma_start3A_134] : memref<10000x128xf32, #tpu.memory_space<vmem_shared>> -> memref<624x128xf32, #tpu.memory_space<vmem_shared>>
      %dma_start3A_136 = arith.constant 0 : i32
      %dma_start3A_137 = tpu.memref_slice %arg2[%mul3A_11, %dma_start3A_136] : memref<10000x128xf32, #tpu.memory_space<hbm>> -> memref<624x128xf32, #tpu.memory_space<hbm>>
      tpu.enqueue_dma source(%dma_start3A_137 : memref<624x128xf32, #tpu.memory_space<hbm>>) target(%dma_start3A_135 : memref<624x128xf32, #tpu.memory_space<vmem_shared>>) target_semaphore(%run_scoped3A : memref<!tpu.dma_semaphore, #tpu.memory_space<semaphore_mem>>)
      %dma_wait3A_138 = arith.constant 0 : i32
      %dma_wait3A_139 = tpu.memref_slice %arg6[%mul3A_11, %dma_wait3A_138] : memref<10000x128xf32, #tpu.memory_space<vmem_shared>> -> memref<624x128xf32, #tpu.memory_space<vmem_shared>>
      %dma_wait3A_140 = arith.constant 0 : i32
      %dma_wait3A_141 = tpu.memref_slice %arg2[%mul3A_11, %dma_wait3A_140] : memref<10000x128xf32, #tpu.memory_space<hbm>> -> memref<624x128xf32, #tpu.memory_space<hbm>>
      tpu.wait_dma2 semaphore(%run_scoped3A : memref<!tpu.dma_semaphore, #tpu.memory_space<semaphore_mem>>) src(%dma_wait3A_141 : memref<624x128xf32, #tpu.memory_space<hbm>>) dst(%dma_wait3A_139 : memref<624x128xf32, #tpu.memory_space<vmem_shared>>)
      tpu.yield
    }) : () -> ()
    %eq3A = arith.constant 15 : i32
    %eq3A_12 = arith.cmpi eq, %arg1, %eq3A : i32
    %convert_element_type3A = arith.extui %eq3A_12 : i1 to i32
    %cond3A = arith.constant 0 : i32
    %cond3A_13 = arith.cmpi ne, %convert_element_type3A, %cond3A : i32
    scf.if %cond3A_13 {
      "tpu.region"() ({
        %run_scoped3A = tpu.sem_alloc : memref<!tpu.dma_semaphore, #tpu.memory_space<semaphore_mem>>
        %dma_start3A_134 = arith.constant 9984 : i32
        %dma_start3A_135 = arith.constant 0 : i32
        %dma_start3A_136 = tpu.memref_slice %arg6[%dma_start3A_134, %dma_start3A_135] : memref<10000x128xf32, #tpu.memory_space<vmem_shared>> -> memref<16x128xf32, #tpu.memory_space<vmem_shared>>
        %dma_start3A_137 = arith.constant 9984 : i32
        %dma_start3A_138 = arith.constant 0 : i32
        %dma_start3A_139 = tpu.memref_slice %arg2[%dma_start3A_137, %dma_start3A_138] : memref<10000x128xf32, #tpu.memory_space<hbm>> -> memref<16x128xf32, #tpu.memory_space<hbm>>
        tpu.enqueue_dma source(%dma_start3A_139 : memref<16x128xf32, #tpu.memory_space<hbm>>) target(%dma_start3A_136 : memref<16x128xf32, #tpu.memory_space<vmem_shared>>) target_semaphore(%run_scoped3A : memref<!tpu.dma_semaphore, #tpu.memory_space<semaphore_mem>>)
        %dma_wait3A_140 = arith.constant 9984 : i32
        %dma_wait3A_141 = arith.constant 0 : i32
        %dma_wait3A_142 = tpu.memref_slice %arg6[%dma_wait3A_140, %dma_wait3A_141] : memref<10000x128xf32, #tpu.memory_space<vmem_shared>> -> memref<16x128xf32, #tpu.memory_space<vmem_shared>>
        %dma_wait3A_143 = arith.constant 9984 : i32
        %dma_wait3A_144 = arith.constant 0 : i32
        %dma_wait3A_145 = tpu.memref_slice %arg2[%dma_wait3A_143, %dma_wait3A_144] : memref<10000x128xf32, #tpu.memory_space<hbm>> -> memref<16x128xf32, #tpu.memory_space<hbm>>
        tpu.wait_dma2 semaphore(%run_scoped3A : memref<!tpu.dma_semaphore, #tpu.memory_space<semaphore_mem>>) src(%dma_wait3A_145 : memref<16x128xf32, #tpu.memory_space<hbm>>) dst(%dma_wait3A_142 : memref<16x128xf32, #tpu.memory_space<vmem_shared>>)
        tpu.yield
      }) : () -> ()
    } else {
    }
    %barrier3A = arith.constant 0 : index
    tpu.barrier barrier_id(%barrier3A)
    %dma_start3A_14 = arith.constant 160 : i32
    %dma_start3A_15 = tpu.memref_slice %arg7[%dma_start3A_14] : memref<10000xi32, #tpu.memory_space<vmem>> -> memref<80xi32, #tpu.memory_space<vmem>>
    %dma_start3A_16 = arith.constant 0 : i32
    %dma_start3A_17 = arith.constant 0 : i32
    %dma_start3A_18 = tpu.memref_slice %arg2[%dma_start3A_16, %dma_start3A_17] : memref<10000x128xf32, #tpu.memory_space<hbm>> -> memref<10000x128xf32, #tpu.memory_space<hbm>>
    tpu.enqueue_indirect_dma source(%dma_start3A_18 : memref<10000x128xf32, #tpu.memory_space<hbm>>) target(%arg11 : memref<80x128xf32, #tpu.memory_space<vmem>>) offsets(%dma_start3A_15 : memref<80xi32, #tpu.memory_space<vmem>>) semaphore(%arg14 : memref<!tpu.dma_semaphore, #tpu.memory_space<semaphore_mem>>)
    %dma_wait3A = arith.constant 0 : i32
    %dma_wait3A_19 = tpu.memref_slice %arg7[%dma_wait3A] : memref<10000xi32, #tpu.memory_space<vmem>> -> memref<80xi32, #tpu.memory_space<vmem>>
    %dma_wait3A_20 = arith.constant 0 : i32
    %dma_wait3A_21 = arith.constant 0 : i32
    %dma_wait3A_22 = tpu.memref_slice %arg2[%dma_wait3A_20, %dma_wait3A_21] : memref<10000x128xf32, #tpu.memory_space<hbm>> -> memref<10000x128xf32, #tpu.memory_space<hbm>>
    tpu.wait_indirect_dma semaphore(%arg12 : memref<!tpu.dma_semaphore, #tpu.memory_space<semaphore_mem>>) src(%dma_wait3A_22 : memref<10000x128xf32, #tpu.memory_space<hbm>>) dst(%arg9 : memref<80x128xf32, #tpu.memory_space<vmem>>)
    %dma_start3A_23 = arith.constant 0 : i32
    %dma_start3A_24 = arith.constant 0 : i32
    %dma_start3A_25 = tpu.memref_slice %arg8[%dma_start3A_23, %dma_start3A_24] : memref<125x80xi32, #tpu.memory_space<vmem>> -> memref<1x80xi32, #tpu.memory_space<vmem>>
    %dma_start3A_26 = tpu.memref_squeeze %dma_start3A_25 : memref<1x80xi32, #tpu.memory_space<vmem>> -> memref<80xi32, #tpu.memory_space<vmem>>
    %dma_start3A_27 = arith.constant 0 : i32
    %dma_start3A_28 = arith.constant 0 : i32
    %dma_start3A_29 = tpu.memref_slice %arg6[%dma_start3A_27, %dma_start3A_28] : memref<10000x128xf32, #tpu.memory_space<vmem_shared>> -> memref<10000x128xf32, #tpu.memory_space<vmem_shared>>
    tpu.enqueue_indirect_dma source(%arg9 : memref<80x128xf32, #tpu.memory_space<vmem>>) target(%dma_start3A_29 : memref<10000x128xf32, #tpu.memory_space<vmem_shared>>) offsets(%dma_start3A_26 : memref<80xi32, #tpu.memory_space<vmem>>) semaphore(%arg15 : memref<!tpu.dma_semaphore, #tpu.memory_space<semaphore_mem>>) {add = true}
    %dma_wait3A_30 = arith.constant 1 : i32
    %dma_wait3A_31 = arith.constant 0 : i32
    %dma_wait3A_32 = tpu.memref_slice %arg8[%dma_wait3A_30, %dma_wait3A_31] : memref<125x80xi32, #tpu.memory_space<vmem>> -> memref<1x80xi32, #tpu.memory_space<vmem>>
    %dma_wait3A_33 = tpu.memref_squeeze %dma_wait3A_32 : memref<1x80xi32, #tpu.memory_space<vmem>> -> memref<80xi32, #tpu.memory_space<vmem>>
    %dma_wait3A_34 = arith.constant 0 : i32
    %dma_wait3A_35 = arith.constant 0 : i32
    %dma_wait3A_36 = tpu.memref_slice %arg6[%dma_wait3A_34, %dma_wait3A_35] : memref<10000x128xf32, #tpu.memory_space<vmem_shared>> -> memref<10000x128xf32, #tpu.memory_space<vmem_shared>>
    tpu.wait_indirect_dma semaphore(%arg15 : memref<!tpu.dma_semaphore, #tpu.memory_space<semaphore_mem>>) src(%arg9 : memref<80x128xf32, #tpu.memory_space<vmem>>) dst(%dma_wait3A_36 : memref<10000x128xf32, #tpu.memory_space<vmem_shared>>)
    %dma_start3A_37 = arith.constant 240 : i32
    %dma_start3A_38 = tpu.memref_slice %arg7[%dma_start3A_37] : memref<10000xi32, #tpu.memory_space<vmem>> -> memref<80xi32, #tpu.memory_space<vmem>>
    %dma_start3A_39 = arith.constant 0 : i32
    %dma_start3A_40 = arith.constant 0 : i32
    %dma_start3A_41 = tpu.memref_slice %arg2[%dma_start3A_39, %dma_start3A_40] : memref<10000x128xf32, #tpu.memory_space<hbm>> -> memref<10000x128xf32, #tpu.memory_space<hbm>>
    tpu.enqueue_indirect_dma source(%dma_start3A_41 : memref<10000x128xf32, #tpu.memory_space<hbm>>) target(%arg9 : memref<80x128xf32, #tpu.memory_space<vmem>>) offsets(%dma_start3A_38 : memref<80xi32, #tpu.memory_space<vmem>>) semaphore(%arg12 : memref<!tpu.dma_semaphore, #tpu.memory_space<semaphore_mem>>)
    %dma_wait3A_42 = arith.constant 80 : i32
    %dma_wait3A_43 = tpu.memref_slice %arg7[%dma_wait3A_42] : memref<10000xi32, #tpu.memory_space<vmem>> -> memref<80xi32, #tpu.memory_space<vmem>>
    %dma_wait3A_44 = arith.constant 0 : i32
    %dma_wait3A_45 = arith.constant 0 : i32
    %dma_wait3A_46 = tpu.memref_slice %arg2[%dma_wait3A_44, %dma_wait3A_45] : memref<10000x128xf32, #tpu.memory_space<hbm>> -> memref<10000x128xf32, #tpu.memory_space<hbm>>
    tpu.wait_indirect_dma semaphore(%arg13 : memref<!tpu.dma_semaphore, #tpu.memory_space<semaphore_mem>>) src(%dma_wait3A_46 : memref<10000x128xf32, #tpu.memory_space<hbm>>) dst(%arg10 : memref<80x128xf32, #tpu.memory_space<vmem>>)
    %dma_start3A_47 = arith.constant 1 : i32
    %dma_start3A_48 = arith.constant 0 : i32
    %dma_start3A_49 = tpu.memref_slice %arg8[%dma_start3A_47, %dma_start3A_48] : memref<125x80xi32, #tpu.memory_space<vmem>> -> memref<1x80xi32, #tpu.memory_space<vmem>>
    %dma_start3A_50 = tpu.memref_squeeze %dma_start3A_49 : memref<1x80xi32, #tpu.memory_space<vmem>> -> memref<80xi32, #tpu.memory_space<vmem>>
    %dma_start3A_51 = arith.constant 0 : i32
    %dma_start3A_52 = arith.constant 0 : i32
    %dma_start3A_53 = tpu.memref_slice %arg6[%dma_start3A_51, %dma_start3A_52] : memref<10000x128xf32, #tpu.memory_space<vmem_shared>> -> memref<10000x128xf32, #tpu.memory_space<vmem_shared>>
    tpu.enqueue_indirect_dma source(%arg10 : memref<80x128xf32, #tpu.memory_space<vmem>>) target(%dma_start3A_53 : memref<10000x128xf32, #tpu.memory_space<vmem_shared>>) offsets(%dma_start3A_50 : memref<80xi32, #tpu.memory_space<vmem>>) semaphore(%arg16 : memref<!tpu.dma_semaphore, #tpu.memory_space<semaphore_mem>>) {add = true}
    %dma_wait3A_54 = arith.constant 2 : i32
    %dma_wait3A_55 = arith.constant 0 : i32
    %dma_wait3A_56 = tpu.memref_slice %arg8[%dma_wait3A_54, %dma_wait3A_55] : memref<125x80xi32, #tpu.memory_space<vmem>> -> memref<1x80xi32, #tpu.memory_space<vmem>>
    %dma_wait3A_57 = tpu.memref_squeeze %dma_wait3A_56 : memref<1x80xi32, #tpu.memory_space<vmem>> -> memref<80xi32, #tpu.memory_space<vmem>>
    %dma_wait3A_58 = arith.constant 0 : i32
    %dma_wait3A_59 = arith.constant 0 : i32
    %dma_wait3A_60 = tpu.memref_slice %arg6[%dma_wait3A_58, %dma_wait3A_59] : memref<10000x128xf32, #tpu.memory_space<vmem_shared>> -> memref<10000x128xf32, #tpu.memory_space<vmem_shared>>
    tpu.wait_indirect_dma semaphore(%arg16 : memref<!tpu.dma_semaphore, #tpu.memory_space<semaphore_mem>>) src(%arg10 : memref<80x128xf32, #tpu.memory_space<vmem>>) dst(%dma_wait3A_60 : memref<10000x128xf32, #tpu.memory_space<vmem_shared>>)
    %dma_start3A_61 = arith.constant 320 : i32
    %dma_start3A_62 = tpu.memref_slice %arg7[%dma_start3A_61] : memref<10000xi32, #tpu.memory_space<vmem>> -> memref<80xi32, #tpu.memory_space<vmem>>
    %dma_start3A_63 = arith.constant 0 : i32
    %dma_start3A_64 = arith.constant 0 : i32
    %dma_start3A_65 = tpu.memref_slice %arg2[%dma_start3A_63, %dma_start3A_64] : memref<10000x128xf32, #tpu.memory_space<hbm>> -> memref<10000x128xf32, #tpu.memory_space<hbm>>
    tpu.enqueue_indirect_dma source(%dma_start3A_65 : memref<10000x128xf32, #tpu.memory_space<hbm>>) target(%arg10 : memref<80x128xf32, #tpu.memory_space<vmem>>) offsets(%dma_start3A_62 : memref<80xi32, #tpu.memory_space<vmem>>) semaphore(%arg13 : memref<!tpu.dma_semaphore, #tpu.memory_space<semaphore_mem>>)
    %dma_wait3A_66 = arith.constant 160 : i32
    %dma_wait3A_67 = tpu.memref_slice %arg7[%dma_wait3A_66] : memref<10000xi32, #tpu.memory_space<vmem>> -> memref<80xi32, #tpu.memory_space<vmem>>
    %dma_wait3A_68 = arith.constant 0 : i32
    %dma_wait3A_69 = arith.constant 0 : i32
    %dma_wait3A_70 = tpu.memref_slice %arg2[%dma_wait3A_68, %dma_wait3A_69] : memref<10000x128xf32, #tpu.memory_space<hbm>> -> memref<10000x128xf32, #tpu.memory_space<hbm>>
    tpu.wait_indirect_dma semaphore(%arg14 : memref<!tpu.dma_semaphore, #tpu.memory_space<semaphore_mem>>) src(%dma_wait3A_70 : memref<10000x128xf32, #tpu.memory_space<hbm>>) dst(%arg11 : memref<80x128xf32, #tpu.memory_space<vmem>>)
    %dma_start3A_71 = arith.constant 2 : i32
    %dma_start3A_72 = arith.constant 0 : i32
    %dma_start3A_73 = tpu.memref_slice %arg8[%dma_start3A_71, %dma_start3A_72] : memref<125x80xi32, #tpu.memory_space<vmem>> -> memref<1x80xi32, #tpu.memory_space<vmem>>
    %dma_start3A_74 = tpu.memref_squeeze %dma_start3A_73 : memref<1x80xi32, #tpu.memory_space<vmem>> -> memref<80xi32, #tpu.memory_space<vmem>>
    %dma_start3A_75 = arith.constant 0 : i32
    %dma_start3A_76 = arith.constant 0 : i32
    %dma_start3A_77 = tpu.memref_slice %arg6[%dma_start3A_75, %dma_start3A_76] : memref<10000x128xf32, #tpu.memory_space<vmem_shared>> -> memref<10000x128xf32, #tpu.memory_space<vmem_shared>>
    tpu.enqueue_indirect_dma source(%arg11 : memref<80x128xf32, #tpu.memory_space<vmem>>) target(%dma_start3A_77 : memref<10000x128xf32, #tpu.memory_space<vmem_shared>>) offsets(%dma_start3A_74 : memref<80xi32, #tpu.memory_space<vmem>>) semaphore(%arg17 : memref<!tpu.dma_semaphore, #tpu.memory_space<semaphore_mem>>) {add = true}
    %scan3A = arith.constant 0 : i32
    %scan3A_78 = arith.constant 1 : i32
    %scan3A_79 = arith.constant 40 : i32
    %scan3A_80 = arith.addi %scan3A_78, %scan3A_79 : i32
    %scan3A_81 = arith.constant 1 : i32
    scf.for %scan3A_134 = %scan3A_78 to %scan3A_80 step %scan3A_81  : i32 {
      %mul3A_135 = arith.constant 3 : i32
      %mul3A_136 = arith.muli %mul3A_135, %scan3A_134 : i32
      %dma_wait3A_137 = arith.constant 0 : i32
      %dma_wait3A_138 = tpu.memref_slice %arg8[%mul3A_136, %dma_wait3A_137] : memref<125x80xi32, #tpu.memory_space<vmem>> -> memref<1x80xi32, #tpu.memory_space<vmem>>
      %dma_wait3A_139 = tpu.memref_squeeze %dma_wait3A_138 : memref<1x80xi32, #tpu.memory_space<vmem>> -> memref<80xi32, #tpu.memory_space<vmem>>
      %dma_wait3A_140 = arith.constant 0 : i32
      %dma_wait3A_141 = arith.constant 0 : i32
      %dma_wait3A_142 = tpu.memref_slice %arg6[%dma_wait3A_140, %dma_wait3A_141] : memref<10000x128xf32, #tpu.memory_space<vmem_shared>> -> memref<10000x128xf32, #tpu.memory_space<vmem_shared>>
      tpu.wait_indirect_dma semaphore(%arg17 : memref<!tpu.dma_semaphore, #tpu.memory_space<semaphore_mem>>) src(%arg11 : memref<80x128xf32, #tpu.memory_space<vmem>>) dst(%dma_wait3A_142 : memref<10000x128xf32, #tpu.memory_space<vmem_shared>>)
      %add3A_143 = arith.constant 2 : i32
      %add3A_144 = arith.addi %mul3A_136, %add3A_143 : i32
      %mul3A_145 = arith.constant 80 : i32
      %mul3A_146 = arith.muli %add3A_144, %mul3A_145 : i32
      %dma_start3A_147 = tpu.memref_slice %arg7[%mul3A_146] : memref<10000xi32, #tpu.memory_space<vmem>> -> memref<80xi32, #tpu.memory_space<vmem>>
      %dma_start3A_148 = arith.constant 0 : i32
      %dma_start3A_149 = arith.constant 0 : i32
      %dma_start3A_150 = tpu.memref_slice %arg2[%dma_start3A_148, %dma_start3A_149] : memref<10000x128xf32, #tpu.memory_space<hbm>> -> memref<10000x128xf32, #tpu.memory_space<hbm>>
      tpu.enqueue_indirect_dma source(%dma_start3A_150 : memref<10000x128xf32, #tpu.memory_space<hbm>>) target(%arg11 : memref<80x128xf32, #tpu.memory_space<vmem>>) offsets(%dma_start3A_147 : memref<80xi32, #tpu.memory_space<vmem>>) semaphore(%arg14 : memref<!tpu.dma_semaphore, #tpu.memory_space<semaphore_mem>>)
      %mul3A_151 = arith.constant 80 : i32
      %mul3A_152 = arith.muli %mul3A_136, %mul3A_151 : i32
      %dma_wait3A_153 = tpu.memref_slice %arg7[%mul3A_152] : memref<10000xi32, #tpu.memory_space<vmem>> -> memref<80xi32, #tpu.memory_space<vmem>>
      %dma_wait3A_154 = arith.constant 0 : i32
      %dma_wait3A_155 = arith.constant 0 : i32
      %dma_wait3A_156 = tpu.memref_slice %arg2[%dma_wait3A_154, %dma_wait3A_155] : memref<10000x128xf32, #tpu.memory_space<hbm>> -> memref<10000x128xf32, #tpu.memory_space<hbm>>
      tpu.wait_indirect_dma semaphore(%arg12 : memref<!tpu.dma_semaphore, #tpu.memory_space<semaphore_mem>>) src(%dma_wait3A_156 : memref<10000x128xf32, #tpu.memory_space<hbm>>) dst(%arg9 : memref<80x128xf32, #tpu.memory_space<vmem>>)
      %dma_start3A_157 = arith.constant 0 : i32
      %dma_start3A_158 = tpu.memref_slice %arg8[%mul3A_136, %dma_start3A_157] : memref<125x80xi32, #tpu.memory_space<vmem>> -> memref<1x80xi32, #tpu.memory_space<vmem>>
      %dma_start3A_159 = tpu.memref_squeeze %dma_start3A_158 : memref<1x80xi32, #tpu.memory_space<vmem>> -> memref<80xi32, #tpu.memory_space<vmem>>
      %dma_start3A_160 = arith.constant 0 : i32
      %dma_start3A_161 = arith.constant 0 : i32
      %dma_start3A_162 = tpu.memref_slice %arg6[%dma_start3A_160, %dma_start3A_161] : memref<10000x128xf32, #tpu.memory_space<vmem_shared>> -> memref<10000x128xf32, #tpu.memory_space<vmem_shared>>
      tpu.enqueue_indirect_dma source(%arg9 : memref<80x128xf32, #tpu.memory_space<vmem>>) target(%dma_start3A_162 : memref<10000x128xf32, #tpu.memory_space<vmem_shared>>) offsets(%dma_start3A_159 : memref<80xi32, #tpu.memory_space<vmem>>) semaphore(%arg15 : memref<!tpu.dma_semaphore, #tpu.memory_space<semaphore_mem>>) {add = true}
      %mul3A_163 = arith.constant 3 : i32
      %mul3A_164 = arith.muli %mul3A_163, %scan3A_134 : i32
      %add3A_165 = arith.constant 1 : i32
      %add3A_166 = arith.addi %mul3A_164, %add3A_165 : i32
      %dma_wait3A_167 = arith.constant 0 : i32
      %dma_wait3A_168 = tpu.memref_slice %arg8[%add3A_166, %dma_wait3A_167] : memref<125x80xi32, #tpu.memory_space<vmem>> -> memref<1x80xi32, #tpu.memory_space<vmem>>
      %dma_wait3A_169 = tpu.memref_squeeze %dma_wait3A_168 : memref<1x80xi32, #tpu.memory_space<vmem>> -> memref<80xi32, #tpu.memory_space<vmem>>
      %dma_wait3A_170 = arith.constant 0 : i32
      %dma_wait3A_171 = arith.constant 0 : i32
      %dma_wait3A_172 = tpu.memref_slice %arg6[%dma_wait3A_170, %dma_wait3A_171] : memref<10000x128xf32, #tpu.memory_space<vmem_shared>> -> memref<10000x128xf32, #tpu.memory_space<vmem_shared>>
      tpu.wait_indirect_dma semaphore(%arg15 : memref<!tpu.dma_semaphore, #tpu.memory_space<semaphore_mem>>) src(%arg9 : memref<80x128xf32, #tpu.memory_space<vmem>>) dst(%dma_wait3A_172 : memref<10000x128xf32, #tpu.memory_space<vmem_shared>>)
      %add3A_173 = arith.constant 2 : i32
      %add3A_174 = arith.addi %add3A_166, %add3A_173 : i32
      %mul3A_175 = arith.constant 80 : i32
      %mul3A_176 = arith.muli %add3A_174, %mul3A_175 : i32
      %dma_start3A_177 = tpu.memref_slice %arg7[%mul3A_176] : memref<10000xi32, #tpu.memory_space<vmem>> -> memref<80xi32, #tpu.memory_space<vmem>>
      %dma_start3A_178 = arith.constant 0 : i32
      %dma_start3A_179 = arith.constant 0 : i32
      %dma_start3A_180 = tpu.memref_slice %arg2[%dma_start3A_178, %dma_start3A_179] : memref<10000x128xf32, #tpu.memory_space<hbm>> -> memref<10000x128xf32, #tpu.memory_space<hbm>>
      tpu.enqueue_indirect_dma source(%dma_start3A_180 : memref<10000x128xf32, #tpu.memory_space<hbm>>) target(%arg9 : memref<80x128xf32, #tpu.memory_space<vmem>>) offsets(%dma_start3A_177 : memref<80xi32, #tpu.memory_space<vmem>>) semaphore(%arg12 : memref<!tpu.dma_semaphore, #tpu.memory_space<semaphore_mem>>)
      %mul3A_181 = arith.constant 80 : i32
      %mul3A_182 = arith.muli %add3A_166, %mul3A_181 : i32
      %dma_wait3A_183 = tpu.memref_slice %arg7[%mul3A_182] : memref<10000xi32, #tpu.memory_space<vmem>> -> memref<80xi32, #tpu.memory_space<vmem>>
      %dma_wait3A_184 = arith.constant 0 : i32
      %dma_wait3A_185 = arith.constant 0 : i32
      %dma_wait3A_186 = tpu.memref_slice %arg2[%dma_wait3A_184, %dma_wait3A_185] : memref<10000x128xf32, #tpu.memory_space<hbm>> -> memref<10000x128xf32, #tpu.memory_space<hbm>>
      tpu.wait_indirect_dma semaphore(%arg13 : memref<!tpu.dma_semaphore, #tpu.memory_space<semaphore_mem>>) src(%dma_wait3A_186 : memref<10000x128xf32, #tpu.memory_space<hbm>>) dst(%arg10 : memref<80x128xf32, #tpu.memory_space<vmem>>)
      %dma_start3A_187 = arith.constant 0 : i32
      %dma_start3A_188 = tpu.memref_slice %arg8[%add3A_166, %dma_start3A_187] : memref<125x80xi32, #tpu.memory_space<vmem>> -> memref<1x80xi32, #tpu.memory_space<vmem>>
      %dma_start3A_189 = tpu.memref_squeeze %dma_start3A_188 : memref<1x80xi32, #tpu.memory_space<vmem>> -> memref<80xi32, #tpu.memory_space<vmem>>
      %dma_start3A_190 = arith.constant 0 : i32
      %dma_start3A_191 = arith.constant 0 : i32
      %dma_start3A_192 = tpu.memref_slice %arg6[%dma_start3A_190, %dma_start3A_191] : memref<10000x128xf32, #tpu.memory_space<vmem_shared>> -> memref<10000x128xf32, #tpu.memory_space<vmem_shared>>
      tpu.enqueue_indirect_dma source(%arg10 : memref<80x128xf32, #tpu.memory_space<vmem>>) target(%dma_start3A_192 : memref<10000x128xf32, #tpu.memory_space<vmem_shared>>) offsets(%dma_start3A_189 : memref<80xi32, #tpu.memory_space<vmem>>) semaphore(%arg16 : memref<!tpu.dma_semaphore, #tpu.memory_space<semaphore_mem>>) {add = true}
      %mul3A_193 = arith.constant 3 : i32
      %mul3A_194 = arith.muli %mul3A_193, %scan3A_134 : i32
      %add3A_195 = arith.constant 2 : i32
      %add3A_196 = arith.addi %mul3A_194, %add3A_195 : i32
      %dma_wait3A_197 = arith.constant 0 : i32
      %dma_wait3A_198 = tpu.memref_slice %arg8[%add3A_196, %dma_wait3A_197] : memref<125x80xi32, #tpu.memory_space<vmem>> -> memref<1x80xi32, #tpu.memory_space<vmem>>
      %dma_wait3A_199 = tpu.memref_squeeze %dma_wait3A_198 : memref<1x80xi32, #tpu.memory_space<vmem>> -> memref<80xi32, #tpu.memory_space<vmem>>
      %dma_wait3A_200 = arith.constant 0 : i32
      %dma_wait3A_201 = arith.constant 0 : i32
      %dma_wait3A_202 = tpu.memref_slice %arg6[%dma_wait3A_200, %dma_wait3A_201] : memref<10000x128xf32, #tpu.memory_space<vmem_shared>> -> memref<10000x128xf32, #tpu.memory_space<vmem_shared>>
      tpu.wait_indirect_dma semaphore(%arg16 : memref<!tpu.dma_semaphore, #tpu.memory_space<semaphore_mem>>) src(%arg10 : memref<80x128xf32, #tpu.memory_space<vmem>>) dst(%dma_wait3A_202 : memref<10000x128xf32, #tpu.memory_space<vmem_shared>>)
      %add3A_203 = arith.constant 2 : i32
      %add3A_204 = arith.addi %add3A_196, %add3A_203 : i32
      %mul3A_205 = arith.constant 80 : i32
      %mul3A_206 = arith.muli %add3A_204, %mul3A_205 : i32
      %dma_start3A_207 = tpu.memref_slice %arg7[%mul3A_206] : memref<10000xi32, #tpu.memory_space<vmem>> -> memref<80xi32, #tpu.memory_space<vmem>>
      %dma_start3A_208 = arith.constant 0 : i32
      %dma_start3A_209 = arith.constant 0 : i32
      %dma_start3A_210 = tpu.memref_slice %arg2[%dma_start3A_208, %dma_start3A_209] : memref<10000x128xf32, #tpu.memory_space<hbm>> -> memref<10000x128xf32, #tpu.memory_space<hbm>>
      tpu.enqueue_indirect_dma source(%dma_start3A_210 : memref<10000x128xf32, #tpu.memory_space<hbm>>) target(%arg10 : memref<80x128xf32, #tpu.memory_space<vmem>>) offsets(%dma_start3A_207 : memref<80xi32, #tpu.memory_space<vmem>>) semaphore(%arg13 : memref<!tpu.dma_semaphore, #tpu.memory_space<semaphore_mem>>)
      %mul3A_211 = arith.constant 80 : i32
      %mul3A_212 = arith.muli %add3A_196, %mul3A_211 : i32
      %dma_wait3A_213 = tpu.memref_slice %arg7[%mul3A_212] : memref<10000xi32, #tpu.memory_space<vmem>> -> memref<80xi32, #tpu.memory_space<vmem>>
      %dma_wait3A_214 = arith.constant 0 : i32
      %dma_wait3A_215 = arith.constant 0 : i32
      %dma_wait3A_216 = tpu.memref_slice %arg2[%dma_wait3A_214, %dma_wait3A_215] : memref<10000x128xf32, #tpu.memory_space<hbm>> -> memref<10000x128xf32, #tpu.memory_space<hbm>>
      tpu.wait_indirect_dma semaphore(%arg14 : memref<!tpu.dma_semaphore, #tpu.memory_space<semaphore_mem>>) src(%dma_wait3A_216 : memref<10000x128xf32, #tpu.memory_space<hbm>>) dst(%arg11 : memref<80x128xf32, #tpu.memory_space<vmem>>)
      %dma_start3A_217 = arith.constant 0 : i32
      %dma_start3A_218 = tpu.memref_slice %arg8[%add3A_196, %dma_start3A_217] : memref<125x80xi32, #tpu.memory_space<vmem>> -> memref<1x80xi32, #tpu.memory_space<vmem>>
      %dma_start3A_219 = tpu.memref_squeeze %dma_start3A_218 : memref<1x80xi32, #tpu.memory_space<vmem>> -> memref<80xi32, #tpu.memory_space<vmem>>
      %dma_start3A_220 = arith.constant 0 : i32
      %dma_start3A_221 = arith.constant 0 : i32
      %dma_start3A_222 = tpu.memref_slice %arg6[%dma_start3A_220, %dma_start3A_221] : memref<10000x128xf32, #tpu.memory_space<vmem_shared>> -> memref<10000x128xf32, #tpu.memory_space<vmem_shared>>
      tpu.enqueue_indirect_dma source(%arg11 : memref<80x128xf32, #tpu.memory_space<vmem>>) target(%dma_start3A_222 : memref<10000x128xf32, #tpu.memory_space<vmem_shared>>) offsets(%dma_start3A_219 : memref<80xi32, #tpu.memory_space<vmem>>) semaphore(%arg17 : memref<!tpu.dma_semaphore, #tpu.memory_space<semaphore_mem>>) {add = true}
    }
    %scan3A_82 = arith.constant 40 : i32
    %dma_wait3A_83 = arith.constant 9840 : i32
    %dma_wait3A_84 = tpu.memref_slice %arg7[%dma_wait3A_83] : memref<10000xi32, #tpu.memory_space<vmem>> -> memref<80xi32, #tpu.memory_space<vmem>>
    %dma_wait3A_85 = arith.constant 0 : i32
    %dma_wait3A_86 = arith.constant 0 : i32
    %dma_wait3A_87 = tpu.memref_slice %arg2[%dma_wait3A_85, %dma_wait3A_86] : memref<10000x128xf32, #tpu.memory_space<hbm>> -> memref<10000x128xf32, #tpu.memory_space<hbm>>
    tpu.wait_indirect_dma semaphore(%arg12 : memref<!tpu.dma_semaphore, #tpu.memory_space<semaphore_mem>>) src(%dma_wait3A_87 : memref<10000x128xf32, #tpu.memory_space<hbm>>) dst(%arg9 : memref<80x128xf32, #tpu.memory_space<vmem>>)
    %dma_start3A_88 = arith.constant 123 : i32
    %dma_start3A_89 = arith.constant 0 : i32
    %dma_start3A_90 = tpu.memref_slice %arg8[%dma_start3A_88, %dma_start3A_89] : memref<125x80xi32, #tpu.memory_space<vmem>> -> memref<1x80xi32, #tpu.memory_space<vmem>>
    %dma_start3A_91 = tpu.memref_squeeze %dma_start3A_90 : memref<1x80xi32, #tpu.memory_space<vmem>> -> memref<80xi32, #tpu.memory_space<vmem>>
    %dma_start3A_92 = arith.constant 0 : i32
    %dma_start3A_93 = arith.constant 0 : i32
    %dma_start3A_94 = tpu.memref_slice %arg6[%dma_start3A_92, %dma_start3A_93] : memref<10000x128xf32, #tpu.memory_space<vmem_shared>> -> memref<10000x128xf32, #tpu.memory_space<vmem_shared>>
    tpu.enqueue_indirect_dma source(%arg9 : memref<80x128xf32, #tpu.memory_space<vmem>>) target(%dma_start3A_94 : memref<10000x128xf32, #tpu.memory_space<vmem_shared>>) offsets(%dma_start3A_91 : memref<80xi32, #tpu.memory_space<vmem>>) semaphore(%arg15 : memref<!tpu.dma_semaphore, #tpu.memory_space<semaphore_mem>>) {add = true}
    %dma_wait3A_95 = arith.constant 9920 : i32
    %dma_wait3A_96 = tpu.memref_slice %arg7[%dma_wait3A_95] : memref<10000xi32, #tpu.memory_space<vmem>> -> memref<80xi32, #tpu.memory_space<vmem>>
    %dma_wait3A_97 = arith.constant 0 : i32
    %dma_wait3A_98 = arith.constant 0 : i32
    %dma_wait3A_99 = tpu.memref_slice %arg2[%dma_wait3A_97, %dma_wait3A_98] : memref<10000x128xf32, #tpu.memory_space<hbm>> -> memref<10000x128xf32, #tpu.memory_space<hbm>>
    tpu.wait_indirect_dma semaphore(%arg13 : memref<!tpu.dma_semaphore, #tpu.memory_space<semaphore_mem>>) src(%dma_wait3A_99 : memref<10000x128xf32, #tpu.memory_space<hbm>>) dst(%arg10 : memref<80x128xf32, #tpu.memory_space<vmem>>)
    %dma_start3A_100 = arith.constant 124 : i32
    %dma_start3A_101 = arith.constant 0 : i32
    %dma_start3A_102 = tpu.memref_slice %arg8[%dma_start3A_100, %dma_start3A_101] : memref<125x80xi32, #tpu.memory_space<vmem>> -> memref<1x80xi32, #tpu.memory_space<vmem>>
    %dma_start3A_103 = tpu.memref_squeeze %dma_start3A_102 : memref<1x80xi32, #tpu.memory_space<vmem>> -> memref<80xi32, #tpu.memory_space<vmem>>
    %dma_start3A_104 = arith.constant 0 : i32
    %dma_start3A_105 = arith.constant 0 : i32
    %dma_start3A_106 = tpu.memref_slice %arg6[%dma_start3A_104, %dma_start3A_105] : memref<10000x128xf32, #tpu.memory_space<vmem_shared>> -> memref<10000x128xf32, #tpu.memory_space<vmem_shared>>
    tpu.enqueue_indirect_dma source(%arg10 : memref<80x128xf32, #tpu.memory_space<vmem>>) target(%dma_start3A_106 : memref<10000x128xf32, #tpu.memory_space<vmem_shared>>) offsets(%dma_start3A_103 : memref<80xi32, #tpu.memory_space<vmem>>) semaphore(%arg16 : memref<!tpu.dma_semaphore, #tpu.memory_space<semaphore_mem>>) {add = true}
    %dma_wait3A_107 = arith.constant 122 : i32
    %dma_wait3A_108 = arith.constant 0 : i32
    %dma_wait3A_109 = tpu.memref_slice %arg8[%dma_wait3A_107, %dma_wait3A_108] : memref<125x80xi32, #tpu.memory_space<vmem>> -> memref<1x80xi32, #tpu.memory_space<vmem>>
    %dma_wait3A_110 = tpu.memref_squeeze %dma_wait3A_109 : memref<1x80xi32, #tpu.memory_space<vmem>> -> memref<80xi32, #tpu.memory_space<vmem>>
    %dma_wait3A_111 = arith.constant 0 : i32
    %dma_wait3A_112 = arith.constant 0 : i32
    %dma_wait3A_113 = tpu.memref_slice %arg6[%dma_wait3A_111, %dma_wait3A_112] : memref<10000x128xf32, #tpu.memory_space<vmem_shared>> -> memref<10000x128xf32, #tpu.memory_space<vmem_shared>>
    tpu.wait_indirect_dma semaphore(%arg17 : memref<!tpu.dma_semaphore, #tpu.memory_space<semaphore_mem>>) src(%arg11 : memref<80x128xf32, #tpu.memory_space<vmem>>) dst(%dma_wait3A_113 : memref<10000x128xf32, #tpu.memory_space<vmem_shared>>)
    %dma_wait3A_114 = arith.constant 123 : i32
    %dma_wait3A_115 = arith.constant 0 : i32
    %dma_wait3A_116 = tpu.memref_slice %arg8[%dma_wait3A_114, %dma_wait3A_115] : memref<125x80xi32, #tpu.memory_space<vmem>> -> memref<1x80xi32, #tpu.memory_space<vmem>>
    %dma_wait3A_117 = tpu.memref_squeeze %dma_wait3A_116 : memref<1x80xi32, #tpu.memory_space<vmem>> -> memref<80xi32, #tpu.memory_space<vmem>>
    %dma_wait3A_118 = arith.constant 0 : i32
    %dma_wait3A_119 = arith.constant 0 : i32
    %dma_wait3A_120 = tpu.memref_slice %arg6[%dma_wait3A_118, %dma_wait3A_119] : memref<10000x128xf32, #tpu.memory_space<vmem_shared>> -> memref<10000x128xf32, #tpu.memory_space<vmem_shared>>
    tpu.wait_indirect_dma semaphore(%arg15 : memref<!tpu.dma_semaphore, #tpu.memory_space<semaphore_mem>>) src(%arg9 : memref<80x128xf32, #tpu.memory_space<vmem>>) dst(%dma_wait3A_120 : memref<10000x128xf32, #tpu.memory_space<vmem_shared>>)
    %dma_wait3A_121 = arith.constant 124 : i32
    %dma_wait3A_122 = arith.constant 0 : i32
    %dma_wait3A_123 = tpu.memref_slice %arg8[%dma_wait3A_121, %dma_wait3A_122] : memref<125x80xi32, #tpu.memory_space<vmem>> -> memref<1x80xi32, #tpu.memory_space<vmem>>
    %dma_wait3A_124 = tpu.memref_squeeze %dma_wait3A_123 : memref<1x80xi32, #tpu.memory_space<vmem>> -> memref<80xi32, #tpu.memory_space<vmem>>
    %dma_wait3A_125 = arith.constant 0 : i32
    %dma_wait3A_126 = arith.constant 0 : i32
    %dma_wait3A_127 = tpu.memref_slice %arg6[%dma_wait3A_125, %dma_wait3A_126] : memref<10000x128xf32, #tpu.memory_space<vmem_shared>> -> memref<10000x128xf32, #tpu.memory_space<vmem_shared>>
    tpu.wait_indirect_dma semaphore(%arg16 : memref<!tpu.dma_semaphore, #tpu.memory_space<semaphore_mem>>) src(%arg10 : memref<80x128xf32, #tpu.memory_space<vmem>>) dst(%dma_wait3A_127 : memref<10000x128xf32, #tpu.memory_space<vmem_shared>>)
    %barrier3A_128 = arith.constant 0 : index
    tpu.barrier barrier_id(%barrier3A_128)
    "tpu.region"() ({
      %run_scoped3A = tpu.sem_alloc : memref<!tpu.dma_semaphore, #tpu.memory_space<semaphore_mem>>
      %dma_start3A_134 = arith.constant 0 : i32
      %dma_start3A_135 = tpu.memref_slice %arg5[%arg0, %mul3A_11, %dma_start3A_134] : memref<2x10000x128xf32, #tpu.memory_space<hbm>> -> memref<1x624x128xf32, #tpu.memory_space<hbm>>
      %dma_start3A_136 = tpu.memref_squeeze %dma_start3A_135 : memref<1x624x128xf32, #tpu.memory_space<hbm>> -> memref<624x128xf32, #tpu.memory_space<hbm>>
      %dma_start3A_137 = arith.constant 0 : i32
      %dma_start3A_138 = tpu.memref_slice %arg6[%mul3A_11, %dma_start3A_137] : memref<10000x128xf32, #tpu.memory_space<vmem_shared>> -> memref<624x128xf32, #tpu.memory_space<vmem_shared>>
      tpu.enqueue_dma source(%dma_start3A_138 : memref<624x128xf32, #tpu.memory_space<vmem_shared>>) target(%dma_start3A_136 : memref<624x128xf32, #tpu.memory_space<hbm>>) target_semaphore(%run_scoped3A : memref<!tpu.dma_semaphore, #tpu.memory_space<semaphore_mem>>)
      %dma_wait3A_139 = arith.constant 0 : i32
      %dma_wait3A_140 = tpu.memref_slice %arg5[%arg0, %mul3A_11, %dma_wait3A_139] : memref<2x10000x128xf32, #tpu.memory_space<hbm>> -> memref<1x624x128xf32, #tpu.memory_space<hbm>>
      %dma_wait3A_141 = tpu.memref_squeeze %dma_wait3A_140 : memref<1x624x128xf32, #tpu.memory_space<hbm>> -> memref<624x128xf32, #tpu.memory_space<hbm>>
      %dma_wait3A_142 = arith.constant 0 : i32
      %dma_wait3A_143 = tpu.memref_slice %arg6[%mul3A_11, %dma_wait3A_142] : memref<10000x128xf32, #tpu.memory_space<vmem_shared>> -> memref<624x128xf32, #tpu.memory_space<vmem_shared>>
      tpu.wait_dma2 semaphore(%run_scoped3A : memref<!tpu.dma_semaphore, #tpu.memory_space<semaphore_mem>>) src(%dma_wait3A_143 : memref<624x128xf32, #tpu.memory_space<vmem_shared>>) dst(%dma_wait3A_141 : memref<624x128xf32, #tpu.memory_space<hbm>>)
      tpu.yield
    }) : () -> ()
    %eq3A_129 = arith.constant 15 : i32
    %eq3A_130 = arith.cmpi eq, %arg1, %eq3A_129 : i32
    %convert_element_type3A_131 = arith.extui %eq3A_130 : i1 to i32
    %cond3A_132 = arith.constant 0 : i32
    %cond3A_133 = arith.cmpi ne, %convert_element_type3A_131, %cond3A_132 : i32
    scf.if %cond3A_133 {
      "tpu.region"() ({
        %run_scoped3A = tpu.sem_alloc : memref<!tpu.dma_semaphore, #tpu.memory_space<semaphore_mem>>
        %dma_start3A_134 = arith.constant 9984 : i32
        %dma_start3A_135 = arith.constant 0 : i32
        %dma_start3A_136 = tpu.memref_slice %arg5[%arg0, %dma_start3A_134, %dma_start3A_135] : memref<2x10000x128xf32, #tpu.memory_space<hbm>> -> memref<1x16x128xf32, #tpu.memory_space<hbm>>
        %dma_start3A_137 = tpu.memref_squeeze %dma_start3A_136 : memref<1x16x128xf32, #tpu.memory_space<hbm>> -> memref<16x128xf32, #tpu.memory_space<hbm>>
        %dma_start3A_138 = arith.constant 9984 : i32
        %dma_start3A_139 = arith.constant 0 : i32
        %dma_start3A_140 = tpu.memref_slice %arg6[%dma_start3A_138, %dma_start3A_139] : memref<10000x128xf32, #tpu.memory_space<vmem_shared>> -> memref<16x128xf32, #tpu.memory_space<vmem_shared>>
        tpu.enqueue_dma source(%dma_start3A_140 : memref<16x128xf32, #tpu.memory_space<vmem_shared>>) target(%dma_start3A_137 : memref<16x128xf32, #tpu.memory_space<hbm>>) target_semaphore(%run_scoped3A : memref<!tpu.dma_semaphore, #tpu.memory_space<semaphore_mem>>)
        %dma_wait3A_141 = arith.constant 9984 : i32
        %dma_wait3A_142 = arith.constant 0 : i32
        %dma_wait3A_143 = tpu.memref_slice %arg5[%arg0, %dma_wait3A_141, %dma_wait3A_142] : memref<2x10000x128xf32, #tpu.memory_space<hbm>> -> memref<1x16x128xf32, #tpu.memory_space<hbm>>
        %dma_wait3A_144 = tpu.memref_squeeze %dma_wait3A_143 : memref<1x16x128xf32, #tpu.memory_space<hbm>> -> memref<16x128xf32, #tpu.memory_space<hbm>>
        %dma_wait3A_145 = arith.constant 9984 : i32
        %dma_wait3A_146 = arith.constant 0 : i32
        %dma_wait3A_147 = tpu.memref_slice %arg6[%dma_wait3A_145, %dma_wait3A_146] : memref<10000x128xf32, #tpu.memory_space<vmem_shared>> -> memref<16x128xf32, #tpu.memory_space<vmem_shared>>
        tpu.wait_dma2 semaphore(%run_scoped3A : memref<!tpu.dma_semaphore, #tpu.memory_space<semaphore_mem>>) src(%dma_wait3A_147 : memref<16x128xf32, #tpu.memory_space<vmem_shared>>) dst(%dma_wait3A_144 : memref<16x128xf32, #tpu.memory_space<hbm>>)
        tpu.yield
      }) : () -> ()
    } else {
    }
    return
  }
}

#map = affine_map<(d0, d1) -> (0, 0)>
#map1 = affine_map<(d0, d1) -> (0, 0, 0)>
module attributes {stable_mosaic.version = 14 : i64} {
  func.func @_sc_agg_body(%arg0: i32, %arg1: i32, %arg2: memref<10000x128xf32, #tpu.memory_space<hbm>>, %arg3: memref<32x10000xi32, #tpu.memory_space<hbm>>, %arg4: memref<32x125x80xi32, #tpu.memory_space<hbm>>, %arg5: memref<2x10000x128xf32, #tpu.memory_space<hbm>>, %arg6: memref<10000x128xf32, #tpu.memory_space<vmem_shared>>, %arg7: memref<10000xi32, #tpu.memory_space<vmem>>, %arg8: memref<125x80xi32, #tpu.memory_space<vmem>>, %arg9: memref<80x128xf32, #tpu.memory_space<vmem>>, %arg10: memref<80x128xf32, #tpu.memory_space<vmem>>, %arg11: memref<80x128xf32, #tpu.memory_space<vmem>>, %arg12: memref<!tpu.dma_semaphore, #tpu.memory_space<semaphore_mem>>, %arg13: memref<!tpu.dma_semaphore, #tpu.memory_space<semaphore_mem>>, %arg14: memref<!tpu.dma_semaphore, #tpu.memory_space<semaphore_mem>>, %arg15: memref<!tpu.dma_semaphore, #tpu.memory_space<semaphore_mem>>, %arg16: memref<!tpu.dma_semaphore, #tpu.memory_space<semaphore_mem>>, %arg17: memref<!tpu.dma_semaphore, #tpu.memory_space<semaphore_mem>>) attributes {dimension_semantics = [#tpu.dimension_semantics<core_parallel>, #tpu.dimension_semantics<subcore_parallel>], iteration_bounds = array<i64: 2, 16>, scalar_prefetch = 0 : i64, scratch_operands = 12 : i64, tpu.core_type = #tpu.core_type<sc_vector_subcore>, window_params = [{transform_indices = #map}, {transform_indices = #map}, {transform_indices = #map1}, {transform_indices = #map1}]} {
    %mul3A = arith.constant 2 : i32
    %mul3A_0 = arith.muli %arg1, %mul3A : i32
    %add3A = arith.addi %mul3A_0, %arg0 : i32
    "tpu.region"() ({
      %run_scoped3A = tpu.sem_alloc : memref<!tpu.dma_semaphore, #tpu.memory_space<semaphore_mem>>
      %dma_start3A_134 = arith.constant 0 : i32
      %dma_start3A_135 = tpu.memref_slice %arg3[%add3A, %dma_start3A_134] : memref<32x10000xi32, #tpu.memory_space<hbm>> -> memref<1x10000xi32, #tpu.memory_space<hbm>>
      %dma_start3A_136 = tpu.memref_squeeze %dma_start3A_135 : memref<1x10000xi32, #tpu.memory_space<hbm>> -> memref<10000xi32, #tpu.memory_space<hbm>>
      %dma_start3A_137 = arith.constant 0 : i32
      %dma_start3A_138 = tpu.memref_slice %arg3[%add3A, %dma_start3A_137] : memref<32x10000xi32, #tpu.memory_space<hbm>> -> memref<1x10000xi32, #tpu.memory_space<hbm>>
      %dma_start3A_139 = tpu.memref_squeeze %dma_start3A_138 : memref<1x10000xi32, #tpu.memory_space<hbm>> -> memref<10000xi32, #tpu.memory_space<hbm>>
      tpu.enqueue_dma source(%dma_start3A_139 : memref<10000xi32, #tpu.memory_space<hbm>>) target(%arg7 : memref<10000xi32, #tpu.memory_space<vmem>>) target_semaphore(%run_scoped3A : memref<!tpu.dma_semaphore, #tpu.memory_space<semaphore_mem>>)
      %dma_wait3A_140 = arith.constant 0 : i32
      %dma_wait3A_141 = tpu.memref_slice %arg3[%add3A, %dma_wait3A_140] : memref<32x10000xi32, #tpu.memory_space<hbm>> -> memref<1x10000xi32, #tpu.memory_space<hbm>>
      %dma_wait3A_142 = tpu.memref_squeeze %dma_wait3A_141 : memref<1x10000xi32, #tpu.memory_space<hbm>> -> memref<10000xi32, #tpu.memory_space<hbm>>
      %dma_wait3A_143 = arith.constant 0 : i32
      %dma_wait3A_144 = tpu.memref_slice %arg3[%add3A, %dma_wait3A_143] : memref<32x10000xi32, #tpu.memory_space<hbm>> -> memref<1x10000xi32, #tpu.memory_space<hbm>>
      %dma_wait3A_145 = tpu.memref_squeeze %dma_wait3A_144 : memref<1x10000xi32, #tpu.memory_space<hbm>> -> memref<10000xi32, #tpu.memory_space<hbm>>
      tpu.wait_dma2 semaphore(%run_scoped3A : memref<!tpu.dma_semaphore, #tpu.memory_space<semaphore_mem>>) src(%dma_wait3A_145 : memref<10000xi32, #tpu.memory_space<hbm>>) dst(%arg7 : memref<10000xi32, #tpu.memory_space<vmem>>)
      tpu.yield
    }) : () -> ()
    "tpu.region"() ({
      %run_scoped3A = tpu.sem_alloc : memref<!tpu.dma_semaphore, #tpu.memory_space<semaphore_mem>>
      %dma_start3A_134 = arith.constant 0 : i32
      %dma_start3A_135 = arith.constant 0 : i32
      %dma_start3A_136 = tpu.memref_slice %arg4[%add3A, %dma_start3A_134, %dma_start3A_135] : memref<32x125x80xi32, #tpu.memory_space<hbm>> -> memref<1x125x80xi32, #tpu.memory_space<hbm>>
      %dma_start3A_137 = tpu.memref_squeeze %dma_start3A_136 : memref<1x125x80xi32, #tpu.memory_space<hbm>> -> memref<125x80xi32, #tpu.memory_space<hbm>>
      %dma_start3A_138 = arith.constant 0 : i32
      %dma_start3A_139 = arith.constant 0 : i32
      %dma_start3A_140 = tpu.memref_slice %arg4[%add3A, %dma_start3A_138, %dma_start3A_139] : memref<32x125x80xi32, #tpu.memory_space<hbm>> -> memref<1x125x80xi32, #tpu.memory_space<hbm>>
      %dma_start3A_141 = tpu.memref_squeeze %dma_start3A_140 : memref<1x125x80xi32, #tpu.memory_space<hbm>> -> memref<125x80xi32, #tpu.memory_space<hbm>>
      tpu.enqueue_dma source(%dma_start3A_141 : memref<125x80xi32, #tpu.memory_space<hbm>>) target(%arg8 : memref<125x80xi32, #tpu.memory_space<vmem>>) target_semaphore(%run_scoped3A : memref<!tpu.dma_semaphore, #tpu.memory_space<semaphore_mem>>)
      %dma_wait3A_142 = arith.constant 0 : i32
      %dma_wait3A_143 = arith.constant 0 : i32
      %dma_wait3A_144 = tpu.memref_slice %arg4[%add3A, %dma_wait3A_142, %dma_wait3A_143] : memref<32x125x80xi32, #tpu.memory_space<hbm>> -> memref<1x125x80xi32, #tpu.memory_space<hbm>>
      %dma_wait3A_145 = tpu.memref_squeeze %dma_wait3A_144 : memref<1x125x80xi32, #tpu.memory_space<hbm>> -> memref<125x80xi32, #tpu.memory_space<hbm>>
      %dma_wait3A_146 = arith.constant 0 : i32
      %dma_wait3A_147 = arith.constant 0 : i32
      %dma_wait3A_148 = tpu.memref_slice %arg4[%add3A, %dma_wait3A_146, %dma_wait3A_147] : memref<32x125x80xi32, #tpu.memory_space<hbm>> -> memref<1x125x80xi32, #tpu.memory_space<hbm>>
      %dma_wait3A_149 = tpu.memref_squeeze %dma_wait3A_148 : memref<1x125x80xi32, #tpu.memory_space<hbm>> -> memref<125x80xi32, #tpu.memory_space<hbm>>
      tpu.wait_dma2 semaphore(%run_scoped3A : memref<!tpu.dma_semaphore, #tpu.memory_space<semaphore_mem>>) src(%dma_wait3A_149 : memref<125x80xi32, #tpu.memory_space<hbm>>) dst(%arg8 : memref<125x80xi32, #tpu.memory_space<vmem>>)
      tpu.yield
    }) : () -> ()
    %dma_start3A = arith.constant 0 : i32
    %dma_start3A_1 = tpu.memref_slice %arg7[%dma_start3A] : memref<10000xi32, #tpu.memory_space<vmem>> -> memref<80xi32, #tpu.memory_space<vmem>>
    %dma_start3A_2 = arith.constant 0 : i32
    %dma_start3A_3 = arith.constant 0 : i32
    %dma_start3A_4 = tpu.memref_slice %arg2[%dma_start3A_2, %dma_start3A_3] : memref<10000x128xf32, #tpu.memory_space<hbm>> -> memref<10000x128xf32, #tpu.memory_space<hbm>>
    tpu.enqueue_indirect_dma source(%dma_start3A_4 : memref<10000x128xf32, #tpu.memory_space<hbm>>) target(%arg9 : memref<80x128xf32, #tpu.memory_space<vmem>>) offsets(%dma_start3A_1 : memref<80xi32, #tpu.memory_space<vmem>>) semaphore(%arg12 : memref<!tpu.dma_semaphore, #tpu.memory_space<semaphore_mem>>)
    %dma_start3A_5 = arith.constant 80 : i32
    %dma_start3A_6 = tpu.memref_slice %arg7[%dma_start3A_5] : memref<10000xi32, #tpu.memory_space<vmem>> -> memref<80xi32, #tpu.memory_space<vmem>>
    %dma_start3A_7 = arith.constant 0 : i32
    %dma_start3A_8 = arith.constant 0 : i32
    %dma_start3A_9 = tpu.memref_slice %arg2[%dma_start3A_7, %dma_start3A_8] : memref<10000x128xf32, #tpu.memory_space<hbm>> -> memref<10000x128xf32, #tpu.memory_space<hbm>>
    tpu.enqueue_indirect_dma source(%dma_start3A_9 : memref<10000x128xf32, #tpu.memory_space<hbm>>) target(%arg10 : memref<80x128xf32, #tpu.memory_space<vmem>>) offsets(%dma_start3A_6 : memref<80xi32, #tpu.memory_space<vmem>>) semaphore(%arg13 : memref<!tpu.dma_semaphore, #tpu.memory_space<semaphore_mem>>)
    %mul3A_10 = arith.constant 624 : i32
    %mul3A_11 = arith.muli %arg1, %mul3A_10 : i32
    "tpu.region"() ({
      %run_scoped3A = tpu.sem_alloc : memref<!tpu.dma_semaphore, #tpu.memory_space<semaphore_mem>>
      %dma_start3A_134 = arith.constant 0 : i32
      %dma_start3A_135 = tpu.memref_slice %arg6[%mul3A_11, %dma_start3A_134] : memref<10000x128xf32, #tpu.memory_space<vmem_shared>> -> memref<624x128xf32, #tpu.memory_space<vmem_shared>>
      %dma_start3A_136 = arith.constant 0 : i32
      %dma_start3A_137 = tpu.memref_slice %arg2[%mul3A_11, %dma_start3A_136] : memref<10000x128xf32, #tpu.memory_space<hbm>> -> memref<624x128xf32, #tpu.memory_space<hbm>>
      tpu.enqueue_dma source(%dma_start3A_137 : memref<624x128xf32, #tpu.memory_space<hbm>>) target(%dma_start3A_135 : memref<624x128xf32, #tpu.memory_space<vmem_shared>>) target_semaphore(%run_scoped3A : memref<!tpu.dma_semaphore, #tpu.memory_space<semaphore_mem>>)
      %dma_wait3A_138 = arith.constant 0 : i32
      %dma_wait3A_139 = tpu.memref_slice %arg6[%mul3A_11, %dma_wait3A_138] : memref<10000x128xf32, #tpu.memory_space<vmem_shared>> -> memref<624x128xf32, #tpu.memory_space<vmem_shared>>
      %dma_wait3A_140 = arith.constant 0 : i32
      %dma_wait3A_141 = tpu.memref_slice %arg2[%mul3A_11, %dma_wait3A_140] : memref<10000x128xf32, #tpu.memory_space<hbm>> -> memref<624x128xf32, #tpu.memory_space<hbm>>
      tpu.wait_dma2 semaphore(%run_scoped3A : memref<!tpu.dma_semaphore, #tpu.memory_space<semaphore_mem>>) src(%dma_wait3A_141 : memref<624x128xf32, #tpu.memory_space<hbm>>) dst(%dma_wait3A_139 : memref<624x128xf32, #tpu.memory_space<vmem_shared>>)
      tpu.yield
    }) : () -> ()
    %eq3A = arith.constant 15 : i32
    %eq3A_12 = arith.cmpi eq, %arg1, %eq3A : i32
    %convert_element_type3A = arith.extui %eq3A_12 : i1 to i32
    %cond3A = arith.constant 0 : i32
    %cond3A_13 = arith.cmpi ne, %convert_element_type3A, %cond3A : i32
    scf.if %cond3A_13 {
      "tpu.region"() ({
        %run_scoped3A = tpu.sem_alloc : memref<!tpu.dma_semaphore, #tpu.memory_space<semaphore_mem>>
        %dma_start3A_134 = arith.constant 9984 : i32
        %dma_start3A_135 = arith.constant 0 : i32
        %dma_start3A_136 = tpu.memref_slice %arg6[%dma_start3A_134, %dma_start3A_135] : memref<10000x128xf32, #tpu.memory_space<vmem_shared>> -> memref<16x128xf32, #tpu.memory_space<vmem_shared>>
        %dma_start3A_137 = arith.constant 9984 : i32
        %dma_start3A_138 = arith.constant 0 : i32
        %dma_start3A_139 = tpu.memref_slice %arg2[%dma_start3A_137, %dma_start3A_138] : memref<10000x128xf32, #tpu.memory_space<hbm>> -> memref<16x128xf32, #tpu.memory_space<hbm>>
        tpu.enqueue_dma source(%dma_start3A_139 : memref<16x128xf32, #tpu.memory_space<hbm>>) target(%dma_start3A_136 : memref<16x128xf32, #tpu.memory_space<vmem_shared>>) target_semaphore(%run_scoped3A : memref<!tpu.dma_semaphore, #tpu.memory_space<semaphore_mem>>)
        %dma_wait3A_140 = arith.constant 9984 : i32
        %dma_wait3A_141 = arith.constant 0 : i32
        %dma_wait3A_142 = tpu.memref_slice %arg6[%dma_wait3A_140, %dma_wait3A_141] : memref<10000x128xf32, #tpu.memory_space<vmem_shared>> -> memref<16x128xf32, #tpu.memory_space<vmem_shared>>
        %dma_wait3A_143 = arith.constant 9984 : i32
        %dma_wait3A_144 = arith.constant 0 : i32
        %dma_wait3A_145 = tpu.memref_slice %arg2[%dma_wait3A_143, %dma_wait3A_144] : memref<10000x128xf32, #tpu.memory_space<hbm>> -> memref<16x128xf32, #tpu.memory_space<hbm>>
        tpu.wait_dma2 semaphore(%run_scoped3A : memref<!tpu.dma_semaphore, #tpu.memory_space<semaphore_mem>>) src(%dma_wait3A_145 : memref<16x128xf32, #tpu.memory_space<hbm>>) dst(%dma_wait3A_142 : memref<16x128xf32, #tpu.memory_space<vmem_shared>>)
        tpu.yield
      }) : () -> ()
    } else {
    }
    %barrier3A = arith.constant 0 : index
    tpu.barrier barrier_id(%barrier3A)
    %dma_start3A_14 = arith.constant 160 : i32
    %dma_start3A_15 = tpu.memref_slice %arg7[%dma_start3A_14] : memref<10000xi32, #tpu.memory_space<vmem>> -> memref<80xi32, #tpu.memory_space<vmem>>
    %dma_start3A_16 = arith.constant 0 : i32
    %dma_start3A_17 = arith.constant 0 : i32
    %dma_start3A_18 = tpu.memref_slice %arg2[%dma_start3A_16, %dma_start3A_17] : memref<10000x128xf32, #tpu.memory_space<hbm>> -> memref<10000x128xf32, #tpu.memory_space<hbm>>
    tpu.enqueue_indirect_dma source(%dma_start3A_18 : memref<10000x128xf32, #tpu.memory_space<hbm>>) target(%arg11 : memref<80x128xf32, #tpu.memory_space<vmem>>) offsets(%dma_start3A_15 : memref<80xi32, #tpu.memory_space<vmem>>) semaphore(%arg14 : memref<!tpu.dma_semaphore, #tpu.memory_space<semaphore_mem>>)
    %dma_wait3A = arith.constant 0 : i32
    %dma_wait3A_19 = tpu.memref_slice %arg7[%dma_wait3A] : memref<10000xi32, #tpu.memory_space<vmem>> -> memref<80xi32, #tpu.memory_space<vmem>>
    %dma_wait3A_20 = arith.constant 0 : i32
    %dma_wait3A_21 = arith.constant 0 : i32
    %dma_wait3A_22 = tpu.memref_slice %arg2[%dma_wait3A_20, %dma_wait3A_21] : memref<10000x128xf32, #tpu.memory_space<hbm>> -> memref<10000x128xf32, #tpu.memory_space<hbm>>
    tpu.wait_indirect_dma semaphore(%arg12 : memref<!tpu.dma_semaphore, #tpu.memory_space<semaphore_mem>>) src(%dma_wait3A_22 : memref<10000x128xf32, #tpu.memory_space<hbm>>) dst(%arg9 : memref<80x128xf32, #tpu.memory_space<vmem>>)
    %dma_start3A_23 = arith.constant 0 : i32
    %dma_start3A_24 = arith.constant 0 : i32
    %dma_start3A_25 = tpu.memref_slice %arg8[%dma_start3A_23, %dma_start3A_24] : memref<125x80xi32, #tpu.memory_space<vmem>> -> memref<1x80xi32, #tpu.memory_space<vmem>>
    %dma_start3A_26 = tpu.memref_squeeze %dma_start3A_25 : memref<1x80xi32, #tpu.memory_space<vmem>> -> memref<80xi32, #tpu.memory_space<vmem>>
    %dma_start3A_27 = arith.constant 0 : i32
    %dma_start3A_28 = arith.constant 0 : i32
    %dma_start3A_29 = tpu.memref_slice %arg6[%dma_start3A_27, %dma_start3A_28] : memref<10000x128xf32, #tpu.memory_space<vmem_shared>> -> memref<10000x128xf32, #tpu.memory_space<vmem_shared>>
    tpu.enqueue_indirect_dma source(%arg9 : memref<80x128xf32, #tpu.memory_space<vmem>>) target(%dma_start3A_29 : memref<10000x128xf32, #tpu.memory_space<vmem_shared>>) offsets(%dma_start3A_26 : memref<80xi32, #tpu.memory_space<vmem>>) semaphore(%arg15 : memref<!tpu.dma_semaphore, #tpu.memory_space<semaphore_mem>>) {add = true}
    %dma_wait3A_30 = arith.constant 1 : i32
    %dma_wait3A_31 = arith.constant 0 : i32
    %dma_wait3A_32 = tpu.memref_slice %arg8[%dma_wait3A_30, %dma_wait3A_31] : memref<125x80xi32, #tpu.memory_space<vmem>> -> memref<1x80xi32, #tpu.memory_space<vmem>>
    %dma_wait3A_33 = tpu.memref_squeeze %dma_wait3A_32 : memref<1x80xi32, #tpu.memory_space<vmem>> -> memref<80xi32, #tpu.memory_space<vmem>>
    %dma_wait3A_34 = arith.constant 0 : i32
    %dma_wait3A_35 = arith.constant 0 : i32
    %dma_wait3A_36 = tpu.memref_slice %arg6[%dma_wait3A_34, %dma_wait3A_35] : memref<10000x128xf32, #tpu.memory_space<vmem_shared>> -> memref<10000x128xf32, #tpu.memory_space<vmem_shared>>
    tpu.wait_indirect_dma semaphore(%arg15 : memref<!tpu.dma_semaphore, #tpu.memory_space<semaphore_mem>>) src(%arg9 : memref<80x128xf32, #tpu.memory_space<vmem>>) dst(%dma_wait3A_36 : memref<10000x128xf32, #tpu.memory_space<vmem_shared>>)
    %dma_start3A_37 = arith.constant 240 : i32
    %dma_start3A_38 = tpu.memref_slice %arg7[%dma_start3A_37] : memref<10000xi32, #tpu.memory_space<vmem>> -> memref<80xi32, #tpu.memory_space<vmem>>
    %dma_start3A_39 = arith.constant 0 : i32
    %dma_start3A_40 = arith.constant 0 : i32
    %dma_start3A_41 = tpu.memref_slice %arg2[%dma_start3A_39, %dma_start3A_40] : memref<10000x128xf32, #tpu.memory_space<hbm>> -> memref<10000x128xf32, #tpu.memory_space<hbm>>
    tpu.enqueue_indirect_dma source(%dma_start3A_41 : memref<10000x128xf32, #tpu.memory_space<hbm>>) target(%arg9 : memref<80x128xf32, #tpu.memory_space<vmem>>) offsets(%dma_start3A_38 : memref<80xi32, #tpu.memory_space<vmem>>) semaphore(%arg12 : memref<!tpu.dma_semaphore, #tpu.memory_space<semaphore_mem>>)
    %dma_wait3A_42 = arith.constant 80 : i32
    %dma_wait3A_43 = tpu.memref_slice %arg7[%dma_wait3A_42] : memref<10000xi32, #tpu.memory_space<vmem>> -> memref<80xi32, #tpu.memory_space<vmem>>
    %dma_wait3A_44 = arith.constant 0 : i32
    %dma_wait3A_45 = arith.constant 0 : i32
    %dma_wait3A_46 = tpu.memref_slice %arg2[%dma_wait3A_44, %dma_wait3A_45] : memref<10000x128xf32, #tpu.memory_space<hbm>> -> memref<10000x128xf32, #tpu.memory_space<hbm>>
    tpu.wait_indirect_dma semaphore(%arg13 : memref<!tpu.dma_semaphore, #tpu.memory_space<semaphore_mem>>) src(%dma_wait3A_46 : memref<10000x128xf32, #tpu.memory_space<hbm>>) dst(%arg10 : memref<80x128xf32, #tpu.memory_space<vmem>>)
    %dma_start3A_47 = arith.constant 1 : i32
    %dma_start3A_48 = arith.constant 0 : i32
    %dma_start3A_49 = tpu.memref_slice %arg8[%dma_start3A_47, %dma_start3A_48] : memref<125x80xi32, #tpu.memory_space<vmem>> -> memref<1x80xi32, #tpu.memory_space<vmem>>
    %dma_start3A_50 = tpu.memref_squeeze %dma_start3A_49 : memref<1x80xi32, #tpu.memory_space<vmem>> -> memref<80xi32, #tpu.memory_space<vmem>>
    %dma_start3A_51 = arith.constant 0 : i32
    %dma_start3A_52 = arith.constant 0 : i32
    %dma_start3A_53 = tpu.memref_slice %arg6[%dma_start3A_51, %dma_start3A_52] : memref<10000x128xf32, #tpu.memory_space<vmem_shared>> -> memref<10000x128xf32, #tpu.memory_space<vmem_shared>>
    tpu.enqueue_indirect_dma source(%arg10 : memref<80x128xf32, #tpu.memory_space<vmem>>) target(%dma_start3A_53 : memref<10000x128xf32, #tpu.memory_space<vmem_shared>>) offsets(%dma_start3A_50 : memref<80xi32, #tpu.memory_space<vmem>>) semaphore(%arg16 : memref<!tpu.dma_semaphore, #tpu.memory_space<semaphore_mem>>) {add = true}
    %dma_wait3A_54 = arith.constant 2 : i32
    %dma_wait3A_55 = arith.constant 0 : i32
    %dma_wait3A_56 = tpu.memref_slice %arg8[%dma_wait3A_54, %dma_wait3A_55] : memref<125x80xi32, #tpu.memory_space<vmem>> -> memref<1x80xi32, #tpu.memory_space<vmem>>
    %dma_wait3A_57 = tpu.memref_squeeze %dma_wait3A_56 : memref<1x80xi32, #tpu.memory_space<vmem>> -> memref<80xi32, #tpu.memory_space<vmem>>
    %dma_wait3A_58 = arith.constant 0 : i32
    %dma_wait3A_59 = arith.constant 0 : i32
    %dma_wait3A_60 = tpu.memref_slice %arg6[%dma_wait3A_58, %dma_wait3A_59] : memref<10000x128xf32, #tpu.memory_space<vmem_shared>> -> memref<10000x128xf32, #tpu.memory_space<vmem_shared>>
    tpu.wait_indirect_dma semaphore(%arg16 : memref<!tpu.dma_semaphore, #tpu.memory_space<semaphore_mem>>) src(%arg10 : memref<80x128xf32, #tpu.memory_space<vmem>>) dst(%dma_wait3A_60 : memref<10000x128xf32, #tpu.memory_space<vmem_shared>>)
    %dma_start3A_61 = arith.constant 320 : i32
    %dma_start3A_62 = tpu.memref_slice %arg7[%dma_start3A_61] : memref<10000xi32, #tpu.memory_space<vmem>> -> memref<80xi32, #tpu.memory_space<vmem>>
    %dma_start3A_63 = arith.constant 0 : i32
    %dma_start3A_64 = arith.constant 0 : i32
    %dma_start3A_65 = tpu.memref_slice %arg2[%dma_start3A_63, %dma_start3A_64] : memref<10000x128xf32, #tpu.memory_space<hbm>> -> memref<10000x128xf32, #tpu.memory_space<hbm>>
    tpu.enqueue_indirect_dma source(%dma_start3A_65 : memref<10000x128xf32, #tpu.memory_space<hbm>>) target(%arg10 : memref<80x128xf32, #tpu.memory_space<vmem>>) offsets(%dma_start3A_62 : memref<80xi32, #tpu.memory_space<vmem>>) semaphore(%arg13 : memref<!tpu.dma_semaphore, #tpu.memory_space<semaphore_mem>>)
    %dma_wait3A_66 = arith.constant 160 : i32
    %dma_wait3A_67 = tpu.memref_slice %arg7[%dma_wait3A_66] : memref<10000xi32, #tpu.memory_space<vmem>> -> memref<80xi32, #tpu.memory_space<vmem>>
    %dma_wait3A_68 = arith.constant 0 : i32
    %dma_wait3A_69 = arith.constant 0 : i32
    %dma_wait3A_70 = tpu.memref_slice %arg2[%dma_wait3A_68, %dma_wait3A_69] : memref<10000x128xf32, #tpu.memory_space<hbm>> -> memref<10000x128xf32, #tpu.memory_space<hbm>>
    tpu.wait_indirect_dma semaphore(%arg14 : memref<!tpu.dma_semaphore, #tpu.memory_space<semaphore_mem>>) src(%dma_wait3A_70 : memref<10000x128xf32, #tpu.memory_space<hbm>>) dst(%arg11 : memref<80x128xf32, #tpu.memory_space<vmem>>)
    %dma_start3A_71 = arith.constant 2 : i32
    %dma_start3A_72 = arith.constant 0 : i32
    %dma_start3A_73 = tpu.memref_slice %arg8[%dma_start3A_71, %dma_start3A_72] : memref<125x80xi32, #tpu.memory_space<vmem>> -> memref<1x80xi32, #tpu.memory_space<vmem>>
    %dma_start3A_74 = tpu.memref_squeeze %dma_start3A_73 : memref<1x80xi32, #tpu.memory_space<vmem>> -> memref<80xi32, #tpu.memory_space<vmem>>
    %dma_start3A_75 = arith.constant 0 : i32
    %dma_start3A_76 = arith.constant 0 : i32
    %dma_start3A_77 = tpu.memref_slice %arg6[%dma_start3A_75, %dma_start3A_76] : memref<10000x128xf32, #tpu.memory_space<vmem_shared>> -> memref<10000x128xf32, #tpu.memory_space<vmem_shared>>
    tpu.enqueue_indirect_dma source(%arg11 : memref<80x128xf32, #tpu.memory_space<vmem>>) target(%dma_start3A_77 : memref<10000x128xf32, #tpu.memory_space<vmem_shared>>) offsets(%dma_start3A_74 : memref<80xi32, #tpu.memory_space<vmem>>) semaphore(%arg17 : memref<!tpu.dma_semaphore, #tpu.memory_space<semaphore_mem>>) {add = true}
    %scan3A = arith.constant 0 : i32
    %scan3A_78 = arith.constant 1 : i32
    %scan3A_79 = arith.constant 40 : i32
    %scan3A_80 = arith.addi %scan3A_78, %scan3A_79 : i32
    %scan3A_81 = arith.constant 1 : i32
    scf.for %scan3A_134 = %scan3A_78 to %scan3A_80 step %scan3A_81  : i32 {
      %mul3A_135 = arith.constant 3 : i32
      %mul3A_136 = arith.muli %mul3A_135, %scan3A_134 : i32
      %dma_wait3A_137 = arith.constant 0 : i32
      %dma_wait3A_138 = tpu.memref_slice %arg8[%mul3A_136, %dma_wait3A_137] : memref<125x80xi32, #tpu.memory_space<vmem>> -> memref<1x80xi32, #tpu.memory_space<vmem>>
      %dma_wait3A_139 = tpu.memref_squeeze %dma_wait3A_138 : memref<1x80xi32, #tpu.memory_space<vmem>> -> memref<80xi32, #tpu.memory_space<vmem>>
      %dma_wait3A_140 = arith.constant 0 : i32
      %dma_wait3A_141 = arith.constant 0 : i32
      %dma_wait3A_142 = tpu.memref_slice %arg6[%dma_wait3A_140, %dma_wait3A_141] : memref<10000x128xf32, #tpu.memory_space<vmem_shared>> -> memref<10000x128xf32, #tpu.memory_space<vmem_shared>>
      tpu.wait_indirect_dma semaphore(%arg17 : memref<!tpu.dma_semaphore, #tpu.memory_space<semaphore_mem>>) src(%arg11 : memref<80x128xf32, #tpu.memory_space<vmem>>) dst(%dma_wait3A_142 : memref<10000x128xf32, #tpu.memory_space<vmem_shared>>)
      %add3A_143 = arith.constant 2 : i32
      %add3A_144 = arith.addi %mul3A_136, %add3A_143 : i32
      %mul3A_145 = arith.constant 80 : i32
      %mul3A_146 = arith.muli %add3A_144, %mul3A_145 : i32
      %dma_start3A_147 = tpu.memref_slice %arg7[%mul3A_146] : memref<10000xi32, #tpu.memory_space<vmem>> -> memref<80xi32, #tpu.memory_space<vmem>>
      %dma_start3A_148 = arith.constant 0 : i32
      %dma_start3A_149 = arith.constant 0 : i32
      %dma_start3A_150 = tpu.memref_slice %arg2[%dma_start3A_148, %dma_start3A_149] : memref<10000x128xf32, #tpu.memory_space<hbm>> -> memref<10000x128xf32, #tpu.memory_space<hbm>>
      tpu.enqueue_indirect_dma source(%dma_start3A_150 : memref<10000x128xf32, #tpu.memory_space<hbm>>) target(%arg11 : memref<80x128xf32, #tpu.memory_space<vmem>>) offsets(%dma_start3A_147 : memref<80xi32, #tpu.memory_space<vmem>>) semaphore(%arg14 : memref<!tpu.dma_semaphore, #tpu.memory_space<semaphore_mem>>)
      %mul3A_151 = arith.constant 80 : i32
      %mul3A_152 = arith.muli %mul3A_136, %mul3A_151 : i32
      %dma_wait3A_153 = tpu.memref_slice %arg7[%mul3A_152] : memref<10000xi32, #tpu.memory_space<vmem>> -> memref<80xi32, #tpu.memory_space<vmem>>
      %dma_wait3A_154 = arith.constant 0 : i32
      %dma_wait3A_155 = arith.constant 0 : i32
      %dma_wait3A_156 = tpu.memref_slice %arg2[%dma_wait3A_154, %dma_wait3A_155] : memref<10000x128xf32, #tpu.memory_space<hbm>> -> memref<10000x128xf32, #tpu.memory_space<hbm>>
      tpu.wait_indirect_dma semaphore(%arg12 : memref<!tpu.dma_semaphore, #tpu.memory_space<semaphore_mem>>) src(%dma_wait3A_156 : memref<10000x128xf32, #tpu.memory_space<hbm>>) dst(%arg9 : memref<80x128xf32, #tpu.memory_space<vmem>>)
      %dma_start3A_157 = arith.constant 0 : i32
      %dma_start3A_158 = tpu.memref_slice %arg8[%mul3A_136, %dma_start3A_157] : memref<125x80xi32, #tpu.memory_space<vmem>> -> memref<1x80xi32, #tpu.memory_space<vmem>>
      %dma_start3A_159 = tpu.memref_squeeze %dma_start3A_158 : memref<1x80xi32, #tpu.memory_space<vmem>> -> memref<80xi32, #tpu.memory_space<vmem>>
      %dma_start3A_160 = arith.constant 0 : i32
      %dma_start3A_161 = arith.constant 0 : i32
      %dma_start3A_162 = tpu.memref_slice %arg6[%dma_start3A_160, %dma_start3A_161] : memref<10000x128xf32, #tpu.memory_space<vmem_shared>> -> memref<10000x128xf32, #tpu.memory_space<vmem_shared>>
      tpu.enqueue_indirect_dma source(%arg9 : memref<80x128xf32, #tpu.memory_space<vmem>>) target(%dma_start3A_162 : memref<10000x128xf32, #tpu.memory_space<vmem_shared>>) offsets(%dma_start3A_159 : memref<80xi32, #tpu.memory_space<vmem>>) semaphore(%arg15 : memref<!tpu.dma_semaphore, #tpu.memory_space<semaphore_mem>>) {add = true}
      %mul3A_163 = arith.constant 3 : i32
      %mul3A_164 = arith.muli %mul3A_163, %scan3A_134 : i32
      %add3A_165 = arith.constant 1 : i32
      %add3A_166 = arith.addi %mul3A_164, %add3A_165 : i32
      %dma_wait3A_167 = arith.constant 0 : i32
      %dma_wait3A_168 = tpu.memref_slice %arg8[%add3A_166, %dma_wait3A_167] : memref<125x80xi32, #tpu.memory_space<vmem>> -> memref<1x80xi32, #tpu.memory_space<vmem>>
      %dma_wait3A_169 = tpu.memref_squeeze %dma_wait3A_168 : memref<1x80xi32, #tpu.memory_space<vmem>> -> memref<80xi32, #tpu.memory_space<vmem>>
      %dma_wait3A_170 = arith.constant 0 : i32
      %dma_wait3A_171 = arith.constant 0 : i32
      %dma_wait3A_172 = tpu.memref_slice %arg6[%dma_wait3A_170, %dma_wait3A_171] : memref<10000x128xf32, #tpu.memory_space<vmem_shared>> -> memref<10000x128xf32, #tpu.memory_space<vmem_shared>>
      tpu.wait_indirect_dma semaphore(%arg15 : memref<!tpu.dma_semaphore, #tpu.memory_space<semaphore_mem>>) src(%arg9 : memref<80x128xf32, #tpu.memory_space<vmem>>) dst(%dma_wait3A_172 : memref<10000x128xf32, #tpu.memory_space<vmem_shared>>)
      %add3A_173 = arith.constant 2 : i32
      %add3A_174 = arith.addi %add3A_166, %add3A_173 : i32
      %mul3A_175 = arith.constant 80 : i32
      %mul3A_176 = arith.muli %add3A_174, %mul3A_175 : i32
      %dma_start3A_177 = tpu.memref_slice %arg7[%mul3A_176] : memref<10000xi32, #tpu.memory_space<vmem>> -> memref<80xi32, #tpu.memory_space<vmem>>
      %dma_start3A_178 = arith.constant 0 : i32
      %dma_start3A_179 = arith.constant 0 : i32
      %dma_start3A_180 = tpu.memref_slice %arg2[%dma_start3A_178, %dma_start3A_179] : memref<10000x128xf32, #tpu.memory_space<hbm>> -> memref<10000x128xf32, #tpu.memory_space<hbm>>
      tpu.enqueue_indirect_dma source(%dma_start3A_180 : memref<10000x128xf32, #tpu.memory_space<hbm>>) target(%arg9 : memref<80x128xf32, #tpu.memory_space<vmem>>) offsets(%dma_start3A_177 : memref<80xi32, #tpu.memory_space<vmem>>) semaphore(%arg12 : memref<!tpu.dma_semaphore, #tpu.memory_space<semaphore_mem>>)
      %mul3A_181 = arith.constant 80 : i32
      %mul3A_182 = arith.muli %add3A_166, %mul3A_181 : i32
      %dma_wait3A_183 = tpu.memref_slice %arg7[%mul3A_182] : memref<10000xi32, #tpu.memory_space<vmem>> -> memref<80xi32, #tpu.memory_space<vmem>>
      %dma_wait3A_184 = arith.constant 0 : i32
      %dma_wait3A_185 = arith.constant 0 : i32
      %dma_wait3A_186 = tpu.memref_slice %arg2[%dma_wait3A_184, %dma_wait3A_185] : memref<10000x128xf32, #tpu.memory_space<hbm>> -> memref<10000x128xf32, #tpu.memory_space<hbm>>
      tpu.wait_indirect_dma semaphore(%arg13 : memref<!tpu.dma_semaphore, #tpu.memory_space<semaphore_mem>>) src(%dma_wait3A_186 : memref<10000x128xf32, #tpu.memory_space<hbm>>) dst(%arg10 : memref<80x128xf32, #tpu.memory_space<vmem>>)
      %dma_start3A_187 = arith.constant 0 : i32
      %dma_start3A_188 = tpu.memref_slice %arg8[%add3A_166, %dma_start3A_187] : memref<125x80xi32, #tpu.memory_space<vmem>> -> memref<1x80xi32, #tpu.memory_space<vmem>>
      %dma_start3A_189 = tpu.memref_squeeze %dma_start3A_188 : memref<1x80xi32, #tpu.memory_space<vmem>> -> memref<80xi32, #tpu.memory_space<vmem>>
      %dma_start3A_190 = arith.constant 0 : i32
      %dma_start3A_191 = arith.constant 0 : i32
      %dma_start3A_192 = tpu.memref_slice %arg6[%dma_start3A_190, %dma_start3A_191] : memref<10000x128xf32, #tpu.memory_space<vmem_shared>> -> memref<10000x128xf32, #tpu.memory_space<vmem_shared>>
      tpu.enqueue_indirect_dma source(%arg10 : memref<80x128xf32, #tpu.memory_space<vmem>>) target(%dma_start3A_192 : memref<10000x128xf32, #tpu.memory_space<vmem_shared>>) offsets(%dma_start3A_189 : memref<80xi32, #tpu.memory_space<vmem>>) semaphore(%arg16 : memref<!tpu.dma_semaphore, #tpu.memory_space<semaphore_mem>>) {add = true}
      %mul3A_193 = arith.constant 3 : i32
      %mul3A_194 = arith.muli %mul3A_193, %scan3A_134 : i32
      %add3A_195 = arith.constant 2 : i32
      %add3A_196 = arith.addi %mul3A_194, %add3A_195 : i32
      %dma_wait3A_197 = arith.constant 0 : i32
      %dma_wait3A_198 = tpu.memref_slice %arg8[%add3A_196, %dma_wait3A_197] : memref<125x80xi32, #tpu.memory_space<vmem>> -> memref<1x80xi32, #tpu.memory_space<vmem>>
      %dma_wait3A_199 = tpu.memref_squeeze %dma_wait3A_198 : memref<1x80xi32, #tpu.memory_space<vmem>> -> memref<80xi32, #tpu.memory_space<vmem>>
      %dma_wait3A_200 = arith.constant 0 : i32
      %dma_wait3A_201 = arith.constant 0 : i32
      %dma_wait3A_202 = tpu.memref_slice %arg6[%dma_wait3A_200, %dma_wait3A_201] : memref<10000x128xf32, #tpu.memory_space<vmem_shared>> -> memref<10000x128xf32, #tpu.memory_space<vmem_shared>>
      tpu.wait_indirect_dma semaphore(%arg16 : memref<!tpu.dma_semaphore, #tpu.memory_space<semaphore_mem>>) src(%arg10 : memref<80x128xf32, #tpu.memory_space<vmem>>) dst(%dma_wait3A_202 : memref<10000x128xf32, #tpu.memory_space<vmem_shared>>)
      %add3A_203 = arith.constant 2 : i32
      %add3A_204 = arith.addi %add3A_196, %add3A_203 : i32
      %mul3A_205 = arith.constant 80 : i32
      %mul3A_206 = arith.muli %add3A_204, %mul3A_205 : i32
      %dma_start3A_207 = tpu.memref_slice %arg7[%mul3A_206] : memref<10000xi32, #tpu.memory_space<vmem>> -> memref<80xi32, #tpu.memory_space<vmem>>
      %dma_start3A_208 = arith.constant 0 : i32
      %dma_start3A_209 = arith.constant 0 : i32
      %dma_start3A_210 = tpu.memref_slice %arg2[%dma_start3A_208, %dma_start3A_209] : memref<10000x128xf32, #tpu.memory_space<hbm>> -> memref<10000x128xf32, #tpu.memory_space<hbm>>
      tpu.enqueue_indirect_dma source(%dma_start3A_210 : memref<10000x128xf32, #tpu.memory_space<hbm>>) target(%arg10 : memref<80x128xf32, #tpu.memory_space<vmem>>) offsets(%dma_start3A_207 : memref<80xi32, #tpu.memory_space<vmem>>) semaphore(%arg13 : memref<!tpu.dma_semaphore, #tpu.memory_space<semaphore_mem>>)
      %mul3A_211 = arith.constant 80 : i32
      %mul3A_212 = arith.muli %add3A_196, %mul3A_211 : i32
      %dma_wait3A_213 = tpu.memref_slice %arg7[%mul3A_212] : memref<10000xi32, #tpu.memory_space<vmem>> -> memref<80xi32, #tpu.memory_space<vmem>>
      %dma_wait3A_214 = arith.constant 0 : i32
      %dma_wait3A_215 = arith.constant 0 : i32
      %dma_wait3A_216 = tpu.memref_slice %arg2[%dma_wait3A_214, %dma_wait3A_215] : memref<10000x128xf32, #tpu.memory_space<hbm>> -> memref<10000x128xf32, #tpu.memory_space<hbm>>
      tpu.wait_indirect_dma semaphore(%arg14 : memref<!tpu.dma_semaphore, #tpu.memory_space<semaphore_mem>>) src(%dma_wait3A_216 : memref<10000x128xf32, #tpu.memory_space<hbm>>) dst(%arg11 : memref<80x128xf32, #tpu.memory_space<vmem>>)
      %dma_start3A_217 = arith.constant 0 : i32
      %dma_start3A_218 = tpu.memref_slice %arg8[%add3A_196, %dma_start3A_217] : memref<125x80xi32, #tpu.memory_space<vmem>> -> memref<1x80xi32, #tpu.memory_space<vmem>>
      %dma_start3A_219 = tpu.memref_squeeze %dma_start3A_218 : memref<1x80xi32, #tpu.memory_space<vmem>> -> memref<80xi32, #tpu.memory_space<vmem>>
      %dma_start3A_220 = arith.constant 0 : i32
      %dma_start3A_221 = arith.constant 0 : i32
      %dma_start3A_222 = tpu.memref_slice %arg6[%dma_start3A_220, %dma_start3A_221] : memref<10000x128xf32, #tpu.memory_space<vmem_shared>> -> memref<10000x128xf32, #tpu.memory_space<vmem_shared>>
      tpu.enqueue_indirect_dma source(%arg11 : memref<80x128xf32, #tpu.memory_space<vmem>>) target(%dma_start3A_222 : memref<10000x128xf32, #tpu.memory_space<vmem_shared>>) offsets(%dma_start3A_219 : memref<80xi32, #tpu.memory_space<vmem>>) semaphore(%arg17 : memref<!tpu.dma_semaphore, #tpu.memory_space<semaphore_mem>>) {add = true}
    }
    %scan3A_82 = arith.constant 40 : i32
    %dma_wait3A_83 = arith.constant 9840 : i32
    %dma_wait3A_84 = tpu.memref_slice %arg7[%dma_wait3A_83] : memref<10000xi32, #tpu.memory_space<vmem>> -> memref<80xi32, #tpu.memory_space<vmem>>
    %dma_wait3A_85 = arith.constant 0 : i32
    %dma_wait3A_86 = arith.constant 0 : i32
    %dma_wait3A_87 = tpu.memref_slice %arg2[%dma_wait3A_85, %dma_wait3A_86] : memref<10000x128xf32, #tpu.memory_space<hbm>> -> memref<10000x128xf32, #tpu.memory_space<hbm>>
    tpu.wait_indirect_dma semaphore(%arg12 : memref<!tpu.dma_semaphore, #tpu.memory_space<semaphore_mem>>) src(%dma_wait3A_87 : memref<10000x128xf32, #tpu.memory_space<hbm>>) dst(%arg9 : memref<80x128xf32, #tpu.memory_space<vmem>>)
    %dma_start3A_88 = arith.constant 123 : i32
    %dma_start3A_89 = arith.constant 0 : i32
    %dma_start3A_90 = tpu.memref_slice %arg8[%dma_start3A_88, %dma_start3A_89] : memref<125x80xi32, #tpu.memory_space<vmem>> -> memref<1x80xi32, #tpu.memory_space<vmem>>
    %dma_start3A_91 = tpu.memref_squeeze %dma_start3A_90 : memref<1x80xi32, #tpu.memory_space<vmem>> -> memref<80xi32, #tpu.memory_space<vmem>>
    %dma_start3A_92 = arith.constant 0 : i32
    %dma_start3A_93 = arith.constant 0 : i32
    %dma_start3A_94 = tpu.memref_slice %arg6[%dma_start3A_92, %dma_start3A_93] : memref<10000x128xf32, #tpu.memory_space<vmem_shared>> -> memref<10000x128xf32, #tpu.memory_space<vmem_shared>>
    tpu.enqueue_indirect_dma source(%arg9 : memref<80x128xf32, #tpu.memory_space<vmem>>) target(%dma_start3A_94 : memref<10000x128xf32, #tpu.memory_space<vmem_shared>>) offsets(%dma_start3A_91 : memref<80xi32, #tpu.memory_space<vmem>>) semaphore(%arg15 : memref<!tpu.dma_semaphore, #tpu.memory_space<semaphore_mem>>) {add = true}
    %dma_wait3A_95 = arith.constant 9920 : i32
    %dma_wait3A_96 = tpu.memref_slice %arg7[%dma_wait3A_95] : memref<10000xi32, #tpu.memory_space<vmem>> -> memref<80xi32, #tpu.memory_space<vmem>>
    %dma_wait3A_97 = arith.constant 0 : i32
    %dma_wait3A_98 = arith.constant 0 : i32
    %dma_wait3A_99 = tpu.memref_slice %arg2[%dma_wait3A_97, %dma_wait3A_98] : memref<10000x128xf32, #tpu.memory_space<hbm>> -> memref<10000x128xf32, #tpu.memory_space<hbm>>
    tpu.wait_indirect_dma semaphore(%arg13 : memref<!tpu.dma_semaphore, #tpu.memory_space<semaphore_mem>>) src(%dma_wait3A_99 : memref<10000x128xf32, #tpu.memory_space<hbm>>) dst(%arg10 : memref<80x128xf32, #tpu.memory_space<vmem>>)
    %dma_start3A_100 = arith.constant 124 : i32
    %dma_start3A_101 = arith.constant 0 : i32
    %dma_start3A_102 = tpu.memref_slice %arg8[%dma_start3A_100, %dma_start3A_101] : memref<125x80xi32, #tpu.memory_space<vmem>> -> memref<1x80xi32, #tpu.memory_space<vmem>>
    %dma_start3A_103 = tpu.memref_squeeze %dma_start3A_102 : memref<1x80xi32, #tpu.memory_space<vmem>> -> memref<80xi32, #tpu.memory_space<vmem>>
    %dma_start3A_104 = arith.constant 0 : i32
    %dma_start3A_105 = arith.constant 0 : i32
    %dma_start3A_106 = tpu.memref_slice %arg6[%dma_start3A_104, %dma_start3A_105] : memref<10000x128xf32, #tpu.memory_space<vmem_shared>> -> memref<10000x128xf32, #tpu.memory_space<vmem_shared>>
    tpu.enqueue_indirect_dma source(%arg10 : memref<80x128xf32, #tpu.memory_space<vmem>>) target(%dma_start3A_106 : memref<10000x128xf32, #tpu.memory_space<vmem_shared>>) offsets(%dma_start3A_103 : memref<80xi32, #tpu.memory_space<vmem>>) semaphore(%arg16 : memref<!tpu.dma_semaphore, #tpu.memory_space<semaphore_mem>>) {add = true}
    %dma_wait3A_107 = arith.constant 122 : i32
    %dma_wait3A_108 = arith.constant 0 : i32
    %dma_wait3A_109 = tpu.memref_slice %arg8[%dma_wait3A_107, %dma_wait3A_108] : memref<125x80xi32, #tpu.memory_space<vmem>> -> memref<1x80xi32, #tpu.memory_space<vmem>>
    %dma_wait3A_110 = tpu.memref_squeeze %dma_wait3A_109 : memref<1x80xi32, #tpu.memory_space<vmem>> -> memref<80xi32, #tpu.memory_space<vmem>>
    %dma_wait3A_111 = arith.constant 0 : i32
    %dma_wait3A_112 = arith.constant 0 : i32
    %dma_wait3A_113 = tpu.memref_slice %arg6[%dma_wait3A_111, %dma_wait3A_112] : memref<10000x128xf32, #tpu.memory_space<vmem_shared>> -> memref<10000x128xf32, #tpu.memory_space<vmem_shared>>
    tpu.wait_indirect_dma semaphore(%arg17 : memref<!tpu.dma_semaphore, #tpu.memory_space<semaphore_mem>>) src(%arg11 : memref<80x128xf32, #tpu.memory_space<vmem>>) dst(%dma_wait3A_113 : memref<10000x128xf32, #tpu.memory_space<vmem_shared>>)
    %dma_wait3A_114 = arith.constant 123 : i32
    %dma_wait3A_115 = arith.constant 0 : i32
    %dma_wait3A_116 = tpu.memref_slice %arg8[%dma_wait3A_114, %dma_wait3A_115] : memref<125x80xi32, #tpu.memory_space<vmem>> -> memref<1x80xi32, #tpu.memory_space<vmem>>
    %dma_wait3A_117 = tpu.memref_squeeze %dma_wait3A_116 : memref<1x80xi32, #tpu.memory_space<vmem>> -> memref<80xi32, #tpu.memory_space<vmem>>
    %dma_wait3A_118 = arith.constant 0 : i32
    %dma_wait3A_119 = arith.constant 0 : i32
    %dma_wait3A_120 = tpu.memref_slice %arg6[%dma_wait3A_118, %dma_wait3A_119] : memref<10000x128xf32, #tpu.memory_space<vmem_shared>> -> memref<10000x128xf32, #tpu.memory_space<vmem_shared>>
    tpu.wait_indirect_dma semaphore(%arg15 : memref<!tpu.dma_semaphore, #tpu.memory_space<semaphore_mem>>) src(%arg9 : memref<80x128xf32, #tpu.memory_space<vmem>>) dst(%dma_wait3A_120 : memref<10000x128xf32, #tpu.memory_space<vmem_shared>>)
    %dma_wait3A_121 = arith.constant 124 : i32
    %dma_wait3A_122 = arith.constant 0 : i32
    %dma_wait3A_123 = tpu.memref_slice %arg8[%dma_wait3A_121, %dma_wait3A_122] : memref<125x80xi32, #tpu.memory_space<vmem>> -> memref<1x80xi32, #tpu.memory_space<vmem>>
    %dma_wait3A_124 = tpu.memref_squeeze %dma_wait3A_123 : memref<1x80xi32, #tpu.memory_space<vmem>> -> memref<80xi32, #tpu.memory_space<vmem>>
    %dma_wait3A_125 = arith.constant 0 : i32
    %dma_wait3A_126 = arith.constant 0 : i32
    %dma_wait3A_127 = tpu.memref_slice %arg6[%dma_wait3A_125, %dma_wait3A_126] : memref<10000x128xf32, #tpu.memory_space<vmem_shared>> -> memref<10000x128xf32, #tpu.memory_space<vmem_shared>>
    tpu.wait_indirect_dma semaphore(%arg16 : memref<!tpu.dma_semaphore, #tpu.memory_space<semaphore_mem>>) src(%arg10 : memref<80x128xf32, #tpu.memory_space<vmem>>) dst(%dma_wait3A_127 : memref<10000x128xf32, #tpu.memory_space<vmem_shared>>)
    %barrier3A_128 = arith.constant 0 : index
    tpu.barrier barrier_id(%barrier3A_128)
    "tpu.region"() ({
      %run_scoped3A = tpu.sem_alloc : memref<!tpu.dma_semaphore, #tpu.memory_space<semaphore_mem>>
      %dma_start3A_134 = arith.constant 0 : i32
      %dma_start3A_135 = tpu.memref_slice %arg5[%arg0, %mul3A_11, %dma_start3A_134] : memref<2x10000x128xf32, #tpu.memory_space<hbm>> -> memref<1x624x128xf32, #tpu.memory_space<hbm>>
      %dma_start3A_136 = tpu.memref_squeeze %dma_start3A_135 : memref<1x624x128xf32, #tpu.memory_space<hbm>> -> memref<624x128xf32, #tpu.memory_space<hbm>>
      %dma_start3A_137 = arith.constant 0 : i32
      %dma_start3A_138 = tpu.memref_slice %arg6[%mul3A_11, %dma_start3A_137] : memref<10000x128xf32, #tpu.memory_space<vmem_shared>> -> memref<624x128xf32, #tpu.memory_space<vmem_shared>>
      tpu.enqueue_dma source(%dma_start3A_138 : memref<624x128xf32, #tpu.memory_space<vmem_shared>>) target(%dma_start3A_136 : memref<624x128xf32, #tpu.memory_space<hbm>>) target_semaphore(%run_scoped3A : memref<!tpu.dma_semaphore, #tpu.memory_space<semaphore_mem>>)
      %dma_wait3A_139 = arith.constant 0 : i32
      %dma_wait3A_140 = tpu.memref_slice %arg5[%arg0, %mul3A_11, %dma_wait3A_139] : memref<2x10000x128xf32, #tpu.memory_space<hbm>> -> memref<1x624x128xf32, #tpu.memory_space<hbm>>
      %dma_wait3A_141 = tpu.memref_squeeze %dma_wait3A_140 : memref<1x624x128xf32, #tpu.memory_space<hbm>> -> memref<624x128xf32, #tpu.memory_space<hbm>>
      %dma_wait3A_142 = arith.constant 0 : i32
      %dma_wait3A_143 = tpu.memref_slice %arg6[%mul3A_11, %dma_wait3A_142] : memref<10000x128xf32, #tpu.memory_space<vmem_shared>> -> memref<624x128xf32, #tpu.memory_space<vmem_shared>>
      tpu.wait_dma2 semaphore(%run_scoped3A : memref<!tpu.dma_semaphore, #tpu.memory_space<semaphore_mem>>) src(%dma_wait3A_143 : memref<624x128xf32, #tpu.memory_space<vmem_shared>>) dst(%dma_wait3A_141 : memref<624x128xf32, #tpu.memory_space<hbm>>)
      tpu.yield
    }) : () -> ()
    %eq3A_129 = arith.constant 15 : i32
    %eq3A_130 = arith.cmpi eq, %arg1, %eq3A_129 : i32
    %convert_element_type3A_131 = arith.extui %eq3A_130 : i1 to i32
    %cond3A_132 = arith.constant 0 : i32
    %cond3A_133 = arith.cmpi ne, %convert_element_type3A_131, %cond3A_132 : i32
    scf.if %cond3A_133 {
      "tpu.region"() ({
        %run_scoped3A = tpu.sem_alloc : memref<!tpu.dma_semaphore, #tpu.memory_space<semaphore_mem>>
        %dma_start3A_134 = arith.constant 9984 : i32
        %dma_start3A_135 = arith.constant 0 : i32
        %dma_start3A_136 = tpu.memref_slice %arg5[%arg0, %dma_start3A_134, %dma_start3A_135] : memref<2x10000x128xf32, #tpu.memory_space<hbm>> -> memref<1x16x128xf32, #tpu.memory_space<hbm>>
        %dma_start3A_137 = tpu.memref_squeeze %dma_start3A_136 : memref<1x16x128xf32, #tpu.memory_space<hbm>> -> memref<16x128xf32, #tpu.memory_space<hbm>>
        %dma_start3A_138 = arith.constant 9984 : i32
        %dma_start3A_139 = arith.constant 0 : i32
        %dma_start3A_140 = tpu.memref_slice %arg6[%dma_start3A_138, %dma_start3A_139] : memref<10000x128xf32, #tpu.memory_space<vmem_shared>> -> memref<16x128xf32, #tpu.memory_space<vmem_shared>>
        tpu.enqueue_dma source(%dma_start3A_140 : memref<16x128xf32, #tpu.memory_space<vmem_shared>>) target(%dma_start3A_137 : memref<16x128xf32, #tpu.memory_space<hbm>>) target_semaphore(%run_scoped3A : memref<!tpu.dma_semaphore, #tpu.memory_space<semaphore_mem>>)
        %dma_wait3A_141 = arith.constant 9984 : i32
        %dma_wait3A_142 = arith.constant 0 : i32
        %dma_wait3A_143 = tpu.memref_slice %arg5[%arg0, %dma_wait3A_141, %dma_wait3A_142] : memref<2x10000x128xf32, #tpu.memory_space<hbm>> -> memref<1x16x128xf32, #tpu.memory_space<hbm>>
        %dma_wait3A_144 = tpu.memref_squeeze %dma_wait3A_143 : memref<1x16x128xf32, #tpu.memory_space<hbm>> -> memref<16x128xf32, #tpu.memory_space<hbm>>
        %dma_wait3A_145 = arith.constant 9984 : i32
        %dma_wait3A_146 = arith.constant 0 : i32
        %dma_wait3A_147 = tpu.memref_slice %arg6[%dma_wait3A_145, %dma_wait3A_146] : memref<10000x128xf32, #tpu.memory_space<vmem_shared>> -> memref<16x128xf32, #tpu.memory_space<vmem_shared>>
        tpu.wait_dma2 semaphore(%run_scoped3A : memref<!tpu.dma_semaphore, #tpu.memory_space<semaphore_mem>>) src(%dma_wait3A_147 : memref<16x128xf32, #tpu.memory_space<vmem_shared>>) dst(%dma_wait3A_144 : memref<16x128xf32, #tpu.memory_space<hbm>>)
        tpu.yield
      }) : () -> ()
    } else {
    }
    return
  }
}

#map = affine_map<(d0, d1) -> (0, 0)>
#map1 = affine_map<(d0, d1) -> (0, 0, 0)>
module attributes {stable_mosaic.version = 14 : i64} {
  func.func @_sc_agg_body(%arg0: i32, %arg1: i32, %arg2: memref<10000x128xf32, #tpu.memory_space<hbm>>, %arg3: memref<32x10000xi32, #tpu.memory_space<hbm>>, %arg4: memref<32x125x80xi32, #tpu.memory_space<hbm>>, %arg5: memref<2x10000x128xf32, #tpu.memory_space<hbm>>, %arg6: memref<10000x128xf32, #tpu.memory_space<vmem_shared>>, %arg7: memref<10000xi32, #tpu.memory_space<vmem>>, %arg8: memref<125x80xi32, #tpu.memory_space<vmem>>, %arg9: memref<80x128xf32, #tpu.memory_space<vmem>>, %arg10: memref<80x128xf32, #tpu.memory_space<vmem>>, %arg11: memref<80x128xf32, #tpu.memory_space<vmem>>, %arg12: memref<!tpu.dma_semaphore, #tpu.memory_space<semaphore_mem>>, %arg13: memref<!tpu.dma_semaphore, #tpu.memory_space<semaphore_mem>>, %arg14: memref<!tpu.dma_semaphore, #tpu.memory_space<semaphore_mem>>, %arg15: memref<!tpu.dma_semaphore, #tpu.memory_space<semaphore_mem>>, %arg16: memref<!tpu.dma_semaphore, #tpu.memory_space<semaphore_mem>>, %arg17: memref<!tpu.dma_semaphore, #tpu.memory_space<semaphore_mem>>) attributes {dimension_semantics = [#tpu.dimension_semantics<core_parallel>, #tpu.dimension_semantics<subcore_parallel>], iteration_bounds = array<i64: 2, 16>, scalar_prefetch = 0 : i64, scratch_operands = 12 : i64, tpu.core_type = #tpu.core_type<sc_vector_subcore>, window_params = [{transform_indices = #map}, {transform_indices = #map}, {transform_indices = #map1}, {transform_indices = #map1}]} {
    %mul3A = arith.constant 2 : i32
    %mul3A_0 = arith.muli %arg1, %mul3A : i32
    %add3A = arith.addi %mul3A_0, %arg0 : i32
    "tpu.region"() ({
      %run_scoped3A = tpu.sem_alloc : memref<!tpu.dma_semaphore, #tpu.memory_space<semaphore_mem>>
      %dma_start3A_134 = arith.constant 0 : i32
      %dma_start3A_135 = tpu.memref_slice %arg3[%add3A, %dma_start3A_134] : memref<32x10000xi32, #tpu.memory_space<hbm>> -> memref<1x10000xi32, #tpu.memory_space<hbm>>
      %dma_start3A_136 = tpu.memref_squeeze %dma_start3A_135 : memref<1x10000xi32, #tpu.memory_space<hbm>> -> memref<10000xi32, #tpu.memory_space<hbm>>
      %dma_start3A_137 = arith.constant 0 : i32
      %dma_start3A_138 = tpu.memref_slice %arg3[%add3A, %dma_start3A_137] : memref<32x10000xi32, #tpu.memory_space<hbm>> -> memref<1x10000xi32, #tpu.memory_space<hbm>>
      %dma_start3A_139 = tpu.memref_squeeze %dma_start3A_138 : memref<1x10000xi32, #tpu.memory_space<hbm>> -> memref<10000xi32, #tpu.memory_space<hbm>>
      tpu.enqueue_dma source(%dma_start3A_139 : memref<10000xi32, #tpu.memory_space<hbm>>) target(%arg7 : memref<10000xi32, #tpu.memory_space<vmem>>) target_semaphore(%run_scoped3A : memref<!tpu.dma_semaphore, #tpu.memory_space<semaphore_mem>>)
      %dma_wait3A_140 = arith.constant 0 : i32
      %dma_wait3A_141 = tpu.memref_slice %arg3[%add3A, %dma_wait3A_140] : memref<32x10000xi32, #tpu.memory_space<hbm>> -> memref<1x10000xi32, #tpu.memory_space<hbm>>
      %dma_wait3A_142 = tpu.memref_squeeze %dma_wait3A_141 : memref<1x10000xi32, #tpu.memory_space<hbm>> -> memref<10000xi32, #tpu.memory_space<hbm>>
      %dma_wait3A_143 = arith.constant 0 : i32
      %dma_wait3A_144 = tpu.memref_slice %arg3[%add3A, %dma_wait3A_143] : memref<32x10000xi32, #tpu.memory_space<hbm>> -> memref<1x10000xi32, #tpu.memory_space<hbm>>
      %dma_wait3A_145 = tpu.memref_squeeze %dma_wait3A_144 : memref<1x10000xi32, #tpu.memory_space<hbm>> -> memref<10000xi32, #tpu.memory_space<hbm>>
      tpu.wait_dma2 semaphore(%run_scoped3A : memref<!tpu.dma_semaphore, #tpu.memory_space<semaphore_mem>>) src(%dma_wait3A_145 : memref<10000xi32, #tpu.memory_space<hbm>>) dst(%arg7 : memref<10000xi32, #tpu.memory_space<vmem>>)
      tpu.yield
    }) : () -> ()
    "tpu.region"() ({
      %run_scoped3A = tpu.sem_alloc : memref<!tpu.dma_semaphore, #tpu.memory_space<semaphore_mem>>
      %dma_start3A_134 = arith.constant 0 : i32
      %dma_start3A_135 = arith.constant 0 : i32
      %dma_start3A_136 = tpu.memref_slice %arg4[%add3A, %dma_start3A_134, %dma_start3A_135] : memref<32x125x80xi32, #tpu.memory_space<hbm>> -> memref<1x125x80xi32, #tpu.memory_space<hbm>>
      %dma_start3A_137 = tpu.memref_squeeze %dma_start3A_136 : memref<1x125x80xi32, #tpu.memory_space<hbm>> -> memref<125x80xi32, #tpu.memory_space<hbm>>
      %dma_start3A_138 = arith.constant 0 : i32
      %dma_start3A_139 = arith.constant 0 : i32
      %dma_start3A_140 = tpu.memref_slice %arg4[%add3A, %dma_start3A_138, %dma_start3A_139] : memref<32x125x80xi32, #tpu.memory_space<hbm>> -> memref<1x125x80xi32, #tpu.memory_space<hbm>>
      %dma_start3A_141 = tpu.memref_squeeze %dma_start3A_140 : memref<1x125x80xi32, #tpu.memory_space<hbm>> -> memref<125x80xi32, #tpu.memory_space<hbm>>
      tpu.enqueue_dma source(%dma_start3A_141 : memref<125x80xi32, #tpu.memory_space<hbm>>) target(%arg8 : memref<125x80xi32, #tpu.memory_space<vmem>>) target_semaphore(%run_scoped3A : memref<!tpu.dma_semaphore, #tpu.memory_space<semaphore_mem>>)
      %dma_wait3A_142 = arith.constant 0 : i32
      %dma_wait3A_143 = arith.constant 0 : i32
      %dma_wait3A_144 = tpu.memref_slice %arg4[%add3A, %dma_wait3A_142, %dma_wait3A_143] : memref<32x125x80xi32, #tpu.memory_space<hbm>> -> memref<1x125x80xi32, #tpu.memory_space<hbm>>
      %dma_wait3A_145 = tpu.memref_squeeze %dma_wait3A_144 : memref<1x125x80xi32, #tpu.memory_space<hbm>> -> memref<125x80xi32, #tpu.memory_space<hbm>>
      %dma_wait3A_146 = arith.constant 0 : i32
      %dma_wait3A_147 = arith.constant 0 : i32
      %dma_wait3A_148 = tpu.memref_slice %arg4[%add3A, %dma_wait3A_146, %dma_wait3A_147] : memref<32x125x80xi32, #tpu.memory_space<hbm>> -> memref<1x125x80xi32, #tpu.memory_space<hbm>>
      %dma_wait3A_149 = tpu.memref_squeeze %dma_wait3A_148 : memref<1x125x80xi32, #tpu.memory_space<hbm>> -> memref<125x80xi32, #tpu.memory_space<hbm>>
      tpu.wait_dma2 semaphore(%run_scoped3A : memref<!tpu.dma_semaphore, #tpu.memory_space<semaphore_mem>>) src(%dma_wait3A_149 : memref<125x80xi32, #tpu.memory_space<hbm>>) dst(%arg8 : memref<125x80xi32, #tpu.memory_space<vmem>>)
      tpu.yield
    }) : () -> ()
    %dma_start3A = arith.constant 0 : i32
    %dma_start3A_1 = tpu.memref_slice %arg7[%dma_start3A] : memref<10000xi32, #tpu.memory_space<vmem>> -> memref<80xi32, #tpu.memory_space<vmem>>
    %dma_start3A_2 = arith.constant 0 : i32
    %dma_start3A_3 = arith.constant 0 : i32
    %dma_start3A_4 = tpu.memref_slice %arg2[%dma_start3A_2, %dma_start3A_3] : memref<10000x128xf32, #tpu.memory_space<hbm>> -> memref<10000x128xf32, #tpu.memory_space<hbm>>
    tpu.enqueue_indirect_dma source(%dma_start3A_4 : memref<10000x128xf32, #tpu.memory_space<hbm>>) target(%arg9 : memref<80x128xf32, #tpu.memory_space<vmem>>) offsets(%dma_start3A_1 : memref<80xi32, #tpu.memory_space<vmem>>) semaphore(%arg12 : memref<!tpu.dma_semaphore, #tpu.memory_space<semaphore_mem>>)
    %dma_start3A_5 = arith.constant 80 : i32
    %dma_start3A_6 = tpu.memref_slice %arg7[%dma_start3A_5] : memref<10000xi32, #tpu.memory_space<vmem>> -> memref<80xi32, #tpu.memory_space<vmem>>
    %dma_start3A_7 = arith.constant 0 : i32
    %dma_start3A_8 = arith.constant 0 : i32
    %dma_start3A_9 = tpu.memref_slice %arg2[%dma_start3A_7, %dma_start3A_8] : memref<10000x128xf32, #tpu.memory_space<hbm>> -> memref<10000x128xf32, #tpu.memory_space<hbm>>
    tpu.enqueue_indirect_dma source(%dma_start3A_9 : memref<10000x128xf32, #tpu.memory_space<hbm>>) target(%arg10 : memref<80x128xf32, #tpu.memory_space<vmem>>) offsets(%dma_start3A_6 : memref<80xi32, #tpu.memory_space<vmem>>) semaphore(%arg13 : memref<!tpu.dma_semaphore, #tpu.memory_space<semaphore_mem>>)
    %mul3A_10 = arith.constant 624 : i32
    %mul3A_11 = arith.muli %arg1, %mul3A_10 : i32
    "tpu.region"() ({
      %run_scoped3A = tpu.sem_alloc : memref<!tpu.dma_semaphore, #tpu.memory_space<semaphore_mem>>
      %dma_start3A_134 = arith.constant 0 : i32
      %dma_start3A_135 = tpu.memref_slice %arg6[%mul3A_11, %dma_start3A_134] : memref<10000x128xf32, #tpu.memory_space<vmem_shared>> -> memref<624x128xf32, #tpu.memory_space<vmem_shared>>
      %dma_start3A_136 = arith.constant 0 : i32
      %dma_start3A_137 = tpu.memref_slice %arg2[%mul3A_11, %dma_start3A_136] : memref<10000x128xf32, #tpu.memory_space<hbm>> -> memref<624x128xf32, #tpu.memory_space<hbm>>
      tpu.enqueue_dma source(%dma_start3A_137 : memref<624x128xf32, #tpu.memory_space<hbm>>) target(%dma_start3A_135 : memref<624x128xf32, #tpu.memory_space<vmem_shared>>) target_semaphore(%run_scoped3A : memref<!tpu.dma_semaphore, #tpu.memory_space<semaphore_mem>>)
      %dma_wait3A_138 = arith.constant 0 : i32
      %dma_wait3A_139 = tpu.memref_slice %arg6[%mul3A_11, %dma_wait3A_138] : memref<10000x128xf32, #tpu.memory_space<vmem_shared>> -> memref<624x128xf32, #tpu.memory_space<vmem_shared>>
      %dma_wait3A_140 = arith.constant 0 : i32
      %dma_wait3A_141 = tpu.memref_slice %arg2[%mul3A_11, %dma_wait3A_140] : memref<10000x128xf32, #tpu.memory_space<hbm>> -> memref<624x128xf32, #tpu.memory_space<hbm>>
      tpu.wait_dma2 semaphore(%run_scoped3A : memref<!tpu.dma_semaphore, #tpu.memory_space<semaphore_mem>>) src(%dma_wait3A_141 : memref<624x128xf32, #tpu.memory_space<hbm>>) dst(%dma_wait3A_139 : memref<624x128xf32, #tpu.memory_space<vmem_shared>>)
      tpu.yield
    }) : () -> ()
    %eq3A = arith.constant 15 : i32
    %eq3A_12 = arith.cmpi eq, %arg1, %eq3A : i32
    %convert_element_type3A = arith.extui %eq3A_12 : i1 to i32
    %cond3A = arith.constant 0 : i32
    %cond3A_13 = arith.cmpi ne, %convert_element_type3A, %cond3A : i32
    scf.if %cond3A_13 {
      "tpu.region"() ({
        %run_scoped3A = tpu.sem_alloc : memref<!tpu.dma_semaphore, #tpu.memory_space<semaphore_mem>>
        %dma_start3A_134 = arith.constant 9984 : i32
        %dma_start3A_135 = arith.constant 0 : i32
        %dma_start3A_136 = tpu.memref_slice %arg6[%dma_start3A_134, %dma_start3A_135] : memref<10000x128xf32, #tpu.memory_space<vmem_shared>> -> memref<16x128xf32, #tpu.memory_space<vmem_shared>>
        %dma_start3A_137 = arith.constant 9984 : i32
        %dma_start3A_138 = arith.constant 0 : i32
        %dma_start3A_139 = tpu.memref_slice %arg2[%dma_start3A_137, %dma_start3A_138] : memref<10000x128xf32, #tpu.memory_space<hbm>> -> memref<16x128xf32, #tpu.memory_space<hbm>>
        tpu.enqueue_dma source(%dma_start3A_139 : memref<16x128xf32, #tpu.memory_space<hbm>>) target(%dma_start3A_136 : memref<16x128xf32, #tpu.memory_space<vmem_shared>>) target_semaphore(%run_scoped3A : memref<!tpu.dma_semaphore, #tpu.memory_space<semaphore_mem>>)
        %dma_wait3A_140 = arith.constant 9984 : i32
        %dma_wait3A_141 = arith.constant 0 : i32
        %dma_wait3A_142 = tpu.memref_slice %arg6[%dma_wait3A_140, %dma_wait3A_141] : memref<10000x128xf32, #tpu.memory_space<vmem_shared>> -> memref<16x128xf32, #tpu.memory_space<vmem_shared>>
        %dma_wait3A_143 = arith.constant 9984 : i32
        %dma_wait3A_144 = arith.constant 0 : i32
        %dma_wait3A_145 = tpu.memref_slice %arg2[%dma_wait3A_143, %dma_wait3A_144] : memref<10000x128xf32, #tpu.memory_space<hbm>> -> memref<16x128xf32, #tpu.memory_space<hbm>>
        tpu.wait_dma2 semaphore(%run_scoped3A : memref<!tpu.dma_semaphore, #tpu.memory_space<semaphore_mem>>) src(%dma_wait3A_145 : memref<16x128xf32, #tpu.memory_space<hbm>>) dst(%dma_wait3A_142 : memref<16x128xf32, #tpu.memory_space<vmem_shared>>)
        tpu.yield
      }) : () -> ()
    } else {
    }
    %barrier3A = arith.constant 0 : index
    tpu.barrier barrier_id(%barrier3A)
    %dma_start3A_14 = arith.constant 160 : i32
    %dma_start3A_15 = tpu.memref_slice %arg7[%dma_start3A_14] : memref<10000xi32, #tpu.memory_space<vmem>> -> memref<80xi32, #tpu.memory_space<vmem>>
    %dma_start3A_16 = arith.constant 0 : i32
    %dma_start3A_17 = arith.constant 0 : i32
    %dma_start3A_18 = tpu.memref_slice %arg2[%dma_start3A_16, %dma_start3A_17] : memref<10000x128xf32, #tpu.memory_space<hbm>> -> memref<10000x128xf32, #tpu.memory_space<hbm>>
    tpu.enqueue_indirect_dma source(%dma_start3A_18 : memref<10000x128xf32, #tpu.memory_space<hbm>>) target(%arg11 : memref<80x128xf32, #tpu.memory_space<vmem>>) offsets(%dma_start3A_15 : memref<80xi32, #tpu.memory_space<vmem>>) semaphore(%arg14 : memref<!tpu.dma_semaphore, #tpu.memory_space<semaphore_mem>>)
    %dma_wait3A = arith.constant 0 : i32
    %dma_wait3A_19 = tpu.memref_slice %arg7[%dma_wait3A] : memref<10000xi32, #tpu.memory_space<vmem>> -> memref<80xi32, #tpu.memory_space<vmem>>
    %dma_wait3A_20 = arith.constant 0 : i32
    %dma_wait3A_21 = arith.constant 0 : i32
    %dma_wait3A_22 = tpu.memref_slice %arg2[%dma_wait3A_20, %dma_wait3A_21] : memref<10000x128xf32, #tpu.memory_space<hbm>> -> memref<10000x128xf32, #tpu.memory_space<hbm>>
    tpu.wait_indirect_dma semaphore(%arg12 : memref<!tpu.dma_semaphore, #tpu.memory_space<semaphore_mem>>) src(%dma_wait3A_22 : memref<10000x128xf32, #tpu.memory_space<hbm>>) dst(%arg9 : memref<80x128xf32, #tpu.memory_space<vmem>>)
    %dma_start3A_23 = arith.constant 0 : i32
    %dma_start3A_24 = arith.constant 0 : i32
    %dma_start3A_25 = tpu.memref_slice %arg8[%dma_start3A_23, %dma_start3A_24] : memref<125x80xi32, #tpu.memory_space<vmem>> -> memref<1x80xi32, #tpu.memory_space<vmem>>
    %dma_start3A_26 = tpu.memref_squeeze %dma_start3A_25 : memref<1x80xi32, #tpu.memory_space<vmem>> -> memref<80xi32, #tpu.memory_space<vmem>>
    %dma_start3A_27 = arith.constant 0 : i32
    %dma_start3A_28 = arith.constant 0 : i32
    %dma_start3A_29 = tpu.memref_slice %arg6[%dma_start3A_27, %dma_start3A_28] : memref<10000x128xf32, #tpu.memory_space<vmem_shared>> -> memref<10000x128xf32, #tpu.memory_space<vmem_shared>>
    tpu.enqueue_indirect_dma source(%arg9 : memref<80x128xf32, #tpu.memory_space<vmem>>) target(%dma_start3A_29 : memref<10000x128xf32, #tpu.memory_space<vmem_shared>>) offsets(%dma_start3A_26 : memref<80xi32, #tpu.memory_space<vmem>>) semaphore(%arg15 : memref<!tpu.dma_semaphore, #tpu.memory_space<semaphore_mem>>) {add = true}
    %dma_wait3A_30 = arith.constant 1 : i32
    %dma_wait3A_31 = arith.constant 0 : i32
    %dma_wait3A_32 = tpu.memref_slice %arg8[%dma_wait3A_30, %dma_wait3A_31] : memref<125x80xi32, #tpu.memory_space<vmem>> -> memref<1x80xi32, #tpu.memory_space<vmem>>
    %dma_wait3A_33 = tpu.memref_squeeze %dma_wait3A_32 : memref<1x80xi32, #tpu.memory_space<vmem>> -> memref<80xi32, #tpu.memory_space<vmem>>
    %dma_wait3A_34 = arith.constant 0 : i32
    %dma_wait3A_35 = arith.constant 0 : i32
    %dma_wait3A_36 = tpu.memref_slice %arg6[%dma_wait3A_34, %dma_wait3A_35] : memref<10000x128xf32, #tpu.memory_space<vmem_shared>> -> memref<10000x128xf32, #tpu.memory_space<vmem_shared>>
    tpu.wait_indirect_dma semaphore(%arg15 : memref<!tpu.dma_semaphore, #tpu.memory_space<semaphore_mem>>) src(%arg9 : memref<80x128xf32, #tpu.memory_space<vmem>>) dst(%dma_wait3A_36 : memref<10000x128xf32, #tpu.memory_space<vmem_shared>>)
    %dma_start3A_37 = arith.constant 240 : i32
    %dma_start3A_38 = tpu.memref_slice %arg7[%dma_start3A_37] : memref<10000xi32, #tpu.memory_space<vmem>> -> memref<80xi32, #tpu.memory_space<vmem>>
    %dma_start3A_39 = arith.constant 0 : i32
    %dma_start3A_40 = arith.constant 0 : i32
    %dma_start3A_41 = tpu.memref_slice %arg2[%dma_start3A_39, %dma_start3A_40] : memref<10000x128xf32, #tpu.memory_space<hbm>> -> memref<10000x128xf32, #tpu.memory_space<hbm>>
    tpu.enqueue_indirect_dma source(%dma_start3A_41 : memref<10000x128xf32, #tpu.memory_space<hbm>>) target(%arg9 : memref<80x128xf32, #tpu.memory_space<vmem>>) offsets(%dma_start3A_38 : memref<80xi32, #tpu.memory_space<vmem>>) semaphore(%arg12 : memref<!tpu.dma_semaphore, #tpu.memory_space<semaphore_mem>>)
    %dma_wait3A_42 = arith.constant 80 : i32
    %dma_wait3A_43 = tpu.memref_slice %arg7[%dma_wait3A_42] : memref<10000xi32, #tpu.memory_space<vmem>> -> memref<80xi32, #tpu.memory_space<vmem>>
    %dma_wait3A_44 = arith.constant 0 : i32
    %dma_wait3A_45 = arith.constant 0 : i32
    %dma_wait3A_46 = tpu.memref_slice %arg2[%dma_wait3A_44, %dma_wait3A_45] : memref<10000x128xf32, #tpu.memory_space<hbm>> -> memref<10000x128xf32, #tpu.memory_space<hbm>>
    tpu.wait_indirect_dma semaphore(%arg13 : memref<!tpu.dma_semaphore, #tpu.memory_space<semaphore_mem>>) src(%dma_wait3A_46 : memref<10000x128xf32, #tpu.memory_space<hbm>>) dst(%arg10 : memref<80x128xf32, #tpu.memory_space<vmem>>)
    %dma_start3A_47 = arith.constant 1 : i32
    %dma_start3A_48 = arith.constant 0 : i32
    %dma_start3A_49 = tpu.memref_slice %arg8[%dma_start3A_47, %dma_start3A_48] : memref<125x80xi32, #tpu.memory_space<vmem>> -> memref<1x80xi32, #tpu.memory_space<vmem>>
    %dma_start3A_50 = tpu.memref_squeeze %dma_start3A_49 : memref<1x80xi32, #tpu.memory_space<vmem>> -> memref<80xi32, #tpu.memory_space<vmem>>
    %dma_start3A_51 = arith.constant 0 : i32
    %dma_start3A_52 = arith.constant 0 : i32
    %dma_start3A_53 = tpu.memref_slice %arg6[%dma_start3A_51, %dma_start3A_52] : memref<10000x128xf32, #tpu.memory_space<vmem_shared>> -> memref<10000x128xf32, #tpu.memory_space<vmem_shared>>
    tpu.enqueue_indirect_dma source(%arg10 : memref<80x128xf32, #tpu.memory_space<vmem>>) target(%dma_start3A_53 : memref<10000x128xf32, #tpu.memory_space<vmem_shared>>) offsets(%dma_start3A_50 : memref<80xi32, #tpu.memory_space<vmem>>) semaphore(%arg16 : memref<!tpu.dma_semaphore, #tpu.memory_space<semaphore_mem>>) {add = true}
    %dma_wait3A_54 = arith.constant 2 : i32
    %dma_wait3A_55 = arith.constant 0 : i32
    %dma_wait3A_56 = tpu.memref_slice %arg8[%dma_wait3A_54, %dma_wait3A_55] : memref<125x80xi32, #tpu.memory_space<vmem>> -> memref<1x80xi32, #tpu.memory_space<vmem>>
    %dma_wait3A_57 = tpu.memref_squeeze %dma_wait3A_56 : memref<1x80xi32, #tpu.memory_space<vmem>> -> memref<80xi32, #tpu.memory_space<vmem>>
    %dma_wait3A_58 = arith.constant 0 : i32
    %dma_wait3A_59 = arith.constant 0 : i32
    %dma_wait3A_60 = tpu.memref_slice %arg6[%dma_wait3A_58, %dma_wait3A_59] : memref<10000x128xf32, #tpu.memory_space<vmem_shared>> -> memref<10000x128xf32, #tpu.memory_space<vmem_shared>>
    tpu.wait_indirect_dma semaphore(%arg16 : memref<!tpu.dma_semaphore, #tpu.memory_space<semaphore_mem>>) src(%arg10 : memref<80x128xf32, #tpu.memory_space<vmem>>) dst(%dma_wait3A_60 : memref<10000x128xf32, #tpu.memory_space<vmem_shared>>)
    %dma_start3A_61 = arith.constant 320 : i32
    %dma_start3A_62 = tpu.memref_slice %arg7[%dma_start3A_61] : memref<10000xi32, #tpu.memory_space<vmem>> -> memref<80xi32, #tpu.memory_space<vmem>>
    %dma_start3A_63 = arith.constant 0 : i32
    %dma_start3A_64 = arith.constant 0 : i32
    %dma_start3A_65 = tpu.memref_slice %arg2[%dma_start3A_63, %dma_start3A_64] : memref<10000x128xf32, #tpu.memory_space<hbm>> -> memref<10000x128xf32, #tpu.memory_space<hbm>>
    tpu.enqueue_indirect_dma source(%dma_start3A_65 : memref<10000x128xf32, #tpu.memory_space<hbm>>) target(%arg10 : memref<80x128xf32, #tpu.memory_space<vmem>>) offsets(%dma_start3A_62 : memref<80xi32, #tpu.memory_space<vmem>>) semaphore(%arg13 : memref<!tpu.dma_semaphore, #tpu.memory_space<semaphore_mem>>)
    %dma_wait3A_66 = arith.constant 160 : i32
    %dma_wait3A_67 = tpu.memref_slice %arg7[%dma_wait3A_66] : memref<10000xi32, #tpu.memory_space<vmem>> -> memref<80xi32, #tpu.memory_space<vmem>>
    %dma_wait3A_68 = arith.constant 0 : i32
    %dma_wait3A_69 = arith.constant 0 : i32
    %dma_wait3A_70 = tpu.memref_slice %arg2[%dma_wait3A_68, %dma_wait3A_69] : memref<10000x128xf32, #tpu.memory_space<hbm>> -> memref<10000x128xf32, #tpu.memory_space<hbm>>
    tpu.wait_indirect_dma semaphore(%arg14 : memref<!tpu.dma_semaphore, #tpu.memory_space<semaphore_mem>>) src(%dma_wait3A_70 : memref<10000x128xf32, #tpu.memory_space<hbm>>) dst(%arg11 : memref<80x128xf32, #tpu.memory_space<vmem>>)
    %dma_start3A_71 = arith.constant 2 : i32
    %dma_start3A_72 = arith.constant 0 : i32
    %dma_start3A_73 = tpu.memref_slice %arg8[%dma_start3A_71, %dma_start3A_72] : memref<125x80xi32, #tpu.memory_space<vmem>> -> memref<1x80xi32, #tpu.memory_space<vmem>>
    %dma_start3A_74 = tpu.memref_squeeze %dma_start3A_73 : memref<1x80xi32, #tpu.memory_space<vmem>> -> memref<80xi32, #tpu.memory_space<vmem>>
    %dma_start3A_75 = arith.constant 0 : i32
    %dma_start3A_76 = arith.constant 0 : i32
    %dma_start3A_77 = tpu.memref_slice %arg6[%dma_start3A_75, %dma_start3A_76] : memref<10000x128xf32, #tpu.memory_space<vmem_shared>> -> memref<10000x128xf32, #tpu.memory_space<vmem_shared>>
    tpu.enqueue_indirect_dma source(%arg11 : memref<80x128xf32, #tpu.memory_space<vmem>>) target(%dma_start3A_77 : memref<10000x128xf32, #tpu.memory_space<vmem_shared>>) offsets(%dma_start3A_74 : memref<80xi32, #tpu.memory_space<vmem>>) semaphore(%arg17 : memref<!tpu.dma_semaphore, #tpu.memory_space<semaphore_mem>>) {add = true}
    %scan3A = arith.constant 0 : i32
    %scan3A_78 = arith.constant 1 : i32
    %scan3A_79 = arith.constant 40 : i32
    %scan3A_80 = arith.addi %scan3A_78, %scan3A_79 : i32
    %scan3A_81 = arith.constant 1 : i32
    scf.for %scan3A_134 = %scan3A_78 to %scan3A_80 step %scan3A_81  : i32 {
      %mul3A_135 = arith.constant 3 : i32
      %mul3A_136 = arith.muli %mul3A_135, %scan3A_134 : i32
      %dma_wait3A_137 = arith.constant 0 : i32
      %dma_wait3A_138 = tpu.memref_slice %arg8[%mul3A_136, %dma_wait3A_137] : memref<125x80xi32, #tpu.memory_space<vmem>> -> memref<1x80xi32, #tpu.memory_space<vmem>>
      %dma_wait3A_139 = tpu.memref_squeeze %dma_wait3A_138 : memref<1x80xi32, #tpu.memory_space<vmem>> -> memref<80xi32, #tpu.memory_space<vmem>>
      %dma_wait3A_140 = arith.constant 0 : i32
      %dma_wait3A_141 = arith.constant 0 : i32
      %dma_wait3A_142 = tpu.memref_slice %arg6[%dma_wait3A_140, %dma_wait3A_141] : memref<10000x128xf32, #tpu.memory_space<vmem_shared>> -> memref<10000x128xf32, #tpu.memory_space<vmem_shared>>
      tpu.wait_indirect_dma semaphore(%arg17 : memref<!tpu.dma_semaphore, #tpu.memory_space<semaphore_mem>>) src(%arg11 : memref<80x128xf32, #tpu.memory_space<vmem>>) dst(%dma_wait3A_142 : memref<10000x128xf32, #tpu.memory_space<vmem_shared>>)
      %add3A_143 = arith.constant 2 : i32
      %add3A_144 = arith.addi %mul3A_136, %add3A_143 : i32
      %mul3A_145 = arith.constant 80 : i32
      %mul3A_146 = arith.muli %add3A_144, %mul3A_145 : i32
      %dma_start3A_147 = tpu.memref_slice %arg7[%mul3A_146] : memref<10000xi32, #tpu.memory_space<vmem>> -> memref<80xi32, #tpu.memory_space<vmem>>
      %dma_start3A_148 = arith.constant 0 : i32
      %dma_start3A_149 = arith.constant 0 : i32
      %dma_start3A_150 = tpu.memref_slice %arg2[%dma_start3A_148, %dma_start3A_149] : memref<10000x128xf32, #tpu.memory_space<hbm>> -> memref<10000x128xf32, #tpu.memory_space<hbm>>
      tpu.enqueue_indirect_dma source(%dma_start3A_150 : memref<10000x128xf32, #tpu.memory_space<hbm>>) target(%arg11 : memref<80x128xf32, #tpu.memory_space<vmem>>) offsets(%dma_start3A_147 : memref<80xi32, #tpu.memory_space<vmem>>) semaphore(%arg14 : memref<!tpu.dma_semaphore, #tpu.memory_space<semaphore_mem>>)
      %mul3A_151 = arith.constant 80 : i32
      %mul3A_152 = arith.muli %mul3A_136, %mul3A_151 : i32
      %dma_wait3A_153 = tpu.memref_slice %arg7[%mul3A_152] : memref<10000xi32, #tpu.memory_space<vmem>> -> memref<80xi32, #tpu.memory_space<vmem>>
      %dma_wait3A_154 = arith.constant 0 : i32
      %dma_wait3A_155 = arith.constant 0 : i32
      %dma_wait3A_156 = tpu.memref_slice %arg2[%dma_wait3A_154, %dma_wait3A_155] : memref<10000x128xf32, #tpu.memory_space<hbm>> -> memref<10000x128xf32, #tpu.memory_space<hbm>>
      tpu.wait_indirect_dma semaphore(%arg12 : memref<!tpu.dma_semaphore, #tpu.memory_space<semaphore_mem>>) src(%dma_wait3A_156 : memref<10000x128xf32, #tpu.memory_space<hbm>>) dst(%arg9 : memref<80x128xf32, #tpu.memory_space<vmem>>)
      %dma_start3A_157 = arith.constant 0 : i32
      %dma_start3A_158 = tpu.memref_slice %arg8[%mul3A_136, %dma_start3A_157] : memref<125x80xi32, #tpu.memory_space<vmem>> -> memref<1x80xi32, #tpu.memory_space<vmem>>
      %dma_start3A_159 = tpu.memref_squeeze %dma_start3A_158 : memref<1x80xi32, #tpu.memory_space<vmem>> -> memref<80xi32, #tpu.memory_space<vmem>>
      %dma_start3A_160 = arith.constant 0 : i32
      %dma_start3A_161 = arith.constant 0 : i32
      %dma_start3A_162 = tpu.memref_slice %arg6[%dma_start3A_160, %dma_start3A_161] : memref<10000x128xf32, #tpu.memory_space<vmem_shared>> -> memref<10000x128xf32, #tpu.memory_space<vmem_shared>>
      tpu.enqueue_indirect_dma source(%arg9 : memref<80x128xf32, #tpu.memory_space<vmem>>) target(%dma_start3A_162 : memref<10000x128xf32, #tpu.memory_space<vmem_shared>>) offsets(%dma_start3A_159 : memref<80xi32, #tpu.memory_space<vmem>>) semaphore(%arg15 : memref<!tpu.dma_semaphore, #tpu.memory_space<semaphore_mem>>) {add = true}
      %mul3A_163 = arith.constant 3 : i32
      %mul3A_164 = arith.muli %mul3A_163, %scan3A_134 : i32
      %add3A_165 = arith.constant 1 : i32
      %add3A_166 = arith.addi %mul3A_164, %add3A_165 : i32
      %dma_wait3A_167 = arith.constant 0 : i32
      %dma_wait3A_168 = tpu.memref_slice %arg8[%add3A_166, %dma_wait3A_167] : memref<125x80xi32, #tpu.memory_space<vmem>> -> memref<1x80xi32, #tpu.memory_space<vmem>>
      %dma_wait3A_169 = tpu.memref_squeeze %dma_wait3A_168 : memref<1x80xi32, #tpu.memory_space<vmem>> -> memref<80xi32, #tpu.memory_space<vmem>>
      %dma_wait3A_170 = arith.constant 0 : i32
      %dma_wait3A_171 = arith.constant 0 : i32
      %dma_wait3A_172 = tpu.memref_slice %arg6[%dma_wait3A_170, %dma_wait3A_171] : memref<10000x128xf32, #tpu.memory_space<vmem_shared>> -> memref<10000x128xf32, #tpu.memory_space<vmem_shared>>
      tpu.wait_indirect_dma semaphore(%arg15 : memref<!tpu.dma_semaphore, #tpu.memory_space<semaphore_mem>>) src(%arg9 : memref<80x128xf32, #tpu.memory_space<vmem>>) dst(%dma_wait3A_172 : memref<10000x128xf32, #tpu.memory_space<vmem_shared>>)
      %add3A_173 = arith.constant 2 : i32
      %add3A_174 = arith.addi %add3A_166, %add3A_173 : i32
      %mul3A_175 = arith.constant 80 : i32
      %mul3A_176 = arith.muli %add3A_174, %mul3A_175 : i32
      %dma_start3A_177 = tpu.memref_slice %arg7[%mul3A_176] : memref<10000xi32, #tpu.memory_space<vmem>> -> memref<80xi32, #tpu.memory_space<vmem>>
      %dma_start3A_178 = arith.constant 0 : i32
      %dma_start3A_179 = arith.constant 0 : i32
      %dma_start3A_180 = tpu.memref_slice %arg2[%dma_start3A_178, %dma_start3A_179] : memref<10000x128xf32, #tpu.memory_space<hbm>> -> memref<10000x128xf32, #tpu.memory_space<hbm>>
      tpu.enqueue_indirect_dma source(%dma_start3A_180 : memref<10000x128xf32, #tpu.memory_space<hbm>>) target(%arg9 : memref<80x128xf32, #tpu.memory_space<vmem>>) offsets(%dma_start3A_177 : memref<80xi32, #tpu.memory_space<vmem>>) semaphore(%arg12 : memref<!tpu.dma_semaphore, #tpu.memory_space<semaphore_mem>>)
      %mul3A_181 = arith.constant 80 : i32
      %mul3A_182 = arith.muli %add3A_166, %mul3A_181 : i32
      %dma_wait3A_183 = tpu.memref_slice %arg7[%mul3A_182] : memref<10000xi32, #tpu.memory_space<vmem>> -> memref<80xi32, #tpu.memory_space<vmem>>
      %dma_wait3A_184 = arith.constant 0 : i32
      %dma_wait3A_185 = arith.constant 0 : i32
      %dma_wait3A_186 = tpu.memref_slice %arg2[%dma_wait3A_184, %dma_wait3A_185] : memref<10000x128xf32, #tpu.memory_space<hbm>> -> memref<10000x128xf32, #tpu.memory_space<hbm>>
      tpu.wait_indirect_dma semaphore(%arg13 : memref<!tpu.dma_semaphore, #tpu.memory_space<semaphore_mem>>) src(%dma_wait3A_186 : memref<10000x128xf32, #tpu.memory_space<hbm>>) dst(%arg10 : memref<80x128xf32, #tpu.memory_space<vmem>>)
      %dma_start3A_187 = arith.constant 0 : i32
      %dma_start3A_188 = tpu.memref_slice %arg8[%add3A_166, %dma_start3A_187] : memref<125x80xi32, #tpu.memory_space<vmem>> -> memref<1x80xi32, #tpu.memory_space<vmem>>
      %dma_start3A_189 = tpu.memref_squeeze %dma_start3A_188 : memref<1x80xi32, #tpu.memory_space<vmem>> -> memref<80xi32, #tpu.memory_space<vmem>>
      %dma_start3A_190 = arith.constant 0 : i32
      %dma_start3A_191 = arith.constant 0 : i32
      %dma_start3A_192 = tpu.memref_slice %arg6[%dma_start3A_190, %dma_start3A_191] : memref<10000x128xf32, #tpu.memory_space<vmem_shared>> -> memref<10000x128xf32, #tpu.memory_space<vmem_shared>>
      tpu.enqueue_indirect_dma source(%arg10 : memref<80x128xf32, #tpu.memory_space<vmem>>) target(%dma_start3A_192 : memref<10000x128xf32, #tpu.memory_space<vmem_shared>>) offsets(%dma_start3A_189 : memref<80xi32, #tpu.memory_space<vmem>>) semaphore(%arg16 : memref<!tpu.dma_semaphore, #tpu.memory_space<semaphore_mem>>) {add = true}
      %mul3A_193 = arith.constant 3 : i32
      %mul3A_194 = arith.muli %mul3A_193, %scan3A_134 : i32
      %add3A_195 = arith.constant 2 : i32
      %add3A_196 = arith.addi %mul3A_194, %add3A_195 : i32
      %dma_wait3A_197 = arith.constant 0 : i32
      %dma_wait3A_198 = tpu.memref_slice %arg8[%add3A_196, %dma_wait3A_197] : memref<125x80xi32, #tpu.memory_space<vmem>> -> memref<1x80xi32, #tpu.memory_space<vmem>>
      %dma_wait3A_199 = tpu.memref_squeeze %dma_wait3A_198 : memref<1x80xi32, #tpu.memory_space<vmem>> -> memref<80xi32, #tpu.memory_space<vmem>>
      %dma_wait3A_200 = arith.constant 0 : i32
      %dma_wait3A_201 = arith.constant 0 : i32
      %dma_wait3A_202 = tpu.memref_slice %arg6[%dma_wait3A_200, %dma_wait3A_201] : memref<10000x128xf32, #tpu.memory_space<vmem_shared>> -> memref<10000x128xf32, #tpu.memory_space<vmem_shared>>
      tpu.wait_indirect_dma semaphore(%arg16 : memref<!tpu.dma_semaphore, #tpu.memory_space<semaphore_mem>>) src(%arg10 : memref<80x128xf32, #tpu.memory_space<vmem>>) dst(%dma_wait3A_202 : memref<10000x128xf32, #tpu.memory_space<vmem_shared>>)
      %add3A_203 = arith.constant 2 : i32
      %add3A_204 = arith.addi %add3A_196, %add3A_203 : i32
      %mul3A_205 = arith.constant 80 : i32
      %mul3A_206 = arith.muli %add3A_204, %mul3A_205 : i32
      %dma_start3A_207 = tpu.memref_slice %arg7[%mul3A_206] : memref<10000xi32, #tpu.memory_space<vmem>> -> memref<80xi32, #tpu.memory_space<vmem>>
      %dma_start3A_208 = arith.constant 0 : i32
      %dma_start3A_209 = arith.constant 0 : i32
      %dma_start3A_210 = tpu.memref_slice %arg2[%dma_start3A_208, %dma_start3A_209] : memref<10000x128xf32, #tpu.memory_space<hbm>> -> memref<10000x128xf32, #tpu.memory_space<hbm>>
      tpu.enqueue_indirect_dma source(%dma_start3A_210 : memref<10000x128xf32, #tpu.memory_space<hbm>>) target(%arg10 : memref<80x128xf32, #tpu.memory_space<vmem>>) offsets(%dma_start3A_207 : memref<80xi32, #tpu.memory_space<vmem>>) semaphore(%arg13 : memref<!tpu.dma_semaphore, #tpu.memory_space<semaphore_mem>>)
      %mul3A_211 = arith.constant 80 : i32
      %mul3A_212 = arith.muli %add3A_196, %mul3A_211 : i32
      %dma_wait3A_213 = tpu.memref_slice %arg7[%mul3A_212] : memref<10000xi32, #tpu.memory_space<vmem>> -> memref<80xi32, #tpu.memory_space<vmem>>
      %dma_wait3A_214 = arith.constant 0 : i32
      %dma_wait3A_215 = arith.constant 0 : i32
      %dma_wait3A_216 = tpu.memref_slice %arg2[%dma_wait3A_214, %dma_wait3A_215] : memref<10000x128xf32, #tpu.memory_space<hbm>> -> memref<10000x128xf32, #tpu.memory_space<hbm>>
      tpu.wait_indirect_dma semaphore(%arg14 : memref<!tpu.dma_semaphore, #tpu.memory_space<semaphore_mem>>) src(%dma_wait3A_216 : memref<10000x128xf32, #tpu.memory_space<hbm>>) dst(%arg11 : memref<80x128xf32, #tpu.memory_space<vmem>>)
      %dma_start3A_217 = arith.constant 0 : i32
      %dma_start3A_218 = tpu.memref_slice %arg8[%add3A_196, %dma_start3A_217] : memref<125x80xi32, #tpu.memory_space<vmem>> -> memref<1x80xi32, #tpu.memory_space<vmem>>
      %dma_start3A_219 = tpu.memref_squeeze %dma_start3A_218 : memref<1x80xi32, #tpu.memory_space<vmem>> -> memref<80xi32, #tpu.memory_space<vmem>>
      %dma_start3A_220 = arith.constant 0 : i32
      %dma_start3A_221 = arith.constant 0 : i32
      %dma_start3A_222 = tpu.memref_slice %arg6[%dma_start3A_220, %dma_start3A_221] : memref<10000x128xf32, #tpu.memory_space<vmem_shared>> -> memref<10000x128xf32, #tpu.memory_space<vmem_shared>>
      tpu.enqueue_indirect_dma source(%arg11 : memref<80x128xf32, #tpu.memory_space<vmem>>) target(%dma_start3A_222 : memref<10000x128xf32, #tpu.memory_space<vmem_shared>>) offsets(%dma_start3A_219 : memref<80xi32, #tpu.memory_space<vmem>>) semaphore(%arg17 : memref<!tpu.dma_semaphore, #tpu.memory_space<semaphore_mem>>) {add = true}
    }
    %scan3A_82 = arith.constant 40 : i32
    %dma_wait3A_83 = arith.constant 9840 : i32
    %dma_wait3A_84 = tpu.memref_slice %arg7[%dma_wait3A_83] : memref<10000xi32, #tpu.memory_space<vmem>> -> memref<80xi32, #tpu.memory_space<vmem>>
    %dma_wait3A_85 = arith.constant 0 : i32
    %dma_wait3A_86 = arith.constant 0 : i32
    %dma_wait3A_87 = tpu.memref_slice %arg2[%dma_wait3A_85, %dma_wait3A_86] : memref<10000x128xf32, #tpu.memory_space<hbm>> -> memref<10000x128xf32, #tpu.memory_space<hbm>>
    tpu.wait_indirect_dma semaphore(%arg12 : memref<!tpu.dma_semaphore, #tpu.memory_space<semaphore_mem>>) src(%dma_wait3A_87 : memref<10000x128xf32, #tpu.memory_space<hbm>>) dst(%arg9 : memref<80x128xf32, #tpu.memory_space<vmem>>)
    %dma_start3A_88 = arith.constant 123 : i32
    %dma_start3A_89 = arith.constant 0 : i32
    %dma_start3A_90 = tpu.memref_slice %arg8[%dma_start3A_88, %dma_start3A_89] : memref<125x80xi32, #tpu.memory_space<vmem>> -> memref<1x80xi32, #tpu.memory_space<vmem>>
    %dma_start3A_91 = tpu.memref_squeeze %dma_start3A_90 : memref<1x80xi32, #tpu.memory_space<vmem>> -> memref<80xi32, #tpu.memory_space<vmem>>
    %dma_start3A_92 = arith.constant 0 : i32
    %dma_start3A_93 = arith.constant 0 : i32
    %dma_start3A_94 = tpu.memref_slice %arg6[%dma_start3A_92, %dma_start3A_93] : memref<10000x128xf32, #tpu.memory_space<vmem_shared>> -> memref<10000x128xf32, #tpu.memory_space<vmem_shared>>
    tpu.enqueue_indirect_dma source(%arg9 : memref<80x128xf32, #tpu.memory_space<vmem>>) target(%dma_start3A_94 : memref<10000x128xf32, #tpu.memory_space<vmem_shared>>) offsets(%dma_start3A_91 : memref<80xi32, #tpu.memory_space<vmem>>) semaphore(%arg15 : memref<!tpu.dma_semaphore, #tpu.memory_space<semaphore_mem>>) {add = true}
    %dma_wait3A_95 = arith.constant 9920 : i32
    %dma_wait3A_96 = tpu.memref_slice %arg7[%dma_wait3A_95] : memref<10000xi32, #tpu.memory_space<vmem>> -> memref<80xi32, #tpu.memory_space<vmem>>
    %dma_wait3A_97 = arith.constant 0 : i32
    %dma_wait3A_98 = arith.constant 0 : i32
    %dma_wait3A_99 = tpu.memref_slice %arg2[%dma_wait3A_97, %dma_wait3A_98] : memref<10000x128xf32, #tpu.memory_space<hbm>> -> memref<10000x128xf32, #tpu.memory_space<hbm>>
    tpu.wait_indirect_dma semaphore(%arg13 : memref<!tpu.dma_semaphore, #tpu.memory_space<semaphore_mem>>) src(%dma_wait3A_99 : memref<10000x128xf32, #tpu.memory_space<hbm>>) dst(%arg10 : memref<80x128xf32, #tpu.memory_space<vmem>>)
    %dma_start3A_100 = arith.constant 124 : i32
    %dma_start3A_101 = arith.constant 0 : i32
    %dma_start3A_102 = tpu.memref_slice %arg8[%dma_start3A_100, %dma_start3A_101] : memref<125x80xi32, #tpu.memory_space<vmem>> -> memref<1x80xi32, #tpu.memory_space<vmem>>
    %dma_start3A_103 = tpu.memref_squeeze %dma_start3A_102 : memref<1x80xi32, #tpu.memory_space<vmem>> -> memref<80xi32, #tpu.memory_space<vmem>>
    %dma_start3A_104 = arith.constant 0 : i32
    %dma_start3A_105 = arith.constant 0 : i32
    %dma_start3A_106 = tpu.memref_slice %arg6[%dma_start3A_104, %dma_start3A_105] : memref<10000x128xf32, #tpu.memory_space<vmem_shared>> -> memref<10000x128xf32, #tpu.memory_space<vmem_shared>>
    tpu.enqueue_indirect_dma source(%arg10 : memref<80x128xf32, #tpu.memory_space<vmem>>) target(%dma_start3A_106 : memref<10000x128xf32, #tpu.memory_space<vmem_shared>>) offsets(%dma_start3A_103 : memref<80xi32, #tpu.memory_space<vmem>>) semaphore(%arg16 : memref<!tpu.dma_semaphore, #tpu.memory_space<semaphore_mem>>) {add = true}
    %dma_wait3A_107 = arith.constant 122 : i32
    %dma_wait3A_108 = arith.constant 0 : i32
    %dma_wait3A_109 = tpu.memref_slice %arg8[%dma_wait3A_107, %dma_wait3A_108] : memref<125x80xi32, #tpu.memory_space<vmem>> -> memref<1x80xi32, #tpu.memory_space<vmem>>
    %dma_wait3A_110 = tpu.memref_squeeze %dma_wait3A_109 : memref<1x80xi32, #tpu.memory_space<vmem>> -> memref<80xi32, #tpu.memory_space<vmem>>
    %dma_wait3A_111 = arith.constant 0 : i32
    %dma_wait3A_112 = arith.constant 0 : i32
    %dma_wait3A_113 = tpu.memref_slice %arg6[%dma_wait3A_111, %dma_wait3A_112] : memref<10000x128xf32, #tpu.memory_space<vmem_shared>> -> memref<10000x128xf32, #tpu.memory_space<vmem_shared>>
    tpu.wait_indirect_dma semaphore(%arg17 : memref<!tpu.dma_semaphore, #tpu.memory_space<semaphore_mem>>) src(%arg11 : memref<80x128xf32, #tpu.memory_space<vmem>>) dst(%dma_wait3A_113 : memref<10000x128xf32, #tpu.memory_space<vmem_shared>>)
    %dma_wait3A_114 = arith.constant 123 : i32
    %dma_wait3A_115 = arith.constant 0 : i32
    %dma_wait3A_116 = tpu.memref_slice %arg8[%dma_wait3A_114, %dma_wait3A_115] : memref<125x80xi32, #tpu.memory_space<vmem>> -> memref<1x80xi32, #tpu.memory_space<vmem>>
    %dma_wait3A_117 = tpu.memref_squeeze %dma_wait3A_116 : memref<1x80xi32, #tpu.memory_space<vmem>> -> memref<80xi32, #tpu.memory_space<vmem>>
    %dma_wait3A_118 = arith.constant 0 : i32
    %dma_wait3A_119 = arith.constant 0 : i32
    %dma_wait3A_120 = tpu.memref_slice %arg6[%dma_wait3A_118, %dma_wait3A_119] : memref<10000x128xf32, #tpu.memory_space<vmem_shared>> -> memref<10000x128xf32, #tpu.memory_space<vmem_shared>>
    tpu.wait_indirect_dma semaphore(%arg15 : memref<!tpu.dma_semaphore, #tpu.memory_space<semaphore_mem>>) src(%arg9 : memref<80x128xf32, #tpu.memory_space<vmem>>) dst(%dma_wait3A_120 : memref<10000x128xf32, #tpu.memory_space<vmem_shared>>)
    %dma_wait3A_121 = arith.constant 124 : i32
    %dma_wait3A_122 = arith.constant 0 : i32
    %dma_wait3A_123 = tpu.memref_slice %arg8[%dma_wait3A_121, %dma_wait3A_122] : memref<125x80xi32, #tpu.memory_space<vmem>> -> memref<1x80xi32, #tpu.memory_space<vmem>>
    %dma_wait3A_124 = tpu.memref_squeeze %dma_wait3A_123 : memref<1x80xi32, #tpu.memory_space<vmem>> -> memref<80xi32, #tpu.memory_space<vmem>>
    %dma_wait3A_125 = arith.constant 0 : i32
    %dma_wait3A_126 = arith.constant 0 : i32
    %dma_wait3A_127 = tpu.memref_slice %arg6[%dma_wait3A_125, %dma_wait3A_126] : memref<10000x128xf32, #tpu.memory_space<vmem_shared>> -> memref<10000x128xf32, #tpu.memory_space<vmem_shared>>
    tpu.wait_indirect_dma semaphore(%arg16 : memref<!tpu.dma_semaphore, #tpu.memory_space<semaphore_mem>>) src(%arg10 : memref<80x128xf32, #tpu.memory_space<vmem>>) dst(%dma_wait3A_127 : memref<10000x128xf32, #tpu.memory_space<vmem_shared>>)
    %barrier3A_128 = arith.constant 0 : index
    tpu.barrier barrier_id(%barrier3A_128)
    "tpu.region"() ({
      %run_scoped3A = tpu.sem_alloc : memref<!tpu.dma_semaphore, #tpu.memory_space<semaphore_mem>>
      %dma_start3A_134 = arith.constant 0 : i32
      %dma_start3A_135 = tpu.memref_slice %arg5[%arg0, %mul3A_11, %dma_start3A_134] : memref<2x10000x128xf32, #tpu.memory_space<hbm>> -> memref<1x624x128xf32, #tpu.memory_space<hbm>>
      %dma_start3A_136 = tpu.memref_squeeze %dma_start3A_135 : memref<1x624x128xf32, #tpu.memory_space<hbm>> -> memref<624x128xf32, #tpu.memory_space<hbm>>
      %dma_start3A_137 = arith.constant 0 : i32
      %dma_start3A_138 = tpu.memref_slice %arg6[%mul3A_11, %dma_start3A_137] : memref<10000x128xf32, #tpu.memory_space<vmem_shared>> -> memref<624x128xf32, #tpu.memory_space<vmem_shared>>
      tpu.enqueue_dma source(%dma_start3A_138 : memref<624x128xf32, #tpu.memory_space<vmem_shared>>) target(%dma_start3A_136 : memref<624x128xf32, #tpu.memory_space<hbm>>) target_semaphore(%run_scoped3A : memref<!tpu.dma_semaphore, #tpu.memory_space<semaphore_mem>>)
      %dma_wait3A_139 = arith.constant 0 : i32
      %dma_wait3A_140 = tpu.memref_slice %arg5[%arg0, %mul3A_11, %dma_wait3A_139] : memref<2x10000x128xf32, #tpu.memory_space<hbm>> -> memref<1x624x128xf32, #tpu.memory_space<hbm>>
      %dma_wait3A_141 = tpu.memref_squeeze %dma_wait3A_140 : memref<1x624x128xf32, #tpu.memory_space<hbm>> -> memref<624x128xf32, #tpu.memory_space<hbm>>
      %dma_wait3A_142 = arith.constant 0 : i32
      %dma_wait3A_143 = tpu.memref_slice %arg6[%mul3A_11, %dma_wait3A_142] : memref<10000x128xf32, #tpu.memory_space<vmem_shared>> -> memref<624x128xf32, #tpu.memory_space<vmem_shared>>
      tpu.wait_dma2 semaphore(%run_scoped3A : memref<!tpu.dma_semaphore, #tpu.memory_space<semaphore_mem>>) src(%dma_wait3A_143 : memref<624x128xf32, #tpu.memory_space<vmem_shared>>) dst(%dma_wait3A_141 : memref<624x128xf32, #tpu.memory_space<hbm>>)
      tpu.yield
    }) : () -> ()
    %eq3A_129 = arith.constant 15 : i32
    %eq3A_130 = arith.cmpi eq, %arg1, %eq3A_129 : i32
    %convert_element_type3A_131 = arith.extui %eq3A_130 : i1 to i32
    %cond3A_132 = arith.constant 0 : i32
    %cond3A_133 = arith.cmpi ne, %convert_element_type3A_131, %cond3A_132 : i32
    scf.if %cond3A_133 {
      "tpu.region"() ({
        %run_scoped3A = tpu.sem_alloc : memref<!tpu.dma_semaphore, #tpu.memory_space<semaphore_mem>>
        %dma_start3A_134 = arith.constant 9984 : i32
        %dma_start3A_135 = arith.constant 0 : i32
        %dma_start3A_136 = tpu.memref_slice %arg5[%arg0, %dma_start3A_134, %dma_start3A_135] : memref<2x10000x128xf32, #tpu.memory_space<hbm>> -> memref<1x16x128xf32, #tpu.memory_space<hbm>>
        %dma_start3A_137 = tpu.memref_squeeze %dma_start3A_136 : memref<1x16x128xf32, #tpu.memory_space<hbm>> -> memref<16x128xf32, #tpu.memory_space<hbm>>
        %dma_start3A_138 = arith.constant 9984 : i32
        %dma_start3A_139 = arith.constant 0 : i32
        %dma_start3A_140 = tpu.memref_slice %arg6[%dma_start3A_138, %dma_start3A_139] : memref<10000x128xf32, #tpu.memory_space<vmem_shared>> -> memref<16x128xf32, #tpu.memory_space<vmem_shared>>
        tpu.enqueue_dma source(%dma_start3A_140 : memref<16x128xf32, #tpu.memory_space<vmem_shared>>) target(%dma_start3A_137 : memref<16x128xf32, #tpu.memory_space<hbm>>) target_semaphore(%run_scoped3A : memref<!tpu.dma_semaphore, #tpu.memory_space<semaphore_mem>>)
        %dma_wait3A_141 = arith.constant 9984 : i32
        %dma_wait3A_142 = arith.constant 0 : i32
        %dma_wait3A_143 = tpu.memref_slice %arg5[%arg0, %dma_wait3A_141, %dma_wait3A_142] : memref<2x10000x128xf32, #tpu.memory_space<hbm>> -> memref<1x16x128xf32, #tpu.memory_space<hbm>>
        %dma_wait3A_144 = tpu.memref_squeeze %dma_wait3A_143 : memref<1x16x128xf32, #tpu.memory_space<hbm>> -> memref<16x128xf32, #tpu.memory_space<hbm>>
        %dma_wait3A_145 = arith.constant 9984 : i32
        %dma_wait3A_146 = arith.constant 0 : i32
        %dma_wait3A_147 = tpu.memref_slice %arg6[%dma_wait3A_145, %dma_wait3A_146] : memref<10000x128xf32, #tpu.memory_space<vmem_shared>> -> memref<16x128xf32, #tpu.memory_space<vmem_shared>>
        tpu.wait_dma2 semaphore(%run_scoped3A : memref<!tpu.dma_semaphore, #tpu.memory_space<semaphore_mem>>) src(%dma_wait3A_147 : memref<16x128xf32, #tpu.memory_space<vmem_shared>>) dst(%dma_wait3A_144 : memref<16x128xf32, #tpu.memory_space<hbm>>)
        tpu.yield
      }) : () -> ()
    } else {
    }
    return
  }
}

module attributes {stable_mosaic.version = 14 : i64} {
  func.func @_fc_body(%arg0: i32, %arg1: memref<1000x128xf32, #tpu.memory_space<vmem>>, %arg2: memref<128x128xf32, #tpu.memory_space<vmem>>, %arg3: memref<1000x128xf32, #tpu.memory_space<vmem>>) attributes {dimension_semantics = [#tpu.dimension_semantics<arbitrary>], iteration_bounds = array<i64: 10>, scalar_prefetch = 0 : i64, scratch_operands = 0 : i64, tpu.core_type = #tpu.core_type<tc>, window_params = [{transform_indices = @transform_0, window_bounds = array<i64: 1000, 128>}, {pipeline_mode = #tpu.pipeline_mode<synchronous>, transform_indices = @transform_1, window_bounds = array<i64: 128, 128>}, {transform_indices = @transform_2, window_bounds = array<i64: 1000, 128>}]} {
    %get3A = arith.constant 0 : index
    %get3A_0 = arith.constant 0 : index
    %get3A_1 = vector.load %arg1[%get3A, %get3A_0] : memref<1000x128xf32, #tpu.memory_space<vmem>>, vector<1000x128xf32>
    %get3A_2 = arith.constant 0 : index
    %get3A_3 = arith.constant 0 : index
    %get3A_4 = vector.load %arg2[%get3A_2, %get3A_3] : memref<128x128xf32, #tpu.memory_space<vmem>>, vector<128x128xf32>
    %dot_general3A = arith.constant dense<0.000000e+00> : vector<1000x128xf32>
    %dot_general3A_5 = tpu.matmul %get3A_1, %get3A_4, %dot_general3A {dimension_numbers = #tpu.dot_dimension_numbers<[1], [1], [0], [0], [0, 0, 1, 0], [], []>, transpose_lhs_hint = false} : vector<1000x128xf32>, vector<128x128xf32>, vector<1000x128xf32> -> vector<1000x128xf32>
    %swap3A = arith.constant 0 : index
    %swap3A_6 = arith.constant 0 : index
    %swap3A_7 = vector.load %arg3[%swap3A, %swap3A_6] : memref<1000x128xf32, #tpu.memory_space<vmem>>, vector<1000x128xf32>
    tpu.vector_store %arg3[%swap3A, %swap3A_6], %dot_general3A_5 {strides = array<i32>} : memref<1000x128xf32, #tpu.memory_space<vmem>>, vector<1000x128xf32>,
    return
  }
  func.func @transform_0(%arg0: i32) -> (i32, i32) {
    %c0_i32 = arith.constant 0 : i32
    %c0_i32_0 = arith.constant 0 : i32
    return %arg0, %c0_i32 : i32, i32
  }
  func.func @transform_1(%arg0: i32) -> (i32, i32) {
    %c0_i32 = arith.constant 0 : i32
    %c0_i32_0 = arith.constant 0 : i32
    %c0_i32_1 = arith.constant 0 : i32
    return %c0_i32, %c0_i32_0 : i32, i32
  }
  func.func @transform_2(%arg0: i32) -> (i32, i32) {
    %c0_i32 = arith.constant 0 : i32
    %c0_i32_0 = arith.constant 0 : i32
    return %arg0, %c0_i32 : i32, i32
  }
}

module attributes {stable_mosaic.version = 14 : i64} {
  func.func @_layer_body(%arg0: i32, %arg1: i32, %arg2: memref<2x1000x128xf32, #tpu.memory_space<vmem>>, %arg3: memref<1000x128xf32, #tpu.memory_space<vmem>>, %arg4: memref<128x128xf32, #tpu.memory_space<vmem>>, %arg5: memref<1x128xf32, #tpu.memory_space<vmem>>, %arg6: memref<128x128xf32, #tpu.memory_space<vmem>>, %arg7: memref<1x128xf32, #tpu.memory_space<vmem>>, %arg8: memref<1x128xf32, #tpu.memory_space<vmem>>, %arg9: memref<1x128xf32, #tpu.memory_space<vmem>>, %arg10: memref<1x1x1000xi32, #tpu.memory_space<vmem>>, %arg11: memref<128x128xf32, #tpu.memory_space<vmem>>, %arg12: memref<1000x128xf32, #tpu.memory_space<vmem>>, %arg13: memref<128x128xf32, #tpu.memory_space<vmem>>, %arg14: memref<10000x128xf32, #tpu.memory_space<vmem>>, %arg15: memref<1x128xf32, #tpu.memory_space<vmem>>, %arg16: memref<1x128xf32, #tpu.memory_space<vmem>>) attributes {dimension_semantics = [#tpu.dimension_semantics<arbitrary>, #tpu.dimension_semantics<arbitrary>], iteration_bounds = array<i64: 2, 10>, scalar_prefetch = 0 : i64, scratch_operands = 3 : i64, tpu.core_type = #tpu.core_type<tc>, window_params = [{transform_indices = @transform_0, window_bounds = array<i64: 2, 1000, 128>}, {transform_indices = @transform_1, window_bounds = array<i64: 1000, 128>}, {pipeline_mode = #tpu.pipeline_mode<synchronous>, transform_indices = @transform_2, window_bounds = array<i64: 128, 128>}, {pipeline_mode = #tpu.pipeline_mode<synchronous>, transform_indices = @transform_3, window_bounds = array<i64: 1, 128>}, {pipeline_mode = #tpu.pipeline_mode<synchronous>, transform_indices = @transform_4, window_bounds = array<i64: 128, 128>}, {pipeline_mode = #tpu.pipeline_mode<synchronous>, transform_indices = @transform_5, window_bounds = array<i64: 1, 128>}, {pipeline_mode = #tpu.pipeline_mode<synchronous>, transform_indices = @transform_6, window_bounds = array<i64: 1, 128>}, {pipeline_mode = #tpu.pipeline_mode<synchronous>, transform_indices = @transform_7, window_bounds = array<i64: 1, 128>}, {transform_indices = @transform_8, window_bounds = array<i64: 1, 1, 1000>}, {pipeline_mode = #tpu.pipeline_mode<synchronous>, transform_indices = @transform_9, window_bounds = array<i64: 128, 128>}, {transform_indices = @transform_10, window_bounds = array<i64: 1000, 128>}, {pipeline_mode = #tpu.pipeline_mode<synchronous>, transform_indices = @transform_11, window_bounds = array<i64: 128, 128>}]} {
    %eq3A = arith.constant 0 : i32
    %eq3A_0 = arith.cmpi eq, %arg0, %eq3A : i32
    %convert_element_type3A = arith.extui %eq3A_0 : i1 to i32
    %cond3A = arith.constant 0 : i32
    %cond3A_1 = arith.cmpi ne, %convert_element_type3A, %cond3A : i32
    scf.if %cond3A_1 {
      %get3A = arith.constant 0 : index
      %get3A_7 = arith.constant 0 : index
      %get3A_8 = arith.constant 0 : index
      %get3A_9 = vector.load %arg2[%get3A, %get3A_7, %get3A_8] : memref<2x1000x128xf32, #tpu.memory_space<vmem>>, vector<1x1000x128xf32>
      %get3A_10 = vector.shape_cast %get3A_9 : vector<1x1000x128xf32> to vector<1000x128xf32>
      %get3A_11 = arith.constant 1 : index
      %get3A_12 = arith.constant 0 : index
      %get3A_13 = arith.constant 0 : index
      %get3A_14 = vector.load %arg2[%get3A_11, %get3A_12, %get3A_13] : memref<2x1000x128xf32, #tpu.memory_space<vmem>>, vector<1x1000x128xf32>
      %get3A_15 = vector.shape_cast %get3A_14 : vector<1x1000x128xf32> to vector<1000x128xf32>
      %add3A = arith.addf %get3A_10, %get3A_15 : vector<1000x128xf32>
      %get3A_16 = arith.constant 0 : index
      %get3A_17 = arith.constant 0 : index
      %get3A_18 = vector.load %arg3[%get3A_16, %get3A_17] : memref<1000x128xf32, #tpu.memory_space<vmem>>, vector<1000x128xf32>
      %sub3A = arith.subf %add3A, %get3A_18 : vector<1000x128xf32>
      %get3A_19 = arith.constant 0 : index
      %get3A_20 = arith.constant 0 : index
      %get3A_21 = vector.load %arg4[%get3A_19, %get3A_20] : memref<128x128xf32, #tpu.memory_space<vmem>>, vector<128x128xf32>
      %dot_general3A = arith.constant dense<0.000000e+00> : vector<1000x128xf32>
      %dot_general3A_22 = tpu.matmul %sub3A, %get3A_21, %dot_general3A {dimension_numbers = #tpu.dot_dimension_numbers<[1], [1], [0], [0], [0, 0, 1, 0], [], []>, transpose_lhs_hint = false} : vector<1000x128xf32>, vector<128x128xf32>, vector<1000x128xf32> -> vector<1000x128xf32>
      %get3A_23 = arith.constant 0 : index
      %get3A_24 = arith.constant 0 : index
      %get3A_25 = vector.load %arg5[%get3A_23, %get3A_24] : memref<1x128xf32, #tpu.memory_space<vmem>>, vector<1x128xf32>
      %add3A_26 = vector.broadcast %get3A_25 : vector<1x128xf32> to vector<1000x128xf32>
      %add3A_27 = arith.addf %dot_general3A_22, %add3A_26 : vector<1000x128xf32>
      %max3A = arith.constant 0.000000e+00 : f32
      %max3A_28 = vector.broadcast %max3A : f32 to vector<1000x128xf32>
      %max3A_29 = arith.maximumf %add3A_27, %max3A_28 : vector<1000x128xf32>
      %get3A_30 = arith.constant 0 : index
      %get3A_31 = arith.constant 0 : index
      %get3A_32 = vector.load %arg6[%get3A_30, %get3A_31] : memref<128x128xf32, #tpu.memory_space<vmem>>, vector<128x128xf32>
      %dot_general3A_33 = arith.constant dense<0.000000e+00> : vector<1000x128xf32>
      %dot_general3A_34 = tpu.matmul %max3A_29, %get3A_32, %dot_general3A_33 {dimension_numbers = #tpu.dot_dimension_numbers<[1], [1], [0], [0], [0, 0, 1, 0], [], []>, transpose_lhs_hint = false} : vector<1000x128xf32>, vector<128x128xf32>, vector<1000x128xf32> -> vector<1000x128xf32>
      %get3A_35 = arith.constant 0 : index
      %get3A_36 = arith.constant 0 : index
      %get3A_37 = vector.load %arg7[%get3A_35, %get3A_36] : memref<1x128xf32, #tpu.memory_space<vmem>>, vector<1x128xf32>
      %add3A_38 = vector.broadcast %get3A_37 : vector<1x128xf32> to vector<1000x128xf32>
      %add3A_39 = arith.addf %dot_general3A_34, %add3A_38 : vector<1000x128xf32>
      %max3A_40 = arith.constant 0.000000e+00 : f32
      %max3A_41 = vector.broadcast %max3A_40 : f32 to vector<1000x128xf32>
      %max3A_42 = arith.maximumf %add3A_39, %max3A_41 : vector<1000x128xf32>
      %mul3A = arith.constant 1000 : i32
      %mul3A_43 = arith.muli %arg1, %mul3A : i32
      %swap3A = arith.index_cast %mul3A_43 : i32 to index
      %swap3A_44 = arith.constant 0 : index
      %swap3A_45 = vector.load %arg14[%swap3A, %swap3A_44] : memref<10000x128xf32, #tpu.memory_space<vmem>>, vector<1000x128xf32>
      tpu.vector_store %arg14[%swap3A, %swap3A_44], %max3A_42 {strides = array<i32>} : memref<10000x128xf32, #tpu.memory_space<vmem>>, vector<1000x128xf32>,
      %reduce_sum3A = arith.constant dense<0.000000e+00> : vector<128xf32>
      %reduce_sum3A_46 = vector.multi_reduction <add>, %max3A_42, %reduce_sum3A [0] : vector<1000x128xf32> to vector<128xf32>
      %broadcast_in_dim3A = vector.shape_cast %reduce_sum3A_46 : vector<128xf32> to vector<1x128xf32>
      %mul3A_47 = arith.mulf %max3A_42, %max3A_42 : vector<1000x128xf32>
      %reduce_sum3A_48 = arith.constant dense<0.000000e+00> : vector<128xf32>
      %reduce_sum3A_49 = vector.multi_reduction <add>, %mul3A_47, %reduce_sum3A_48 [0] : vector<1000x128xf32> to vector<128xf32>
      %broadcast_in_dim3A_50 = vector.shape_cast %reduce_sum3A_49 : vector<128xf32> to vector<1x128xf32>
      %eq3A_51 = arith.constant 0 : i32
      %eq3A_52 = arith.cmpi eq, %arg1, %eq3A_51 : i32
      %convert_element_type3A_53 = arith.extui %eq3A_52 : i1 to i32
      %cond3A_54 = arith.constant 0 : i32
      %cond3A_55 = arith.cmpi ne, %convert_element_type3A_53, %cond3A_54 : i32
      scf.if %cond3A_55 {
        %swap3A_60 = arith.constant 0 : index
        %swap3A_61 = arith.constant 0 : index
        %swap3A_62 = vector.load %arg15[%swap3A_60, %swap3A_61] : memref<1x128xf32, #tpu.memory_space<vmem>>, vector<1x128xf32>
        tpu.vector_store %arg15[%swap3A_60, %swap3A_61], %broadcast_in_dim3A {strides = array<i32>} : memref<1x128xf32, #tpu.memory_space<vmem>>, vector<1x128xf32>,
        %swap3A_63 = arith.constant 0 : index
        %swap3A_64 = arith.constant 0 : index
        %swap3A_65 = vector.load %arg16[%swap3A_63, %swap3A_64] : memref<1x128xf32, #tpu.memory_space<vmem>>, vector<1x128xf32>
        tpu.vector_store %arg16[%swap3A_63, %swap3A_64], %broadcast_in_dim3A_50 {strides = array<i32>} : memref<1x128xf32, #tpu.memory_space<vmem>>, vector<1x128xf32>,
      } else {
      }
      %gt3A = arith.constant 0 : i32
      %gt3A_56 = arith.cmpi sgt, %arg1, %gt3A : i32
      %convert_element_type3A_57 = arith.extui %gt3A_56 : i1 to i32
      %cond3A_58 = arith.constant 0 : i32
      %cond3A_59 = arith.cmpi ne, %convert_element_type3A_57, %cond3A_58 : i32
      scf.if %cond3A_59 {
        %get3A_60 = arith.constant 0 : index
        %get3A_61 = arith.constant 0 : index
        %get3A_62 = vector.load %arg15[%get3A_60, %get3A_61] : memref<1x128xf32, #tpu.memory_space<vmem>>, vector<1x128xf32>
        %add3A_63 = arith.addf %get3A_62, %broadcast_in_dim3A : vector<1x128xf32>
        %swap3A_64 = arith.constant 0 : index
        %swap3A_65 = arith.constant 0 : index
        %swap3A_66 = vector.load %arg15[%swap3A_64, %swap3A_65] : memref<1x128xf32, #tpu.memory_space<vmem>>, vector<1x128xf32>
        tpu.vector_store %arg15[%swap3A_64, %swap3A_65], %add3A_63 {strides = array<i32>} : memref<1x128xf32, #tpu.memory_space<vmem>>, vector<1x128xf32>,
        %get3A_67 = arith.constant 0 : index
        %get3A_68 = arith.constant 0 : index
        %get3A_69 = vector.load %arg16[%get3A_67, %get3A_68] : memref<1x128xf32, #tpu.memory_space<vmem>>, vector<1x128xf32>
        %add3A_70 = arith.addf %get3A_69, %broadcast_in_dim3A_50 : vector<1x128xf32>
        %swap3A_71 = arith.constant 0 : index
        %swap3A_72 = arith.constant 0 : index
        %swap3A_73 = vector.load %arg16[%swap3A_71, %swap3A_72] : memref<1x128xf32, #tpu.memory_space<vmem>>, vector<1x128xf32>
        tpu.vector_store %arg16[%swap3A_71, %swap3A_72], %add3A_70 {strides = array<i32>} : memref<1x128xf32, #tpu.memory_space<vmem>>, vector<1x128xf32>,
      } else {
      }
    } else {
    }
    %eq3A_2 = arith.constant 1 : i32
    %eq3A_3 = arith.cmpi eq, %arg0, %eq3A_2 : i32
    %convert_element_type3A_4 = arith.extui %eq3A_3 : i1 to i32
    %cond3A_5 = arith.constant 0 : i32
    %cond3A_6 = arith.cmpi ne, %convert_element_type3A_4, %cond3A_5 : i32
    scf.if %cond3A_6 {
      %get3A = arith.constant 0 : index
      %get3A_7 = arith.constant 0 : index
      %get3A_8 = vector.load %arg15[%get3A, %get3A_7] : memref<1x128xf32, #tpu.memory_space<vmem>>, vector<1x128xf32>
      %div3A = arith.constant 1.000000e+04 : f32
      %div3A_9 = vector.broadcast %div3A : f32 to vector<1x128xf32>
      %div3A_10 = arith.divf %get3A_8, %div3A_9 : vector<1x128xf32>
      %get3A_11 = arith.constant 0 : index
      %get3A_12 = arith.constant 0 : index
      %get3A_13 = vector.load %arg16[%get3A_11, %get3A_12] : memref<1x128xf32, #tpu.memory_space<vmem>>, vector<1x128xf32>
      %div3A_14 = arith.constant 1.000000e+04 : f32
      %div3A_15 = vector.broadcast %div3A_14 : f32 to vector<1x128xf32>
      %div3A_16 = arith.divf %get3A_13, %div3A_15 : vector<1x128xf32>
      %mul3A = arith.mulf %div3A_10, %div3A_10 : vector<1x128xf32>
      %sub3A = arith.subf %div3A_16, %mul3A : vector<1x128xf32>
      %add3A = arith.constant 9.99999974E-6 : f32
      %add3A_17 = vector.broadcast %add3A : f32 to vector<1x128xf32>
      %add3A_18 = arith.addf %sub3A, %add3A_17 : vector<1x128xf32>
      %rsqrt3A = math.rsqrt %add3A_18 : vector<1x128xf32>
      %get3A_19 = arith.constant 0 : index
      %get3A_20 = arith.constant 0 : index
      %get3A_21 = vector.load %arg8[%get3A_19, %get3A_20] : memref<1x128xf32, #tpu.memory_space<vmem>>, vector<1x128xf32>
      %mul3A_22 = arith.mulf %rsqrt3A, %get3A_21 : vector<1x128xf32>
      %mul3A_23 = arith.constant 1000 : i32
      %mul3A_24 = arith.muli %arg1, %mul3A_23 : i32
      %get3A_25 = arith.index_cast %mul3A_24 : i32 to index
      %get3A_26 = arith.constant 0 : index
      %get3A_27 = vector.load %arg14[%get3A_25, %get3A_26] : memref<10000x128xf32, #tpu.memory_space<vmem>>, vector<1000x128xf32>
      %sub3A_28 = vector.broadcast %div3A_10 : vector<1x128xf32> to vector<1000x128xf32>
      %sub3A_29 = arith.subf %get3A_27, %sub3A_28 : vector<1000x128xf32>
      %mul3A_30 = vector.broadcast %mul3A_22 : vector<1x128xf32> to vector<1000x128xf32>
      %mul3A_31 = arith.mulf %sub3A_29, %mul3A_30 : vector<1000x128xf32>
      %get3A_32 = arith.constant 0 : index
      %get3A_33 = arith.constant 0 : index
      %get3A_34 = vector.load %arg9[%get3A_32, %get3A_33] : memref<1x128xf32, #tpu.memory_space<vmem>>, vector<1x128xf32>
      %add3A_35 = vector.broadcast %get3A_34 : vector<1x128xf32> to vector<1000x128xf32>
      %add3A_36 = arith.addf %mul3A_31, %add3A_35 : vector<1000x128xf32>
      %swap3A = arith.constant 0 : index
      %swap3A_37 = arith.constant 0 : index
      %swap3A_38 = vector.load %arg12[%swap3A, %swap3A_37] : memref<1000x128xf32, #tpu.memory_space<vmem>>, vector<1000x128xf32>
      tpu.vector_store %arg12[%swap3A, %swap3A_37], %add3A_36 {strides = array<i32>} : memref<1000x128xf32, #tpu.memory_space<vmem>>, vector<1000x128xf32>,
      %get3A_39 = arith.constant 0 : index
      %get3A_40 = arith.constant 0 : index
      %get3A_41 = arith.constant 0 : index
      %get3A_42 = vector.load %arg10[%get3A_39, %get3A_40, %get3A_41] : memref<1x1x1000xi32, #tpu.memory_space<vmem>>, vector<1x1x1000xi32>
      %get3A_43 = vector.shape_cast %get3A_42 : vector<1x1x1000xi32> to vector<1000xi32>
      %broadcast_in_dim3A = vector.shape_cast %get3A_43 : vector<1000xi32> to vector<1000x1xi32>
      %iota3A = tpu.iota {dimensions = array<i32: 1>} : vector<1000x128xi32>
      %eq3A_44 = vector.broadcast %broadcast_in_dim3A : vector<1000x1xi32> to vector<1000x128xi32>
      %eq3A_45 = arith.cmpi eq, %eq3A_44, %iota3A : vector<1000x128xi32>
      %convert_element_type3A_46 = arith.extui %eq3A_45 : vector<1000x128xi1> to vector<1000x128xi32>
      %convert_element_type3A_47 = arith.sitofp %convert_element_type3A_46 : vector<1000x128xi32> to vector<1000x128xf32>
      %dot_general3A = arith.constant dense<0.000000e+00> : vector<128x128xf32>
      %dot_general3A_48 = tpu.matmul %convert_element_type3A_47, %add3A_36, %dot_general3A {dimension_numbers = #tpu.dot_dimension_numbers<[0], [0], [1], [1], [0, 1, 1, 1], [], []>, transpose_lhs_hint = false} : vector<1000x128xf32>, vector<1000x128xf32>, vector<128x128xf32> -> vector<128x128xf32>
      %eq3A_49 = arith.constant 0 : i32
      %eq3A_50 = arith.cmpi eq, %arg1, %eq3A_49 : i32
      %convert_element_type3A_51 = arith.extui %eq3A_50 : i1 to i32
      %cond3A_52 = arith.constant 0 : i32
      %cond3A_53 = arith.cmpi ne, %convert_element_type3A_51, %cond3A_52 : i32
      scf.if %cond3A_53 {
        %get3A_58 = arith.constant 0 : index
        %get3A_59 = arith.constant 0 : index
        %get3A_60 = vector.load %arg11[%get3A_58, %get3A_59] : memref<128x128xf32, #tpu.memory_space<vmem>>, vector<128x128xf32>
        %add3A_61 = arith.addf %get3A_60, %dot_general3A_48 : vector<128x128xf32>
        %swap3A_62 = arith.constant 0 : index
        %swap3A_63 = arith.constant 0 : index
        %swap3A_64 = vector.load %arg13[%swap3A_62, %swap3A_63] : memref<128x128xf32, #tpu.memory_space<vmem>>, vector<128x128xf32>
        tpu.vector_store %arg13[%swap3A_62, %swap3A_63], %add3A_61 {strides = array<i32>} : memref<128x128xf32, #tpu.memory_space<vmem>>, vector<128x128xf32>,
      } else {
      }
      %gt3A = arith.constant 0 : i32
      %gt3A_54 = arith.cmpi sgt, %arg1, %gt3A : i32
      %convert_element_type3A_55 = arith.extui %gt3A_54 : i1 to i32
      %cond3A_56 = arith.constant 0 : i32
      %cond3A_57 = arith.cmpi ne, %convert_element_type3A_55, %cond3A_56 : i32
      scf.if %cond3A_57 {
        %get3A_58 = arith.constant 0 : index
        %get3A_59 = arith.constant 0 : index
        %get3A_60 = vector.load %arg13[%get3A_58, %get3A_59] : memref<128x128xf32, #tpu.memory_space<vmem>>, vector<128x128xf32>
        %add3A_61 = arith.addf %get3A_60, %dot_general3A_48 : vector<128x128xf32>
        %swap3A_62 = arith.constant 0 : index
        %swap3A_63 = arith.constant 0 : index
        %swap3A_64 = vector.load %arg13[%swap3A_62, %swap3A_63] : memref<128x128xf32, #tpu.memory_space<vmem>>, vector<128x128xf32>
        tpu.vector_store %arg13[%swap3A_62, %swap3A_63], %add3A_61 {strides = array<i32>} : memref<128x128xf32, #tpu.memory_space<vmem>>, vector<128x128xf32>,
      } else {
      }
    } else {
    }
    return
  }
  func.func @transform_0(%arg0: i32, %arg1: i32) -> (i32, i32, i32) {
    %sub3A = arith.constant 1 : i32
    %sub3A_0 = arith.subi %sub3A, %arg0 : i32
    %mul3A = arith.muli %arg1, %sub3A_0 : i32
    %c0_i32 = arith.constant 0 : i32
    %c0_i32_1 = arith.constant 0 : i32
    %c0_i32_2 = arith.constant 0 : i32
    return %c0_i32, %mul3A, %c0_i32_1 : i32, i32, i32
  }
  func.func @transform_1(%arg0: i32, %arg1: i32) -> (i32, i32) {
    %sub3A = arith.constant 1 : i32
    %sub3A_0 = arith.subi %sub3A, %arg0 : i32
    %mul3A = arith.muli %arg1, %sub3A_0 : i32
    %c0_i32 = arith.constant 0 : i32
    %c0_i32_1 = arith.constant 0 : i32
    return %mul3A, %c0_i32 : i32, i32
  }
  func.func @transform_2(%arg0: i32, %arg1: i32) -> (i32, i32) {
    %c0_i32 = arith.constant 0 : i32
    %c0_i32_0 = arith.constant 0 : i32
    %c0_i32_1 = arith.constant 0 : i32
    return %c0_i32, %c0_i32_0 : i32, i32
  }
  func.func @transform_3(%arg0: i32, %arg1: i32) -> (i32, i32) {
    %c0_i32 = arith.constant 0 : i32
    %c0_i32_0 = arith.constant 0 : i32
    %c0_i32_1 = arith.constant 0 : i32
    return %c0_i32, %c0_i32_0 : i32, i32
  }
  func.func @transform_4(%arg0: i32, %arg1: i32) -> (i32, i32) {
    %c0_i32 = arith.constant 0 : i32
    %c0_i32_0 = arith.constant 0 : i32
    %c0_i32_1 = arith.constant 0 : i32
    return %c0_i32, %c0_i32_0 : i32, i32
  }
  func.func @transform_5(%arg0: i32, %arg1: i32) -> (i32, i32) {
    %c0_i32 = arith.constant 0 : i32
    %c0_i32_0 = arith.constant 0 : i32
    %c0_i32_1 = arith.constant 0 : i32
    return %c0_i32, %c0_i32_0 : i32, i32
  }
  func.func @transform_6(%arg0: i32, %arg1: i32) -> (i32, i32) {
    %c0_i32 = arith.constant 0 : i32
    %c0_i32_0 = arith.constant 0 : i32
    %c0_i32_1 = arith.constant 0 : i32
    return %c0_i32, %c0_i32_0 : i32, i32
  }
  func.func @transform_7(%arg0: i32, %arg1: i32) -> (i32, i32) {
    %c0_i32 = arith.constant 0 : i32
    %c0_i32_0 = arith.constant 0 : i32
    %c0_i32_1 = arith.constant 0 : i32
    return %c0_i32, %c0_i32_0 : i32, i32
  }
  func.func @transform_8(%arg0: i32, %arg1: i32) -> (i32, i32, i32) {
    %mul3A = arith.muli %arg1, %arg0 : i32
    %c0_i32 = arith.constant 0 : i32
    %c0_i32_0 = arith.constant 0 : i32
    %c0_i32_1 = arith.constant 0 : i32
    return %mul3A, %c0_i32, %c0_i32_0 : i32, i32, i32
  }
  func.func @transform_9(%arg0: i32, %arg1: i32) -> (i32, i32) {
    %c0_i32 = arith.constant 0 : i32
    %c0_i32_0 = arith.constant 0 : i32
    %c0_i32_1 = arith.constant 0 : i32
    return %c0_i32, %c0_i32_0 : i32, i32
  }
  func.func @transform_10(%arg0: i32, %arg1: i32) -> (i32, i32) {
    %mul3A = arith.muli %arg1, %arg0 : i32
    %c0_i32 = arith.constant 0 : i32
    %c0_i32_0 = arith.constant 0 : i32
    return %mul3A, %c0_i32 : i32, i32
  }
  func.func @transform_11(%arg0: i32, %arg1: i32) -> (i32, i32) {
    %c0_i32 = arith.constant 0 : i32
    %c0_i32_0 = arith.constant 0 : i32
    %c0_i32_1 = arith.constant 0 : i32
    return %c0_i32, %c0_i32_0 : i32, i32
  }
}

module attributes {stable_mosaic.version = 14 : i64} {
  func.func @_layer_body(%arg0: i32, %arg1: i32, %arg2: memref<2x1000x128xf32, #tpu.memory_space<vmem>>, %arg3: memref<1000x128xf32, #tpu.memory_space<vmem>>, %arg4: memref<128x128xf32, #tpu.memory_space<vmem>>, %arg5: memref<1x128xf32, #tpu.memory_space<vmem>>, %arg6: memref<128x128xf32, #tpu.memory_space<vmem>>, %arg7: memref<1x128xf32, #tpu.memory_space<vmem>>, %arg8: memref<1x128xf32, #tpu.memory_space<vmem>>, %arg9: memref<1x128xf32, #tpu.memory_space<vmem>>, %arg10: memref<1x1x1000xi32, #tpu.memory_space<vmem>>, %arg11: memref<128x128xf32, #tpu.memory_space<vmem>>, %arg12: memref<1000x128xf32, #tpu.memory_space<vmem>>, %arg13: memref<128x128xf32, #tpu.memory_space<vmem>>, %arg14: memref<10000x128xf32, #tpu.memory_space<vmem>>, %arg15: memref<1x128xf32, #tpu.memory_space<vmem>>, %arg16: memref<1x128xf32, #tpu.memory_space<vmem>>) attributes {dimension_semantics = [#tpu.dimension_semantics<arbitrary>, #tpu.dimension_semantics<arbitrary>], iteration_bounds = array<i64: 2, 10>, scalar_prefetch = 0 : i64, scratch_operands = 3 : i64, tpu.core_type = #tpu.core_type<tc>, window_params = [{transform_indices = @transform_0, window_bounds = array<i64: 2, 1000, 128>}, {transform_indices = @transform_1, window_bounds = array<i64: 1000, 128>}, {pipeline_mode = #tpu.pipeline_mode<synchronous>, transform_indices = @transform_2, window_bounds = array<i64: 128, 128>}, {pipeline_mode = #tpu.pipeline_mode<synchronous>, transform_indices = @transform_3, window_bounds = array<i64: 1, 128>}, {pipeline_mode = #tpu.pipeline_mode<synchronous>, transform_indices = @transform_4, window_bounds = array<i64: 128, 128>}, {pipeline_mode = #tpu.pipeline_mode<synchronous>, transform_indices = @transform_5, window_bounds = array<i64: 1, 128>}, {pipeline_mode = #tpu.pipeline_mode<synchronous>, transform_indices = @transform_6, window_bounds = array<i64: 1, 128>}, {pipeline_mode = #tpu.pipeline_mode<synchronous>, transform_indices = @transform_7, window_bounds = array<i64: 1, 128>}, {transform_indices = @transform_8, window_bounds = array<i64: 1, 1, 1000>}, {pipeline_mode = #tpu.pipeline_mode<synchronous>, transform_indices = @transform_9, window_bounds = array<i64: 128, 128>}, {transform_indices = @transform_10, window_bounds = array<i64: 1000, 128>}, {pipeline_mode = #tpu.pipeline_mode<synchronous>, transform_indices = @transform_11, window_bounds = array<i64: 128, 128>}]} {
    %eq3A = arith.constant 0 : i32
    %eq3A_0 = arith.cmpi eq, %arg0, %eq3A : i32
    %convert_element_type3A = arith.extui %eq3A_0 : i1 to i32
    %cond3A = arith.constant 0 : i32
    %cond3A_1 = arith.cmpi ne, %convert_element_type3A, %cond3A : i32
    scf.if %cond3A_1 {
      %get3A = arith.constant 0 : index
      %get3A_7 = arith.constant 0 : index
      %get3A_8 = arith.constant 0 : index
      %get3A_9 = vector.load %arg2[%get3A, %get3A_7, %get3A_8] : memref<2x1000x128xf32, #tpu.memory_space<vmem>>, vector<1x1000x128xf32>
      %get3A_10 = vector.shape_cast %get3A_9 : vector<1x1000x128xf32> to vector<1000x128xf32>
      %get3A_11 = arith.constant 1 : index
      %get3A_12 = arith.constant 0 : index
      %get3A_13 = arith.constant 0 : index
      %get3A_14 = vector.load %arg2[%get3A_11, %get3A_12, %get3A_13] : memref<2x1000x128xf32, #tpu.memory_space<vmem>>, vector<1x1000x128xf32>
      %get3A_15 = vector.shape_cast %get3A_14 : vector<1x1000x128xf32> to vector<1000x128xf32>
      %add3A = arith.addf %get3A_10, %get3A_15 : vector<1000x128xf32>
      %get3A_16 = arith.constant 0 : index
      %get3A_17 = arith.constant 0 : index
      %get3A_18 = vector.load %arg3[%get3A_16, %get3A_17] : memref<1000x128xf32, #tpu.memory_space<vmem>>, vector<1000x128xf32>
      %sub3A = arith.subf %add3A, %get3A_18 : vector<1000x128xf32>
      %get3A_19 = arith.constant 0 : index
      %get3A_20 = arith.constant 0 : index
      %get3A_21 = vector.load %arg4[%get3A_19, %get3A_20] : memref<128x128xf32, #tpu.memory_space<vmem>>, vector<128x128xf32>
      %dot_general3A = arith.constant dense<0.000000e+00> : vector<1000x128xf32>
      %dot_general3A_22 = tpu.matmul %sub3A, %get3A_21, %dot_general3A {dimension_numbers = #tpu.dot_dimension_numbers<[1], [1], [0], [0], [0, 0, 1, 0], [], []>, transpose_lhs_hint = false} : vector<1000x128xf32>, vector<128x128xf32>, vector<1000x128xf32> -> vector<1000x128xf32>
      %get3A_23 = arith.constant 0 : index
      %get3A_24 = arith.constant 0 : index
      %get3A_25 = vector.load %arg5[%get3A_23, %get3A_24] : memref<1x128xf32, #tpu.memory_space<vmem>>, vector<1x128xf32>
      %add3A_26 = vector.broadcast %get3A_25 : vector<1x128xf32> to vector<1000x128xf32>
      %add3A_27 = arith.addf %dot_general3A_22, %add3A_26 : vector<1000x128xf32>
      %max3A = arith.constant 0.000000e+00 : f32
      %max3A_28 = vector.broadcast %max3A : f32 to vector<1000x128xf32>
      %max3A_29 = arith.maximumf %add3A_27, %max3A_28 : vector<1000x128xf32>
      %get3A_30 = arith.constant 0 : index
      %get3A_31 = arith.constant 0 : index
      %get3A_32 = vector.load %arg6[%get3A_30, %get3A_31] : memref<128x128xf32, #tpu.memory_space<vmem>>, vector<128x128xf32>
      %dot_general3A_33 = arith.constant dense<0.000000e+00> : vector<1000x128xf32>
      %dot_general3A_34 = tpu.matmul %max3A_29, %get3A_32, %dot_general3A_33 {dimension_numbers = #tpu.dot_dimension_numbers<[1], [1], [0], [0], [0, 0, 1, 0], [], []>, transpose_lhs_hint = false} : vector<1000x128xf32>, vector<128x128xf32>, vector<1000x128xf32> -> vector<1000x128xf32>
      %get3A_35 = arith.constant 0 : index
      %get3A_36 = arith.constant 0 : index
      %get3A_37 = vector.load %arg7[%get3A_35, %get3A_36] : memref<1x128xf32, #tpu.memory_space<vmem>>, vector<1x128xf32>
      %add3A_38 = vector.broadcast %get3A_37 : vector<1x128xf32> to vector<1000x128xf32>
      %add3A_39 = arith.addf %dot_general3A_34, %add3A_38 : vector<1000x128xf32>
      %max3A_40 = arith.constant 0.000000e+00 : f32
      %max3A_41 = vector.broadcast %max3A_40 : f32 to vector<1000x128xf32>
      %max3A_42 = arith.maximumf %add3A_39, %max3A_41 : vector<1000x128xf32>
      %mul3A = arith.constant 1000 : i32
      %mul3A_43 = arith.muli %arg1, %mul3A : i32
      %swap3A = arith.index_cast %mul3A_43 : i32 to index
      %swap3A_44 = arith.constant 0 : index
      %swap3A_45 = vector.load %arg14[%swap3A, %swap3A_44] : memref<10000x128xf32, #tpu.memory_space<vmem>>, vector<1000x128xf32>
      tpu.vector_store %arg14[%swap3A, %swap3A_44], %max3A_42 {strides = array<i32>} : memref<10000x128xf32, #tpu.memory_space<vmem>>, vector<1000x128xf32>,
      %reduce_sum3A = arith.constant dense<0.000000e+00> : vector<128xf32>
      %reduce_sum3A_46 = vector.multi_reduction <add>, %max3A_42, %reduce_sum3A [0] : vector<1000x128xf32> to vector<128xf32>
      %broadcast_in_dim3A = vector.shape_cast %reduce_sum3A_46 : vector<128xf32> to vector<1x128xf32>
      %mul3A_47 = arith.mulf %max3A_42, %max3A_42 : vector<1000x128xf32>
      %reduce_sum3A_48 = arith.constant dense<0.000000e+00> : vector<128xf32>
      %reduce_sum3A_49 = vector.multi_reduction <add>, %mul3A_47, %reduce_sum3A_48 [0] : vector<1000x128xf32> to vector<128xf32>
      %broadcast_in_dim3A_50 = vector.shape_cast %reduce_sum3A_49 : vector<128xf32> to vector<1x128xf32>
      %eq3A_51 = arith.constant 0 : i32
      %eq3A_52 = arith.cmpi eq, %arg1, %eq3A_51 : i32
      %convert_element_type3A_53 = arith.extui %eq3A_52 : i1 to i32
      %cond3A_54 = arith.constant 0 : i32
      %cond3A_55 = arith.cmpi ne, %convert_element_type3A_53, %cond3A_54 : i32
      scf.if %cond3A_55 {
        %swap3A_60 = arith.constant 0 : index
        %swap3A_61 = arith.constant 0 : index
        %swap3A_62 = vector.load %arg15[%swap3A_60, %swap3A_61] : memref<1x128xf32, #tpu.memory_space<vmem>>, vector<1x128xf32>
        tpu.vector_store %arg15[%swap3A_60, %swap3A_61], %broadcast_in_dim3A {strides = array<i32>} : memref<1x128xf32, #tpu.memory_space<vmem>>, vector<1x128xf32>,
        %swap3A_63 = arith.constant 0 : index
        %swap3A_64 = arith.constant 0 : index
        %swap3A_65 = vector.load %arg16[%swap3A_63, %swap3A_64] : memref<1x128xf32, #tpu.memory_space<vmem>>, vector<1x128xf32>
        tpu.vector_store %arg16[%swap3A_63, %swap3A_64], %broadcast_in_dim3A_50 {strides = array<i32>} : memref<1x128xf32, #tpu.memory_space<vmem>>, vector<1x128xf32>,
      } else {
      }
      %gt3A = arith.constant 0 : i32
      %gt3A_56 = arith.cmpi sgt, %arg1, %gt3A : i32
      %convert_element_type3A_57 = arith.extui %gt3A_56 : i1 to i32
      %cond3A_58 = arith.constant 0 : i32
      %cond3A_59 = arith.cmpi ne, %convert_element_type3A_57, %cond3A_58 : i32
      scf.if %cond3A_59 {
        %get3A_60 = arith.constant 0 : index
        %get3A_61 = arith.constant 0 : index
        %get3A_62 = vector.load %arg15[%get3A_60, %get3A_61] : memref<1x128xf32, #tpu.memory_space<vmem>>, vector<1x128xf32>
        %add3A_63 = arith.addf %get3A_62, %broadcast_in_dim3A : vector<1x128xf32>
        %swap3A_64 = arith.constant 0 : index
        %swap3A_65 = arith.constant 0 : index
        %swap3A_66 = vector.load %arg15[%swap3A_64, %swap3A_65] : memref<1x128xf32, #tpu.memory_space<vmem>>, vector<1x128xf32>
        tpu.vector_store %arg15[%swap3A_64, %swap3A_65], %add3A_63 {strides = array<i32>} : memref<1x128xf32, #tpu.memory_space<vmem>>, vector<1x128xf32>,
        %get3A_67 = arith.constant 0 : index
        %get3A_68 = arith.constant 0 : index
        %get3A_69 = vector.load %arg16[%get3A_67, %get3A_68] : memref<1x128xf32, #tpu.memory_space<vmem>>, vector<1x128xf32>
        %add3A_70 = arith.addf %get3A_69, %broadcast_in_dim3A_50 : vector<1x128xf32>
        %swap3A_71 = arith.constant 0 : index
        %swap3A_72 = arith.constant 0 : index
        %swap3A_73 = vector.load %arg16[%swap3A_71, %swap3A_72] : memref<1x128xf32, #tpu.memory_space<vmem>>, vector<1x128xf32>
        tpu.vector_store %arg16[%swap3A_71, %swap3A_72], %add3A_70 {strides = array<i32>} : memref<1x128xf32, #tpu.memory_space<vmem>>, vector<1x128xf32>,
      } else {
      }
    } else {
    }
    %eq3A_2 = arith.constant 1 : i32
    %eq3A_3 = arith.cmpi eq, %arg0, %eq3A_2 : i32
    %convert_element_type3A_4 = arith.extui %eq3A_3 : i1 to i32
    %cond3A_5 = arith.constant 0 : i32
    %cond3A_6 = arith.cmpi ne, %convert_element_type3A_4, %cond3A_5 : i32
    scf.if %cond3A_6 {
      %get3A = arith.constant 0 : index
      %get3A_7 = arith.constant 0 : index
      %get3A_8 = vector.load %arg15[%get3A, %get3A_7] : memref<1x128xf32, #tpu.memory_space<vmem>>, vector<1x128xf32>
      %div3A = arith.constant 1.000000e+04 : f32
      %div3A_9 = vector.broadcast %div3A : f32 to vector<1x128xf32>
      %div3A_10 = arith.divf %get3A_8, %div3A_9 : vector<1x128xf32>
      %get3A_11 = arith.constant 0 : index
      %get3A_12 = arith.constant 0 : index
      %get3A_13 = vector.load %arg16[%get3A_11, %get3A_12] : memref<1x128xf32, #tpu.memory_space<vmem>>, vector<1x128xf32>
      %div3A_14 = arith.constant 1.000000e+04 : f32
      %div3A_15 = vector.broadcast %div3A_14 : f32 to vector<1x128xf32>
      %div3A_16 = arith.divf %get3A_13, %div3A_15 : vector<1x128xf32>
      %mul3A = arith.mulf %div3A_10, %div3A_10 : vector<1x128xf32>
      %sub3A = arith.subf %div3A_16, %mul3A : vector<1x128xf32>
      %add3A = arith.constant 9.99999974E-6 : f32
      %add3A_17 = vector.broadcast %add3A : f32 to vector<1x128xf32>
      %add3A_18 = arith.addf %sub3A, %add3A_17 : vector<1x128xf32>
      %rsqrt3A = math.rsqrt %add3A_18 : vector<1x128xf32>
      %get3A_19 = arith.constant 0 : index
      %get3A_20 = arith.constant 0 : index
      %get3A_21 = vector.load %arg8[%get3A_19, %get3A_20] : memref<1x128xf32, #tpu.memory_space<vmem>>, vector<1x128xf32>
      %mul3A_22 = arith.mulf %rsqrt3A, %get3A_21 : vector<1x128xf32>
      %mul3A_23 = arith.constant 1000 : i32
      %mul3A_24 = arith.muli %arg1, %mul3A_23 : i32
      %get3A_25 = arith.index_cast %mul3A_24 : i32 to index
      %get3A_26 = arith.constant 0 : index
      %get3A_27 = vector.load %arg14[%get3A_25, %get3A_26] : memref<10000x128xf32, #tpu.memory_space<vmem>>, vector<1000x128xf32>
      %sub3A_28 = vector.broadcast %div3A_10 : vector<1x128xf32> to vector<1000x128xf32>
      %sub3A_29 = arith.subf %get3A_27, %sub3A_28 : vector<1000x128xf32>
      %mul3A_30 = vector.broadcast %mul3A_22 : vector<1x128xf32> to vector<1000x128xf32>
      %mul3A_31 = arith.mulf %sub3A_29, %mul3A_30 : vector<1000x128xf32>
      %get3A_32 = arith.constant 0 : index
      %get3A_33 = arith.constant 0 : index
      %get3A_34 = vector.load %arg9[%get3A_32, %get3A_33] : memref<1x128xf32, #tpu.memory_space<vmem>>, vector<1x128xf32>
      %add3A_35 = vector.broadcast %get3A_34 : vector<1x128xf32> to vector<1000x128xf32>
      %add3A_36 = arith.addf %mul3A_31, %add3A_35 : vector<1000x128xf32>
      %swap3A = arith.constant 0 : index
      %swap3A_37 = arith.constant 0 : index
      %swap3A_38 = vector.load %arg12[%swap3A, %swap3A_37] : memref<1000x128xf32, #tpu.memory_space<vmem>>, vector<1000x128xf32>
      tpu.vector_store %arg12[%swap3A, %swap3A_37], %add3A_36 {strides = array<i32>} : memref<1000x128xf32, #tpu.memory_space<vmem>>, vector<1000x128xf32>,
      %get3A_39 = arith.constant 0 : index
      %get3A_40 = arith.constant 0 : index
      %get3A_41 = arith.constant 0 : index
      %get3A_42 = vector.load %arg10[%get3A_39, %get3A_40, %get3A_41] : memref<1x1x1000xi32, #tpu.memory_space<vmem>>, vector<1x1x1000xi32>
      %get3A_43 = vector.shape_cast %get3A_42 : vector<1x1x1000xi32> to vector<1000xi32>
      %broadcast_in_dim3A = vector.shape_cast %get3A_43 : vector<1000xi32> to vector<1000x1xi32>
      %iota3A = tpu.iota {dimensions = array<i32: 1>} : vector<1000x128xi32>
      %eq3A_44 = vector.broadcast %broadcast_in_dim3A : vector<1000x1xi32> to vector<1000x128xi32>
      %eq3A_45 = arith.cmpi eq, %eq3A_44, %iota3A : vector<1000x128xi32>
      %convert_element_type3A_46 = arith.extui %eq3A_45 : vector<1000x128xi1> to vector<1000x128xi32>
      %convert_element_type3A_47 = arith.sitofp %convert_element_type3A_46 : vector<1000x128xi32> to vector<1000x128xf32>
      %dot_general3A = arith.constant dense<0.000000e+00> : vector<128x128xf32>
      %dot_general3A_48 = tpu.matmul %convert_element_type3A_47, %add3A_36, %dot_general3A {dimension_numbers = #tpu.dot_dimension_numbers<[0], [0], [1], [1], [0, 1, 1, 1], [], []>, transpose_lhs_hint = false} : vector<1000x128xf32>, vector<1000x128xf32>, vector<128x128xf32> -> vector<128x128xf32>
      %eq3A_49 = arith.constant 0 : i32
      %eq3A_50 = arith.cmpi eq, %arg1, %eq3A_49 : i32
      %convert_element_type3A_51 = arith.extui %eq3A_50 : i1 to i32
      %cond3A_52 = arith.constant 0 : i32
      %cond3A_53 = arith.cmpi ne, %convert_element_type3A_51, %cond3A_52 : i32
      scf.if %cond3A_53 {
        %get3A_58 = arith.constant 0 : index
        %get3A_59 = arith.constant 0 : index
        %get3A_60 = vector.load %arg11[%get3A_58, %get3A_59] : memref<128x128xf32, #tpu.memory_space<vmem>>, vector<128x128xf32>
        %add3A_61 = arith.addf %get3A_60, %dot_general3A_48 : vector<128x128xf32>
        %swap3A_62 = arith.constant 0 : index
        %swap3A_63 = arith.constant 0 : index
        %swap3A_64 = vector.load %arg13[%swap3A_62, %swap3A_63] : memref<128x128xf32, #tpu.memory_space<vmem>>, vector<128x128xf32>
        tpu.vector_store %arg13[%swap3A_62, %swap3A_63], %add3A_61 {strides = array<i32>} : memref<128x128xf32, #tpu.memory_space<vmem>>, vector<128x128xf32>,
      } else {
      }
      %gt3A = arith.constant 0 : i32
      %gt3A_54 = arith.cmpi sgt, %arg1, %gt3A : i32
      %convert_element_type3A_55 = arith.extui %gt3A_54 : i1 to i32
      %cond3A_56 = arith.constant 0 : i32
      %cond3A_57 = arith.cmpi ne, %convert_element_type3A_55, %cond3A_56 : i32
      scf.if %cond3A_57 {
        %get3A_58 = arith.constant 0 : index
        %get3A_59 = arith.constant 0 : index
        %get3A_60 = vector.load %arg13[%get3A_58, %get3A_59] : memref<128x128xf32, #tpu.memory_space<vmem>>, vector<128x128xf32>
        %add3A_61 = arith.addf %get3A_60, %dot_general3A_48 : vector<128x128xf32>
        %swap3A_62 = arith.constant 0 : index
        %swap3A_63 = arith.constant 0 : index
        %swap3A_64 = vector.load %arg13[%swap3A_62, %swap3A_63] : memref<128x128xf32, #tpu.memory_space<vmem>>, vector<128x128xf32>
        tpu.vector_store %arg13[%swap3A_62, %swap3A_63], %add3A_61 {strides = array<i32>} : memref<128x128xf32, #tpu.memory_space<vmem>>, vector<128x128xf32>,
      } else {
      }
    } else {
    }
    return
  }
  func.func @transform_0(%arg0: i32, %arg1: i32) -> (i32, i32, i32) {
    %sub3A = arith.constant 1 : i32
    %sub3A_0 = arith.subi %sub3A, %arg0 : i32
    %mul3A = arith.muli %arg1, %sub3A_0 : i32
    %c0_i32 = arith.constant 0 : i32
    %c0_i32_1 = arith.constant 0 : i32
    %c0_i32_2 = arith.constant 0 : i32
    return %c0_i32, %mul3A, %c0_i32_1 : i32, i32, i32
  }
  func.func @transform_1(%arg0: i32, %arg1: i32) -> (i32, i32) {
    %sub3A = arith.constant 1 : i32
    %sub3A_0 = arith.subi %sub3A, %arg0 : i32
    %mul3A = arith.muli %arg1, %sub3A_0 : i32
    %c0_i32 = arith.constant 0 : i32
    %c0_i32_1 = arith.constant 0 : i32
    return %mul3A, %c0_i32 : i32, i32
  }
  func.func @transform_2(%arg0: i32, %arg1: i32) -> (i32, i32) {
    %c0_i32 = arith.constant 0 : i32
    %c0_i32_0 = arith.constant 0 : i32
    %c0_i32_1 = arith.constant 0 : i32
    return %c0_i32, %c0_i32_0 : i32, i32
  }
  func.func @transform_3(%arg0: i32, %arg1: i32) -> (i32, i32) {
    %c0_i32 = arith.constant 0 : i32
    %c0_i32_0 = arith.constant 0 : i32
    %c0_i32_1 = arith.constant 0 : i32
    return %c0_i32, %c0_i32_0 : i32, i32
  }
  func.func @transform_4(%arg0: i32, %arg1: i32) -> (i32, i32) {
    %c0_i32 = arith.constant 0 : i32
    %c0_i32_0 = arith.constant 0 : i32
    %c0_i32_1 = arith.constant 0 : i32
    return %c0_i32, %c0_i32_0 : i32, i32
  }
  func.func @transform_5(%arg0: i32, %arg1: i32) -> (i32, i32) {
    %c0_i32 = arith.constant 0 : i32
    %c0_i32_0 = arith.constant 0 : i32
    %c0_i32_1 = arith.constant 0 : i32
    return %c0_i32, %c0_i32_0 : i32, i32
  }
  func.func @transform_6(%arg0: i32, %arg1: i32) -> (i32, i32) {
    %c0_i32 = arith.constant 0 : i32
    %c0_i32_0 = arith.constant 0 : i32
    %c0_i32_1 = arith.constant 0 : i32
    return %c0_i32, %c0_i32_0 : i32, i32
  }
  func.func @transform_7(%arg0: i32, %arg1: i32) -> (i32, i32) {
    %c0_i32 = arith.constant 0 : i32
    %c0_i32_0 = arith.constant 0 : i32
    %c0_i32_1 = arith.constant 0 : i32
    return %c0_i32, %c0_i32_0 : i32, i32
  }
  func.func @transform_8(%arg0: i32, %arg1: i32) -> (i32, i32, i32) {
    %mul3A = arith.muli %arg1, %arg0 : i32
    %c0_i32 = arith.constant 0 : i32
    %c0_i32_0 = arith.constant 0 : i32
    %c0_i32_1 = arith.constant 0 : i32
    return %mul3A, %c0_i32, %c0_i32_0 : i32, i32, i32
  }
  func.func @transform_9(%arg0: i32, %arg1: i32) -> (i32, i32) {
    %c0_i32 = arith.constant 0 : i32
    %c0_i32_0 = arith.constant 0 : i32
    %c0_i32_1 = arith.constant 0 : i32
    return %c0_i32, %c0_i32_0 : i32, i32
  }
  func.func @transform_10(%arg0: i32, %arg1: i32) -> (i32, i32) {
    %mul3A = arith.muli %arg1, %arg0 : i32
    %c0_i32 = arith.constant 0 : i32
    %c0_i32_0 = arith.constant 0 : i32
    return %mul3A, %c0_i32 : i32, i32
  }
  func.func @transform_11(%arg0: i32, %arg1: i32) -> (i32, i32) {
    %c0_i32 = arith.constant 0 : i32
    %c0_i32_0 = arith.constant 0 : i32
    %c0_i32_1 = arith.constant 0 : i32
    return %c0_i32, %c0_i32_0 : i32, i32
  }
}

</mosaic_0001>

<sc_bundles>
// kernel: kernel.12.cloned.1.call-start
scs
__scs_entry_jumppad:
0x0: {  	(pc) =	sbr.rel $0x88, $3  }
0x1: {  	(tag) =	ssettag $0x0;
	lr =	simm.s32 $0x1  }
0x2: {  	[smem:$0x3F97] =	sst lr;
	_ =	strace $0xD0000000  }
0x3: {  	_ = 	snop  }
0x4: {  	_ = 	snop  }
0x5: {  	_ = 	snop  }
0x6: {  	_ = 	snop  }
0x7: {  	_ = 	snop  }
__scs_overlays_trampoline_lowered:
0x8: {  	[smem:$0x3FA6] =	sst s0  }
0x9: {  	[smem:$0x3FA7] =	sst s1  }
0xa: {  	[smem:$0x3FA8] =	sst s2  }
0xb: {  	[smem:$0x3FA9] =	sst s3  }
0xc: {  	[smem:$0x3FAA] =	sst s4  }
0xd: {  	[smem:$0x3FAB] =	sst s5  }
0xe: {  	[smem:$0x3FAC] =	sst s6  }
0xf: {  	[smem:$0x3FAD] =	sst s7  }
0x10: {  	[smem:$0x3FAE] =	sst s8  }
0x11: {  	[smem:$0x3FAF] =	sst s9;
	s0 =	simm.s32 @!p0 $0x0  }
0x12: {  	s1 =	sld [smem:$0x3F95];
	s0 =	simm.s32 @p0 $0x1  }
0x13: {  	[smem:$0x3FB0] =	sst s0;
	s0 =	simm.s32 @!p1 $0x0  }
0x14: {  	s2 =	sld [smem:$0x3F94];
	s0 =	simm.s32 @p1 $0x1  }
0x15: {  	[smem:$0x3FB1] =	sst s0;
	s0 =	simm.s32 @!p2 $0x0  }
0x16: {  	s3 =	sld [smem:$0x3FDB];
	s0 =	simm.s32 @p2 $0x1  }
0x17: {  	s4 =	simm.s32 $0x1BF5;
	[smem:$0x3FB3] =	sst s0  }
0x18: {  	s0 =	sld [smem:$0x3F96];
	_ =	swait.ge [sflag:s4], $0x0  }
0x19: {  	s7 =	sld [smem:$0x3F97]  }
0x1a: {  	s8 =	sadd.s32 $0xFFFFE003, lr  }
0x1b: {  	s9 =	sadd.s32 $0xFFFFFEF7, lr;
	s5 =	simm.s32 $0xFFFFFFFF;
	p2 =	slt.u32 s8, $0xFFFFF086  }
0x1c: {  	p1 =	slt.u32 s9, $0xF7A;
	s5 =	simm.s32 @!p2 $0x0  }
0x1d: {  	s5 =	simm.s32 @p1 $0x1;
	p0 =	seq.s32 s7, s2  }
0x1e: {  	s7 =	smul.u32 @!p0 $0xF7A, s2;
	p2 =	seq.s32 @!p0 s5, $0x0  }
0x1f: {  	s9 =	smul.u32 $0xF7A, s1;
	s8 =	simm.s32 @!p0 $0x1BF5;
	p2 =	por !p2, p0  }
0x20: {  	[sflag:s8] =	ssyncset.s32 @!p0 $0xFFFFF086;
	s6 =	sadd.s32 @!p0 s3, s7;
	s7 =	simm.s32 @!p0 $0x108  }
0x21: {  	s3 =	sadd.s32 s3, s9;
	s6 =	sadd.s32 @!p0 $0x88, s6;
	s7 =	simm.s32 @p2 $0x1082  }
0x22: {  	[simem:s7], [sflag:s8] =	dma.local @!p0 [hbm:s6], $0xF7A  }
0x23: {  	s9 =	sor.u32 $0xD0000000, s2;
	s6 =	simm.s32 $0x108;
	_ =	swait.ge @!p0 [sflag:s8], $0x0  }
0x24: {  	s3 =	sadd.s32 $0x88, s3;
	s6 =	simm.s32 @!p1 $0x1082;
	[sflag:s4] =	ssyncset.s32 $0xFFFFF086  }
0x25: {  	[simem:s6], [sflag:s4] =	dma.local [hbm:s3], $0xF7A  }
0x26: {  	[smem:$0x3F97] =	sst s1;
	(tag) =	ssettag s2;
	_ =	strace s9  }
0x27: {  	s1 =	sld [smem:$0x3FA7]  }
0x28: {  	s2 =	sld [smem:$0x3FA8]  }
0x29: {  	s4 =	sld [smem:$0x3FAA]  }
0x2a: {  	p0 =	seq.s32 s5, $0x0;
	s5 =	sld [smem:$0x3FAB]  }
0x2b: {  	s6 =	sld [smem:$0x3FAC]  }
0x2c: {  	s7 =	sld [smem:$0x3FAD]  }
0x2d: {  	s3 =	simm.s32 $0x108;
	s8 =	sld [smem:$0x3FAE]  }
0x2e: {  	s3 =	simm.s32 @!p0 $0x1082;
	s9 =	sld [smem:$0x3FAF]  }
0x2f: {  	lr =	sadd.s32 s0, s3;
	s0 =	sld [smem:$0x3FA6]  }
0x30: {  	s3 =	sld [smem:$0x3FA9]  }
0x31: {  	[smem:$0x3FB2] =	sst s10  }
0x32: {  	s10 =	sld [smem:$0x3FB0];
	_ =	sdelay $0x3  }
0x33: {  	p0 =	seq.s32 s10, $0x1;
	s10 =	sld [smem:$0x3FB2];
	_ =	sdelay $0x3  }
0x34: {  	[smem:$0x3FB2] =	sst s10  }
0x35: {  	s10 =	sld [smem:$0x3FB1];
	_ =	sdelay $0x3  }
0x36: {  	p1 =	seq.s32 s10, $0x1;
	s10 =	sld [smem:$0x3FB2];
	_ =	sdelay $0x3  }
0x37: {  	[smem:$0x3FB2] =	sst s10  }
0x38: {  	s10 =	sld [smem:$0x3FB3]  }
0x39: {  	_ = 	snop;
	(pc) =	sbr.ind lr, $3  }
0x3a: {  	_ = 	snop  }
0x3b: {  	_ = 	snop  }
0x3c: {  	p2 =	seq.s32 s10, $0x1;
	s10 =	sld [smem:$0x3FB2]  }
0x3d: {  	_ =	shalt  }
0x3e: {  	_ =	shalt  }
0x3f: {  	_ =	shalt  }
0x40: {  	_ =	shalt  }
0x41: {  	_ =	shalt  }
0x42: {  	_ =	shalt  }
0x43: {  	_ =	shalt  }
0x44: {  	_ =	shalt  }
0x45: {  	_ =	shalt  }
0x46: {  	_ =	shalt  }
0x47: {  	_ =	shalt  }
0x48: {  	_ =	shalt  }
0x49: {  	_ =	shalt  }
0x4a: {  	_ =	shalt  }
0x4b: {  	_ =	shalt  }
0x4c: {  	_ =	shalt  }
0x4d: {  	_ =	shalt  }
0x4e: {  	_ =	shalt  }
0x4f: {  	_ =	shalt  }
0x50: {  	_ =	shalt  }
0x51: {  	_ =	shalt  }
0x52: {  	_ =	shalt  }
0x53: {  	_ =	shalt  }
0x54: {  	_ =	shalt  }
0x55: {  	_ =	shalt  }
0x56: {  	_ =	shalt  }
0x57: {  	_ =	shalt  }
0x58: {  	_ =	shalt  }
0x59: {  	_ =	shalt  }
0x5a: {  	_ =	shalt  }
0x5b: {  	_ =	shalt  }
0x5c: {  	_ =	shalt  }
0x5d: {  	_ =	shalt  }
0x5e: {  	_ =	shalt  }
0x5f: {  	_ =	shalt  }
0x60: {  	_ =	shalt  }
0x61: {  	_ =	shalt  }
0x62: {  	_ =	shalt  }
0x63: {  	_ =	shalt  }
0x64: {  	_ =	shalt  }
0x65: {  	_ =	shalt  }
0x66: {  	_ =	shalt  }
0x67: {  	_ =	shalt  }
0x68: {  	_ =	shalt  }
0x69: {  	_ =	shalt  }
0x6a: {  	_ =	shalt  }
0x6b: {  	_ =	shalt  }
0x6c: {  	_ =	shalt  }
0x6d: {  	_ =	shalt  }
0x6e: {  	_ =	shalt  }
0x6f: {  	_ =	shalt  }
0x70: {  	_ =	shalt  }
0x71: {  	_ =	shalt  }
0x72: {  	_ =	shalt  }
0x73: {  	_ =	shalt  }
0x74: {  	_ =	shalt  }
0x75: {  	_ =	shalt  }
0x76: {  	_ =	shalt  }
0x77: {  	_ =	shalt  }
0x78: {  	_ =	shalt  }
0x79: {  	_ =	shalt  }
0x7a: {  	_ =	shalt  }
0x7b: {  	_ =	shalt  }
0x7c: {  	_ =	shalt  }
0x7d: {  	_ =	shalt  }
0x7e: {  	_ =	shalt  }
0x7f: {  	_ =	shalt  }
0x80: {  	_ =	shalt  }
0x81: {  	_ =	shalt  }
0x82: {  	_ =	shalt  }
0x83: {  	_ =	shalt  }
0x84: {  	_ =	shalt  }
0x85: {  	_ =	shalt  }
0x86: {  	_ =	shalt  }
0x87: {  	_ =	shalt  }
.Lfunc_end0:
.L_simem_size_0:
called_computation.1_lowered:
.L_overlay_start_0:
0x88: {  	s2 =	sld [smem:$0x3FD9]  }
0x89: {  	s3 =	sld [smem:$0x3FFE];
	_ =	sdelay $0x1  }
0x8a: {  	s1 =	srdreg.scid  }
0x8b: {  	s0 =	sand.u32 $0x1, s1  }
0x8c: {  	s14 =	sshll.u32 s0, $0xA;
	s2 =	sadd.s32 s3, s2  }
0x8d: {  	s2 =	sadd.s32 s2, s14  }
0x8e: {  	[smem:$0x3FBE] =	sst s2  }
0x8f: {  	_ = 	snop  }
0x90: {  	s2 =	sld [smem:$0x3FD0];
	_ =	sdelay $0x2  }
0x91: {  	s15 =	simm.s32 $0xA;
	s4 =	simm.s32 $0x10  }
0x92: {  	[smem:s4], [sflag:s15] =	dma.local [hbm:s2], $0x1  }
0x93: {  	_ =	swait.eq [sflag:s15], $0x1  }
0x94: {  	[sflag:s15] =	ssyncset.done $0x0  }
0x95: {  	[sflag:s15] =	ssyncadd.s32 $0xFFFFFFFF  }
0x96: {  	s16 =	sld [smem:$0x11];
	(tm) =	ssettm $0x1  }
0x97: {  	s17 =	sld [smem:$0x3FFB];
	_ =	sdelay $0x3  }
0x98: {  	_ =	strace s17  }
0x99: {  	s3 =	sld [smem:$0x3FFC];
	_ =	sdelay $0x3  }
0x9a: {  	_ =	strace s3  }
0x9b: {  	s3 =	sld [smem:$0x3FFD];
	_ =	sdelay $0x3  }
0x9c: {  	_ =	strace s3  }
0x9d: {  	_ =	strace $0x8FFFFFFF  }
0x9e: {  	s18 =	sld [smem:$0x3FDB];
	_ =	sdelay $0x1  }
0x9f: {  	s19 =	simm.s32 $_scs_section_size  }
0xa0: {  	s5 =	simm.s32 $_size__tile_overlayer_lowered;
	s6 =	simm.s32 $_tile_overlayer_lowered  }
0xa1: {  	s22 =	simm.s32 $0x1BFF;
	s21 =	sshll.u32 s6, $0x1;
	s3 =	sadd.s32 s19, s18  }
0xa2: {  	s7 =	simm.s32 $0x0;
	s20 =	sshll.u32 s5, $0x1;
	s5 =	sadd.s32 s21, s3  }
0xa3: {  	[timem:s7], [sflag:s22] =	dma.local [hbm:s5], s20  }
0xa4: {  	_ =	swait.ge [sflag:s22], s20  }
0xa5: {  	s4 =	ssub.s32 $0x0, s20;
	[sflag:s22] =	ssyncset.done $0x0  }
0xa6: {  	[sflag:s22] =	ssyncadd.s32 s4;
	_ =	sdelay $0x1  }
0xa7: {  	s23 =	simm.s32 $0x1B8B  }
0xa8: {  	_ =	swait.ge [sflag:s23], $0x1  }
0xa9: {  	[sflag:s23] =	ssyncset.done $0x0  }
0xaa: {  	s25 =	simm.s32 $0x1B8E;
	s24 =	sld [smem:$0x3FFE];
	[sflag:s23] =	ssyncadd.s32 $0xFFFFFFFF  }
0xab: {  	s26 =	simm.s32 $execute0_lowered;
	[smem:$0x3FD2] =	sst s25  }
0xac: {  	s5 =	sshll.u32 s26, $0x1;
	_ =	strace $0x80000049;
	[dreg:$0x1] =	wrdreg $0xFFFFFFFF  }
0xad: {  	s28 =	simm.s32 $_size_execute0_lowered;
	s3 =	sadd.s32 s3, s5;
	[dreg:$0x0] =	wrdreg $0x0  }
0xae: {  	s5 =	sshll.u32 s28, $0x1;
	[dreg:$0x2] =	wrdreg s3  }
0xaf: {  	[dreg:$0x3] =	wrdreg s5  }
0xb0: {  	[dreg:$0x4] =	wrdreg $0xC0  }
0xb1: {  	_ =	task [dreg:s7], $0x5FFFF  }
0xb2: {  	[dreg:$0x1] =	wrdreg $0xFFFFFFFF  }
0xb3: {  	[dreg:$0x0] =	wrdreg $0x60  }
0xb4: {  	[dreg:$0x2] =	wrdreg s24  }
0xb5: {  	[dreg:$0x3] =	wrdreg s16  }
0xb6: {  	[dreg:$0x4] =	wrdreg $0x0  }
0xb7: {  	[dreg:$0x5] =	wrdreg $0x9  }
0xb8: {  	_ =	task.clear_ibuf [dreg:s7], $0x6FFFF;
	_ =	strace $0x90000049  }
0xb9: {  	s29 =	simm.s32 $0x9;
	_ =	strace $0x8000004B  }
0xba: {  	_ =	swait.ge [sflag:s29], $0x1  }
0xbb: {  	[sflag:s29] =	ssyncadd.s32 $0xFFFFFFFF  }
0xbc: {  	_ =	strace $0x9000004B  }
0xbd: {  	_ =	sfence  }
0xbe: {  	s30 =	sld [smem:$0x0];
	_ =	sdelay $0x2  }
0xbf: {  	s31 =	sshll.u32 s1, $0xD;
	s1 =	sshrl.u32 s1, $0x2  }
0xc0: {  	s3 =	sand.u32 $0x4000, s31;
	s1 =	sadd.s32 s1, s30  }
0xc1: {  	s0 =	sor.u32 s3, s0;
	s1 =	sshll.u32 s1, $0x11  }
0xc2: {  	s0 =	sor.u32 s1, s0  }
0xc3: {  	s0 =	sadd.s32 $0x8F2B, s0  }
0xc4: {  	[sflag:s0] =	ssyncadd.remote.s32 $0x1  }
0xc5: {  	_ =	sfence.sel $0xFFFF  }
0xc6: {  	[dreg:$0x0] =	wrdreg $0xFFFFFFFF;
	(pc) =	sbr.abs _section_cstart, $3  }
0xc7: {  	[dreg:$0x1] =	wrdreg $0xFFFFFFFF  }
0xc8: {  	_ =	task.clear_ibuf [dreg:s7], $0x2FFFF;
	_ =	strace $0x9FFFFFFF  }
0xc9: {  	(tm) =	ssettm $0x7FFFFFFF  }
tec
execute0_lowered:
.L_overlay_start_1:
0x0: {  	(tag) =	ssettag $0x1  }
0x1: {  	s0 =	rddreg [dreg:$0x0]  }
0x2: {  	s1 =	rddreg [dreg:$0x1];
	s3 =	srdreg.scid  }
0x3: {  	s19 =	stileid.u32;
	s2 =	rddreg [dreg:$0x2]  }
0x4: {  	s12 =	simm.s32 $0x13880;
	s13 =	simm.s32 $0x7;
	s14 =	simm.s32 $0x15F90  }
0x5: {  	s15 =	simm.s32 $0x50;
	s16 =	simm.s32 $0x186A0;
	s18 =	simm.s32 $0x1AEA0  }
0x6: {  	s28 =	simm.s32 $0x2;
	s30 =	simm.s32 $0x5;
	s29 =	simm.s32 $0x0  }
0x7: {  	s6 =	sand.u32 $0x1, s3;
	s4 =	sshll.u32 s19, $0x1;
	s3 =	simm.s32 $0x0  }
0x8: {  	s9 =	smul.u32 $0x13800, s19;
	s21 =	sadd.s32 $0x138000, s2;
	p0 =	sne.s32 s19, $0xF  }
0x9: {  	s31 =	sshll.u32 s19, $0x6;
	s4 =	sor.u32 s6, s4;
	[smem:$0x7FF] =	sst s3  }
0xa: {  	s7 =	ssub.s32 $0x2, s6;
	s24 =	smul.u32 $0x138800, s6;
	s19 =	sor.u32 $0x1C07, s31  }
0xb: {  	s21 =	sshrl.u32 @!p0 s21, $0x3;
	s5 =	smul.u32 $0x4E2, s4;
	_ =	strace $0x8000004A  }
0xc: {  	s8 =	sshrl.u32 s7, $0x1;
	s4 =	sadd.s32 $0x17000, s0;
	s23 =	sshrl.u32 s9, $0x3  }
0xd: {  	s17 =	sadd.s32 s9, s2;
	s11 =	ssub.s32 s7, s8;
	s7 =	sadd.s32 s4, s23  }
0xe: {  	s9 =	sadd.s32 s9, s24;
	s25 =	sshrl.u32 s24, $0x3;
	s8 =	sadd.s32 $0x3E000, s0  }
0xf: {  	s20 =	sshrl.u32 s17, $0x3;
	s23 =	simm.s32 $0x1D6A0;
	s24 =	simm.s32 $0x1  }
0x10: {  	s17 =	simm.s32 $0x6;
	s10 =	sadd.s32 s5, s0;
	s26 =	sshrl.u32 s9, $0x3  }
0x11: {  	s11 =	smax.u32 s11, $0x1;
	s5 =	sadd.s32 $0xD200, s10;
	s6 =	sadd.s32 $0x3400, s10  }
0x12: {  	s10 =	sadd.s32 s1, s25;
	s9 =	sadd.s32 s1, s26;
	s25 =	simm.s32 $0x4  }
0x13: {  	s1 =	simm.s32 $0x3;
	s26 =	simm.s32 $0x18650;
	s10 =	sadd.s32 $0x27000, s10  }
.LBB2_1:
0x14: {  	[tilespmem:s12], [sflag:$0x7] =	stream.linear.gather [hbm4b:s5+s3], $0x2710, $0x38;
	[tilespmem:$0x1FEA0] =	vst v63  }
0x15: {  	_ =	swait.ge [sflag:s13], $0x2710  }
0x16: {  	[sflag:s13] =	ssyncset.done $0x0  }
0x17: {  	[sflag:s13] =	ssyncadd.s32 $0xFFFFD8F0  }
0x18: {  	[tilespmem:s14], [sflag:$0x7] =	stream.linear.gather [hbm4b:s6+s3], $0x2710, $0x38;
	[tilespmem:$0x1FEA0] =	vst v63  }
0x19: {  	_ =	swait.ge [sflag:s13], $0x2710  }
0x1a: {  	[sflag:s13] =	ssyncset.done $0x0  }
0x1b: {  	[sflag:s13] =	ssyncadd.s32 $0xFFFFD8F0  }
0x1c: {  	[tilespmem:s16], [sflag:$0x1] =	stream.indirect.gather [hbm4b:s4+s15], $0x80, s12, s15, $0xb8;
	[tilespmem:$0x1FEA0] =	vst v63  }
0x1d: {  	s0 =	simm.s32 $0x138D0  }
0x1e: {  	[tilespmem:s18], [sflag:$0x2] =	stream.indirect.gather [hbm4b:s4+s15], $0x80, s0, s15, $0xb8;
	[tilespmem:$0x1FEA0] =	vst v63  }
0x1f: {  	[spmem:s20], [sflag:s19] =	dma.local [hbm:s7], $0x2700  }
0x20: {  	_ =	swait.ge [sflag:s13], $0x2700  }
0x21: {  	[sflag:s13] =	ssyncset.done $0x0  }
0x22: {  	s0 =	simm.s32 @!p0 $0x7;
	[sflag:s13] =	ssyncadd.s32 $0xFFFFD900  }
0x23: {  	[spmem:s21], [sflag:s19] =	dma.local @!p0 [hbm:s8], $0x100  }
0x24: {  	_ =	swait.ge @!p0 [sflag:s0], $0x100  }
0x25: {  	[sflag:s0] =	ssyncset.done @!p0 $0x0  }
0x26: {  	[sflag:s0] =	ssyncadd.s32 @!p0 $0xFFFFFF00  }
0x27: {  	s22 =	simm.s32 $0x13920;
	[bflag:$0x0] =	sbarrier.arrive $0xFFFF  }
0x28: {  	[tilespmem:s23], [sflag:$0x3] =	stream.indirect.gather [hbm4b:s4+s15], $0x80, s22, s15, $0xb8;
	[tilespmem:$0x1FEA0] =	vst v63  }
0x29: {  	_ =	swait.ge [sflag:s24], $0x2800  }
0x2a: {  	[sflag:s24] =	ssyncset.done $0x0  }
0x2b: {  	[sflag:s24] =	ssyncadd.s32 $0xFFFFD800  }
0x2c: {  	[spmem:s2] =	stream.indirect.scatter.add.f32 [tilespmem:s16], [sflag:$0x4], $0x80, s14, s15, $0xb8;
	[tilespmem:$0x1FEA0] =	vst v63  }
0x2d: {  	_ =	swait.ge [sflag:s25], $0x2800  }
0x2e: {  	[sflag:s25] =	ssyncset.done $0x0  }
0x2f: {  	s22 =	simm.s32 $0x13970;
	[sflag:s25] =	ssyncadd.s32 $0xFFFFD800  }
0x30: {  	[tilespmem:s16], [sflag:$0x1] =	stream.indirect.gather [hbm4b:s4+s15], $0x80, s22, s15, $0xb8;
	[tilespmem:$0x1FEA0] =	vst v63  }
0x31: {  	_ =	swait.ge [sflag:s28], $0x2800  }
0x32: {  	[sflag:s28] =	ssyncset.done $0x0  }
0x33: {  	s22 =	simm.s32 $0x15FE0;
	[sflag:s28] =	ssyncadd.s32 $0xFFFFD800  }
0x34: {  	[spmem:s2] =	stream.indirect.scatter.add.f32 [tilespmem:s18], [sflag:$0x5], $0x80, s22, s15, $0xb8;
	[tilespmem:$0x1FEA0] =	vst v63  }
0x35: {  	_ =	swait.ge [sflag:s30], $0x2800  }
0x36: {  	[sflag:s30] =	ssyncset.done $0x0  }
0x37: {  	s22 =	simm.s32 $0x139C0;
	[sflag:s30] =	ssyncadd.s32 $0xFFFFD800  }
0x38: {  	[tilespmem:s18], [sflag:$0x2] =	stream.indirect.gather [hbm4b:s4+s15], $0x80, s22, s15, $0xb8;
	[tilespmem:$0x1FEA0] =	vst v63  }
0x39: {  	_ =	swait.ge [sflag:s1], $0x2800  }
0x3a: {  	[sflag:s1] =	ssyncset.done $0x0  }
0x3b: {  	s22 =	simm.s32 $0x16030;
	[sflag:s1] =	ssyncadd.s32 $0xFFFFD800  }
0x3c: {  	[spmem:s2] =	stream.indirect.scatter.add.f32 [tilespmem:s23], [sflag:$0x6], $0x80, s22, s15, $0xb8;
	[tilespmem:$0x1FEA0] =	vst v63  }
0x3d: {  	_ =	swait.ge [sflag:s17], $0x2800  }
0x3e: {  	[sflag:s17] =	ssyncset.done $0x0  }
0x3f: {  	s22 =	simm.s32 $0x13A10;
	[sflag:s17] =	ssyncadd.s32 $0xFFFFD800  }
0x40: {  	[tilespmem:s23], [sflag:$0x3] =	stream.indirect.gather [hbm4b:s4+s15], $0x80, s22, s15, $0xb8;
	[tilespmem:$0x1FEA0] =	vst v63  }
0x41: {  	_ =	swait.ge [sflag:s24], $0x2800  }
0x42: {  	[sflag:s24] =	ssyncset.done $0x0  }
0x43: {  	s22 =	simm.s32 $0x16080;
	[sflag:s24] =	ssyncadd.s32 $0xFFFFD800  }
0x44: {  	[spmem:s2] =	stream.indirect.scatter.add.f32 [tilespmem:s16], [sflag:$0x4], $0x80, s22, s15, $0xb8;
	[tilespmem:$0x1FEA0] =	vst v63  }
0x45: {  	_ =	swait.ge [sflag:s25], $0x2800  }
0x46: {  	[sflag:s25] =	ssyncset.done $0x0  }
0x47: {  	s22 =	simm.s32 $0x13A60;
	[sflag:s25] =	ssyncadd.s32 $0xFFFFD800  }
0x48: {  	[tilespmem:s16], [sflag:$0x1] =	stream.indirect.gather [hbm4b:s4+s15], $0x80, s22, s15, $0xb8;
	[tilespmem:$0x1FEA0] =	vst v63  }
0x49: {  	_ =	swait.ge [sflag:s28], $0x2800  }
0x4a: {  	[sflag:s28] =	ssyncset.done $0x0  }
0x4b: {  	s22 =	simm.s32 $0x160D0;
	[sflag:s28] =	ssyncadd.s32 $0xFFFFD800  }
0x4c: {  	[spmem:s2] =	stream.indirect.scatter.add.f32 [tilespmem:s18], [sflag:$0x5], $0x80, s22, s15, $0xb8;
	[tilespmem:$0x1FEA0] =	vst v63  }
0x4d: {  	_ =	swait.ge [sflag:s30], $0x2800  }
0x4e: {  	[sflag:s30] =	ssyncset.done $0x0  }
0x4f: {  	s22 =	simm.s32 $0x13AB0;
	[sflag:s30] =	ssyncadd.s32 $0xFFFFD800  }
0x50: {  	[tilespmem:s18], [sflag:$0x2] =	stream.indirect.gather [hbm4b:s4+s15], $0x80, s22, s15, $0xb8;
	[tilespmem:$0x1FEA0] =	vst v63  }
0x51: {  	_ =	swait.ge [sflag:s1], $0x2800  }
0x52: {  	[sflag:s1] =	ssyncset.done $0x0  }
0x53: {  	s31 =	simm.s32 $0x3C0;
	s0 =	simm.s32 $0x16120;
	[sflag:s1] =	ssyncadd.s32 $0xFFFFD800  }
.LBB2_2:
0x54: {  	[spmem:s2] =	stream.indirect.scatter.add.f32 [tilespmem:s23], [sflag:$0x6], $0x80, s0, s15, $0xb8;
	[tilespmem:$0x1FEA0] =	vst v63  }
0x55: {  	s0 =	smov.u32 s31  }
0x56: {  	p1 =	sne.s32 s31, $0x9240;
	s31 =	sadd.s32 $0x3C0, s31;
	_ =	swait.ge [sflag:s17], $0x2800  }
0x57: {  	s0 =	sshra.s32 s0, $0x2;
	[sflag:s17] =	ssyncset.done $0x0  }
0x58: {  	s22 =	sadd.s32 $0x13A10, s0;
	[sflag:s17] =	ssyncadd.s32 $0xFFFFD800  }
0x59: {  	[tilespmem:s23], [sflag:$0x3] =	stream.indirect.gather [hbm4b:s4+s15], $0x80, s22, s15, $0xb8;
	[tilespmem:$0x1FEA0] =	vst v63  }
0x5a: {  	_ =	swait.ge [sflag:s24], $0x2800  }
0x5b: {  	[sflag:s24] =	ssyncset.done $0x0  }
0x5c: {  	s22 =	sadd.s32 $0x16080, s0;
	[sflag:s24] =	ssyncadd.s32 $0xFFFFD800  }
0x5d: {  	[spmem:s2] =	stream.indirect.scatter.add.f32 [tilespmem:s16], [sflag:$0x4], $0x80, s22, s15, $0xb8;
	[tilespmem:$0x1FEA0] =	vst v63  }
0x5e: {  	_ =	swait.ge [sflag:s25], $0x2800  }
0x5f: {  	[sflag:s25] =	ssyncset.done $0x0  }
0x60: {  	s22 =	sadd.s32 $0x13A60, s0;
	[sflag:s25] =	ssyncadd.s32 $0xFFFFD800  }
0x61: {  	[tilespmem:s16], [sflag:$0x1] =	stream.indirect.gather [hbm4b:s4+s15], $0x80, s22, s15, $0xb8;
	[tilespmem:$0x1FEA0] =	vst v63  }
0x62: {  	_ =	swait.ge [sflag:s28], $0x2800  }
0x63: {  	[sflag:s28] =	ssyncset.done $0x0  }
0x64: {  	s22 =	sadd.s32 $0x160D0, s0;
	[sflag:s28] =	ssyncadd.s32 $0xFFFFD800  }
0x65: {  	[spmem:s2] =	stream.indirect.scatter.add.f32 [tilespmem:s18], [sflag:$0x5], $0x80, s22, s15, $0xb8;
	[tilespmem:$0x1FEA0] =	vst v63  }
0x66: {  	_ =	swait.ge [sflag:s30], $0x2800  }
0x67: {  	[sflag:s30] =	ssyncset.done $0x0  }
.Ltmp0:
0x68: {  	s22 =	sadd.s32 $0x13AB0, s0;
	[sflag:s30] =	ssyncadd.s32 $0xFFFFD800;
	(pc) =	sbr.rel @p1 .LBB2_2-.Ltmp0, $4  }
0x69: {  	[tilespmem:s18], [sflag:$0x2] =	stream.indirect.gather [hbm4b:s4+s15], $0x80, s22, s15, $0xb8;
	[tilespmem:$0x1FEA0] =	vst v63  }
0x6a: {  	_ =	swait.ge [sflag:s1], $0x2800  }
0x6b: {  	[sflag:s1] =	ssyncset.done $0x0  }
0x6c: {  	s0 =	sadd.s32 $0x16120, s0;
	[sflag:s1] =	ssyncadd.s32 $0xFFFFD800  }
0x6d: {  	[spmem:s2] =	stream.indirect.scatter.add.f32 [tilespmem:s23], [sflag:$0x6], $0x80, s0, s15, $0xb8;
	[tilespmem:$0x1FEA0] =	vst v63  }
0x6e: {  	_ =	swait.ge [sflag:s24], $0x2800  }
0x6f: {  	[sflag:s24] =	ssyncset.done $0x0  }
0x70: {  	s31 =	simm.s32 $0x18600;
	[sflag:s24] =	ssyncadd.s32 $0xFFFFD800  }
0x71: {  	[spmem:s2] =	stream.indirect.scatter.add.f32 [tilespmem:s16], [sflag:$0x4], $0x80, s31, s15, $0xb8;
	[tilespmem:$0x1FEA0] =	vst v63  }
0x72: {  	_ =	swait.ge [sflag:s28], $0x2800  }
0x73: {  	[sflag:s28] =	ssyncset.done $0x0  }
0x74: {  	[sflag:s28] =	ssyncadd.s32 $0xFFFFD800  }
0x75: {  	[spmem:s2] =	stream.indirect.scatter.add.f32 [tilespmem:s18], [sflag:$0x5], $0x80, s26, s15, $0xb8;
	[tilespmem:$0x1FEA0] =	vst v63  }
0x76: {  	_ =	swait.ge [sflag:s17], $0x2800  }
0x77: {  	[sflag:s17] =	ssyncset.done $0x0  }
0x78: {  	[sflag:s17] =	ssyncadd.s32 $0xFFFFD800  }
0x79: {  	_ =	swait.ge [sflag:s25], $0x2800  }
0x7a: {  	[sflag:s25] =	ssyncset.done $0x0  }
0x7b: {  	[sflag:s25] =	ssyncadd.s32 $0xFFFFD800  }
0x7c: {  	_ =	swait.ge [sflag:s30], $0x2800  }
0x7d: {  	[sflag:s30] =	ssyncset.done $0x0  }
0x7e: {  	[sflag:s30] =	ssyncadd.s32 $0xFFFFD800  }
0x7f: {  	[bflag:$0x0] =	sbarrier.arrive $0xFFFF  }
0x80: {  	[hbm:s9], [sflag:s19] =	dma.local [spmem:s20], $0x2700  }
0x81: {  	s29 =	sadd.s32 $0x1, s29;
	_ =	swait.ge [sflag:s13], $0x2700  }
0x82: {  	p1 =	sne.s32 s29, s11;
	[sflag:s13] =	ssyncset.done $0x0  }
.Ltmp1:
0x83: {  	s0 =	simm.s32 @!p0 $0x7;
	[sflag:s13] =	ssyncadd.s32 $0xFFFFD900;
	(pc) =	sbr.rel @p1 .LBB2_1-.Ltmp1, $4  }
0x84: {  	[hbm:s10], [sflag:s19] =	dma.local @!p0 [spmem:s21], $0x100  }
0x85: {  	_ =	swait.ge @!p0 [sflag:s0], $0x100  }
0x86: {  	[sflag:s0] =	ssyncset.done @!p0 $0x0  }
0x87: {  	[sflag:s0] =	ssyncadd.s32 @!p0 $0xFFFFFF00  }
0x88: {  	_ =	sfence.sel $0x180000  }
0x89: {  	[bflag:$0x0] =	sbarrier.arrive $0xFFFF  }
0x8a: {  	_ =	strace $0x9000004A  }
0x8b: {  	s0 =	stileid.u32;
	[bflag:$0x2] =	sbarrier.arrive $0xFFFF  }
0x8c: {  	p0 =	sne.s32 s0, $0x0;
	s0 =	rddreg [dreg:$0x3]  }
0x8d: {  	s0 =	sadd.s32 @!p0 $0x100000, s0  }
0x8e: {  	[sflag:s0] =	ssyncadd.tile.s32 @!p0 $0x1;
	_ =	shalt  }
.Lfunc_end2:
_tile_overlayer_lowered:
.L_overlay_start_2:
0x8f: {  	(tag) =	ssettag $0x2  }
0x90: {  	s0 =	rddreg [dreg:$0x0];
	s2 =	stileid.u32  }
0x91: {  	s1 =	rddreg [dreg:$0x1];
	p0 =	sne.s32 s2, $0x0  }
0x92: {  	s3 =	rddreg [dreg:$0x2];
	[bflag:$0x3] =	sbarrier.arrive $0xFFFF;
	s2 =	simm.s32 @!p0 $0x1C07  }
0x93: {  	[timem:s3], [sflag:s2] =	dma.local @!p0 [hbm:s0], s1  }
0x94: {  	s0 =	simm.s32 @!p0 $0x7  }
0x95: {  	_ =	swait.ge @!p0 [sflag:s0], s1  }
0x96: {  	s1 =	ssub.s32 @!p0 $0x0, s1;
	[sflag:s0] =	ssyncset.done @!p0 $0x0  }
0x97: {  	[sflag:s0] =	ssyncadd.s32 @!p0 s1  }
0x98: {  	[bflag:$0x3] =	sbarrier.arrive $0xFFFF  }
0x99: {  	_ =	shalt  }

// kernel: kernel.15.cloned.1.call-start
scs
__scs_entry_jumppad:
0x0: {  	(pc) =	sbr.rel $0x88, $3  }
0x1: {  	(tag) =	ssettag $0x0;
	lr =	simm.s32 $0x1  }
0x2: {  	[smem:$0x3F97] =	sst lr;
	_ =	strace $0xD0000000  }
0x3: {  	_ = 	snop  }
0x4: {  	_ = 	snop  }
0x5: {  	_ = 	snop  }
0x6: {  	_ = 	snop  }
0x7: {  	_ = 	snop  }
__scs_overlays_trampoline_lowered:
0x8: {  	[smem:$0x3FA6] =	sst s0  }
0x9: {  	[smem:$0x3FA7] =	sst s1  }
0xa: {  	[smem:$0x3FA8] =	sst s2  }
0xb: {  	[smem:$0x3FA9] =	sst s3  }
0xc: {  	[smem:$0x3FAA] =	sst s4  }
0xd: {  	[smem:$0x3FAB] =	sst s5  }
0xe: {  	[smem:$0x3FAC] =	sst s6  }
0xf: {  	[smem:$0x3FAD] =	sst s7  }
0x10: {  	[smem:$0x3FAE] =	sst s8  }
0x11: {  	[smem:$0x3FAF] =	sst s9;
	s0 =	simm.s32 @!p0 $0x0  }
0x12: {  	s1 =	sld [smem:$0x3F95];
	s0 =	simm.s32 @p0 $0x1  }
0x13: {  	[smem:$0x3FB0] =	sst s0;
	s0 =	simm.s32 @!p1 $0x0  }
0x14: {  	s2 =	sld [smem:$0x3F94];
	s0 =	simm.s32 @p1 $0x1  }
0x15: {  	[smem:$0x3FB1] =	sst s0;
	s0 =	simm.s32 @!p2 $0x0  }
0x16: {  	s3 =	sld [smem:$0x3FDB];
	s0 =	simm.s32 @p2 $0x1  }
0x17: {  	s4 =	simm.s32 $0x1BF5;
	[smem:$0x3FB3] =	sst s0  }
0x18: {  	s0 =	sld [smem:$0x3F96];
	_ =	swait.ge [sflag:s4], $0x0  }
0x19: {  	s7 =	sld [smem:$0x3F97]  }
0x1a: {  	s8 =	sadd.s32 $0xFFFFE003, lr  }
0x1b: {  	s9 =	sadd.s32 $0xFFFFFEF7, lr;
	s5 =	simm.s32 $0xFFFFFFFF;
	p2 =	slt.u32 s8, $0xFFFFF086  }
0x1c: {  	p1 =	slt.u32 s9, $0xF7A;
	s5 =	simm.s32 @!p2 $0x0  }
0x1d: {  	s5 =	simm.s32 @p1 $0x1;
	p0 =	seq.s32 s7, s2  }
0x1e: {  	s7 =	smul.u32 @!p0 $0xF7A, s2;
	p2 =	seq.s32 @!p0 s5, $0x0  }
0x1f: {  	s9 =	smul.u32 $0xF7A, s1;
	s8 =	simm.s32 @!p0 $0x1BF5;
	p2 =	por !p2, p0  }
0x20: {  	[sflag:s8] =	ssyncset.s32 @!p0 $0xFFFFF086;
	s6 =	sadd.s32 @!p0 s3, s7;
	s7 =	simm.s32 @!p0 $0x108  }
0x21: {  	s3 =	sadd.s32 s3, s9;
	s6 =	sadd.s32 @!p0 $0x88, s6;
	s7 =	simm.s32 @p2 $0x1082  }
0x22: {  	[simem:s7], [sflag:s8] =	dma.local @!p0 [hbm:s6], $0xF7A  }
0x23: {  	s9 =	sor.u32 $0xD0000000, s2;
	s6 =	simm.s32 $0x108;
	_ =	swait.ge @!p0 [sflag:s8], $0x0  }
0x24: {  	s3 =	sadd.s32 $0x88, s3;
	s6 =	simm.s32 @!p1 $0x1082;
	[sflag:s4] =	ssyncset.s32 $0xFFFFF086  }
0x25: {  	[simem:s6], [sflag:s4] =	dma.local [hbm:s3], $0xF7A  }
0x26: {  	[smem:$0x3F97] =	sst s1;
	(tag) =	ssettag s2;
	_ =	strace s9  }
0x27: {  	s1 =	sld [smem:$0x3FA7]  }
0x28: {  	s2 =	sld [smem:$0x3FA8]  }
0x29: {  	s4 =	sld [smem:$0x3FAA]  }
0x2a: {  	p0 =	seq.s32 s5, $0x0;
	s5 =	sld [smem:$0x3FAB]  }
0x2b: {  	s6 =	sld [smem:$0x3FAC]  }
0x2c: {  	s7 =	sld [smem:$0x3FAD]  }
0x2d: {  	s3 =	simm.s32 $0x108;
	s8 =	sld [smem:$0x3FAE]  }
0x2e: {  	s3 =	simm.s32 @!p0 $0x1082;
	s9 =	sld [smem:$0x3FAF]  }
0x2f: {  	lr =	sadd.s32 s0, s3;
	s0 =	sld [smem:$0x3FA6]  }
0x30: {  	s3 =	sld [smem:$0x3FA9]  }
0x31: {  	[smem:$0x3FB2] =	sst s10  }
0x32: {  	s10 =	sld [smem:$0x3FB0];
	_ =	sdelay $0x3  }
0x33: {  	p0 =	seq.s32 s10, $0x1;
	s10 =	sld [smem:$0x3FB2];
	_ =	sdelay $0x3  }
0x34: {  	[smem:$0x3FB2] =	sst s10  }
0x35: {  	s10 =	sld [smem:$0x3FB1];
	_ =	sdelay $0x3  }
0x36: {  	p1 =	seq.s32 s10, $0x1;
	s10 =	sld [smem:$0x3FB2];
	_ =	sdelay $0x3  }
0x37: {  	[smem:$0x3FB2] =	sst s10  }
0x38: {  	s10 =	sld [smem:$0x3FB3]  }
0x39: {  	_ = 	snop;
	(pc) =	sbr.ind lr, $3  }
0x3a: {  	_ = 	snop  }
0x3b: {  	_ = 	snop  }
0x3c: {  	p2 =	seq.s32 s10, $0x1;
	s10 =	sld [smem:$0x3FB2]  }
0x3d: {  	_ =	shalt  }
0x3e: {  	_ =	shalt  }
0x3f: {  	_ =	shalt  }
0x40: {  	_ =	shalt  }
0x41: {  	_ =	shalt  }
0x42: {  	_ =	shalt  }
0x43: {  	_ =	shalt  }
0x44: {  	_ =	shalt  }
0x45: {  	_ =	shalt  }
0x46: {  	_ =	shalt  }
0x47: {  	_ =	shalt  }
0x48: {  	_ =	shalt  }
0x49: {  	_ =	shalt  }
0x4a: {  	_ =	shalt  }
0x4b: {  	_ =	shalt  }
0x4c: {  	_ =	shalt  }
0x4d: {  	_ =	shalt  }
0x4e: {  	_ =	shalt  }
0x4f: {  	_ =	shalt  }
0x50: {  	_ =	shalt  }
0x51: {  	_ =	shalt  }
0x52: {  	_ =	shalt  }
0x53: {  	_ =	shalt  }
0x54: {  	_ =	shalt  }
0x55: {  	_ =	shalt  }
0x56: {  	_ =	shalt  }
0x57: {  	_ =	shalt  }
0x58: {  	_ =	shalt  }
0x59: {  	_ =	shalt  }
0x5a: {  	_ =	shalt  }
0x5b: {  	_ =	shalt  }
0x5c: {  	_ =	shalt  }
0x5d: {  	_ =	shalt  }
0x5e: {  	_ =	shalt  }
0x5f: {  	_ =	shalt  }
0x60: {  	_ =	shalt  }
0x61: {  	_ =	shalt  }
0x62: {  	_ =	shalt  }
0x63: {  	_ =	shalt  }
0x64: {  	_ =	shalt  }
0x65: {  	_ =	shalt  }
0x66: {  	_ =	shalt  }
0x67: {  	_ =	shalt  }
0x68: {  	_ =	shalt  }
0x69: {  	_ =	shalt  }
0x6a: {  	_ =	shalt  }
0x6b: {  	_ =	shalt  }
0x6c: {  	_ =	shalt  }
0x6d: {  	_ =	shalt  }
0x6e: {  	_ =	shalt  }
0x6f: {  	_ =	shalt  }
0x70: {  	_ =	shalt  }
0x71: {  	_ =	shalt  }
0x72: {  	_ =	shalt  }
0x73: {  	_ =	shalt  }
0x74: {  	_ =	shalt  }
0x75: {  	_ =	shalt  }
0x76: {  	_ =	shalt  }
0x77: {  	_ =	shalt  }
0x78: {  	_ =	shalt  }
0x79: {  	_ =	shalt  }
0x7a: {  	_ =	shalt  }
0x7b: {  	_ =	shalt  }
0x7c: {  	_ =	shalt  }
0x7d: {  	_ =	shalt  }
0x7e: {  	_ =	shalt  }
0x7f: {  	_ =	shalt  }
0x80: {  	_ =	shalt  }
0x81: {  	_ =	shalt  }
0x82: {  	_ =	shalt  }
0x83: {  	_ =	shalt  }
0x84: {  	_ =	shalt  }
0x85: {  	_ =	shalt  }
0x86: {  	_ =	shalt  }
0x87: {  	_ =	shalt  }
.Lfunc_end0:
.L_simem_size_0:
called_computation.2_lowered:
.L_overlay_start_0:
0x88: {  	s2 =	sld [smem:$0x3FD9]  }
0x89: {  	s3 =	sld [smem:$0x3FFE];
	_ =	sdelay $0x1  }
0x8a: {  	s1 =	srdreg.scid  }
0x8b: {  	s0 =	sand.u32 $0x1, s1  }
0x8c: {  	s14 =	sshll.u32 s0, $0xA;
	s2 =	sadd.s32 s3, s2  }
0x8d: {  	s2 =	sadd.s32 s2, s14  }
0x8e: {  	[smem:$0x3FBE] =	sst s2  }
0x8f: {  	_ = 	snop  }
0x90: {  	s2 =	sld [smem:$0x3FD0];
	_ =	sdelay $0x2  }
0x91: {  	s15 =	simm.s32 $0xA;
	s4 =	simm.s32 $0x10  }
0x92: {  	[smem:s4], [sflag:s15] =	dma.local [hbm:s2], $0x1  }
0x93: {  	_ =	swait.eq [sflag:s15], $0x1  }
0x94: {  	[sflag:s15] =	ssyncset.done $0x0  }
0x95: {  	[sflag:s15] =	ssyncadd.s32 $0xFFFFFFFF  }
0x96: {  	s16 =	sld [smem:$0x11];
	(tm) =	ssettm $0x1  }
0x97: {  	s17 =	sld [smem:$0x3FFB];
	_ =	sdelay $0x3  }
0x98: {  	_ =	strace s17  }
0x99: {  	s3 =	sld [smem:$0x3FFC];
	_ =	sdelay $0x3  }
0x9a: {  	_ =	strace s3  }
0x9b: {  	s3 =	sld [smem:$0x3FFD];
	_ =	sdelay $0x3  }
0x9c: {  	_ =	strace s3  }
0x9d: {  	_ =	strace $0x8FFFFFFF  }
0x9e: {  	s18 =	sld [smem:$0x3FDB];
	_ =	sdelay $0x1  }
0x9f: {  	s19 =	simm.s32 $_scs_section_size  }
0xa0: {  	s5 =	simm.s32 $_size__tile_overlayer_lowered;
	s6 =	simm.s32 $_tile_overlayer_lowered  }
0xa1: {  	s22 =	simm.s32 $0x1BFF;
	s21 =	sshll.u32 s6, $0x1;
	s3 =	sadd.s32 s19, s18  }
0xa2: {  	s7 =	simm.s32 $0x0;
	s20 =	sshll.u32 s5, $0x1;
	s5 =	sadd.s32 s21, s3  }
0xa3: {  	[timem:s7], [sflag:s22] =	dma.local [hbm:s5], s20  }
0xa4: {  	_ =	swait.ge [sflag:s22], s20  }
0xa5: {  	s4 =	ssub.s32 $0x0, s20;
	[sflag:s22] =	ssyncset.done $0x0  }
0xa6: {  	[sflag:s22] =	ssyncadd.s32 s4;
	_ =	sdelay $0x1  }
0xa7: {  	s23 =	simm.s32 $0x1B8B  }
0xa8: {  	_ =	swait.ge [sflag:s23], $0x1  }
0xa9: {  	[sflag:s23] =	ssyncset.done $0x0  }
0xaa: {  	s25 =	simm.s32 $0x1B8E;
	s24 =	sld [smem:$0x3FFE];
	[sflag:s23] =	ssyncadd.s32 $0xFFFFFFFF  }
0xab: {  	s26 =	simm.s32 $execute0_lowered;
	[smem:$0x3FD2] =	sst s25  }
0xac: {  	s5 =	sshll.u32 s26, $0x1;
	_ =	strace $0x8000004C;
	[dreg:$0x1] =	wrdreg $0xFFFFFFFF  }
0xad: {  	s28 =	simm.s32 $_size_execute0_lowered;
	s3 =	sadd.s32 s3, s5;
	[dreg:$0x0] =	wrdreg $0x0  }
0xae: {  	s5 =	sshll.u32 s28, $0x1;
	[dreg:$0x2] =	wrdreg s3  }
0xaf: {  	[dreg:$0x3] =	wrdreg s5  }
0xb0: {  	[dreg:$0x4] =	wrdreg $0xC0  }
0xb1: {  	_ =	task [dreg:s7], $0x5FFFF  }
0xb2: {  	[dreg:$0x1] =	wrdreg $0xFFFFFFFF  }
0xb3: {  	[dreg:$0x0] =	wrdreg $0x60  }
0xb4: {  	[dreg:$0x2] =	wrdreg s24  }
0xb5: {  	[dreg:$0x3] =	wrdreg s16  }
0xb6: {  	[dreg:$0x4] =	wrdreg $0x0  }
0xb7: {  	[dreg:$0x5] =	wrdreg $0x9  }
0xb8: {  	_ =	task.clear_ibuf [dreg:s7], $0x6FFFF;
	_ =	strace $0x9000004C  }
0xb9: {  	s29 =	simm.s32 $0x9;
	_ =	strace $0x8000004E  }
0xba: {  	_ =	swait.ge [sflag:s29], $0x1  }
0xbb: {  	[sflag:s29] =	ssyncadd.s32 $0xFFFFFFFF  }
0xbc: {  	_ =	strace $0x9000004E  }
0xbd: {  	_ =	sfence  }
0xbe: {  	s30 =	sld [smem:$0x0];
	_ =	sdelay $0x2  }
0xbf: {  	s31 =	sshll.u32 s1, $0xD;
	s1 =	sshrl.u32 s1, $0x2  }
0xc0: {  	s3 =	sand.u32 $0x4000, s31;
	s1 =	sadd.s32 s1, s30  }
0xc1: {  	s0 =	sor.u32 s3, s0;
	s1 =	sshll.u32 s1, $0x11  }
0xc2: {  	s0 =	sor.u32 s1, s0  }
0xc3: {  	s0 =	sadd.s32 $0x8F2B, s0  }
0xc4: {  	[sflag:s0] =	ssyncadd.remote.s32 $0x1  }
0xc5: {  	_ =	sfence.sel $0xFFFF  }
0xc6: {  	[dreg:$0x0] =	wrdreg $0xFFFFFFFF;
	(pc) =	sbr.abs _section_cstart, $3  }
0xc7: {  	[dreg:$0x1] =	wrdreg $0xFFFFFFFF  }
0xc8: {  	_ =	task.clear_ibuf [dreg:s7], $0x2FFFF;
	_ =	strace $0x9FFFFFFF  }
0xc9: {  	(tm) =	ssettm $0x7FFFFFFF  }
tec
execute0_lowered:
.L_overlay_start_1:
0x0: {  	(tag) =	ssettag $0x1  }
0x1: {  	s0 =	rddreg [dreg:$0x0]  }
0x2: {  	s1 =	rddreg [dreg:$0x1];
	s3 =	srdreg.scid  }
0x3: {  	s19 =	stileid.u32;
	s2 =	rddreg [dreg:$0x2]  }
0x4: {  	s12 =	simm.s32 $0x13880;
	s13 =	simm.s32 $0x7;
	s14 =	simm.s32 $0x15F90  }
0x5: {  	s15 =	simm.s32 $0x50;
	s16 =	simm.s32 $0x186A0;
	s18 =	simm.s32 $0x1AEA0  }
0x6: {  	s28 =	simm.s32 $0x2;
	s30 =	simm.s32 $0x5;
	s29 =	simm.s32 $0x0  }
0x7: {  	s6 =	sand.u32 $0x1, s3;
	s4 =	sshll.u32 s19, $0x1;
	s3 =	simm.s32 $0x0  }
0x8: {  	s9 =	smul.u32 $0x13800, s19;
	s21 =	sadd.s32 $0x138000, s2;
	p0 =	sne.s32 s19, $0xF  }
0x9: {  	s31 =	sshll.u32 s19, $0x6;
	s4 =	sor.u32 s6, s4;
	[smem:$0x7FF] =	sst s3  }
0xa: {  	s7 =	ssub.s32 $0x2, s6;
	s24 =	smul.u32 $0x138800, s6;
	s19 =	sor.u32 $0x1C07, s31  }
0xb: {  	s21 =	sshrl.u32 @!p0 s21, $0x3;
	s5 =	smul.u32 $0x4E2, s4;
	_ =	strace $0x8000004D  }
0xc: {  	s8 =	sshrl.u32 s7, $0x1;
	s4 =	sadd.s32 $0x17000, s0;
	s23 =	sshrl.u32 s9, $0x3  }
0xd: {  	s17 =	sadd.s32 s9, s2;
	s11 =	ssub.s32 s7, s8;
	s7 =	sadd.s32 s4, s23  }
0xe: {  	s9 =	sadd.s32 s9, s24;
	s25 =	sshrl.u32 s24, $0x3;
	s8 =	sadd.s32 $0x3E000, s0  }
0xf: {  	s20 =	sshrl.u32 s17, $0x3;
	s23 =	simm.s32 $0x1D6A0;
	s24 =	simm.s32 $0x1  }
0x10: {  	s17 =	simm.s32 $0x6;
	s10 =	sadd.s32 s5, s0;
	s26 =	sshrl.u32 s9, $0x3  }
0x11: {  	s11 =	smax.u32 s11, $0x1;
	s5 =	sadd.s32 $0xD200, s10;
	s6 =	sadd.s32 $0x3400, s10  }
0x12: {  	s10 =	sadd.s32 s1, s25;
	s9 =	sadd.s32 s1, s26;
	s25 =	simm.s32 $0x4  }
0x13: {  	s1 =	simm.s32 $0x3;
	s26 =	simm.s32 $0x18650;
	s10 =	sadd.s32 $0x27000, s10  }
.LBB2_1:
0x14: {  	[tilespmem:s12], [sflag:$0x7] =	stream.linear.gather [hbm4b:s5+s3], $0x2710, $0x38;
	[tilespmem:$0x1FEA0] =	vst v63  }
0x15: {  	_ =	swait.ge [sflag:s13], $0x2710  }
0x16: {  	[sflag:s13] =	ssyncset.done $0x0  }
0x17: {  	[sflag:s13] =	ssyncadd.s32 $0xFFFFD8F0  }
0x18: {  	[tilespmem:s14], [sflag:$0x7] =	stream.linear.gather [hbm4b:s6+s3], $0x2710, $0x38;
	[tilespmem:$0x1FEA0] =	vst v63  }
0x19: {  	_ =	swait.ge [sflag:s13], $0x2710  }
0x1a: {  	[sflag:s13] =	ssyncset.done $0x0  }
0x1b: {  	[sflag:s13] =	ssyncadd.s32 $0xFFFFD8F0  }
0x1c: {  	[tilespmem:s16], [sflag:$0x1] =	stream.indirect.gather [hbm4b:s4+s15], $0x80, s12, s15, $0xb8;
	[tilespmem:$0x1FEA0] =	vst v63  }
0x1d: {  	s0 =	simm.s32 $0x138D0  }
0x1e: {  	[tilespmem:s18], [sflag:$0x2] =	stream.indirect.gather [hbm4b:s4+s15], $0x80, s0, s15, $0xb8;
	[tilespmem:$0x1FEA0] =	vst v63  }
0x1f: {  	[spmem:s20], [sflag:s19] =	dma.local [hbm:s7], $0x2700  }
0x20: {  	_ =	swait.ge [sflag:s13], $0x2700  }
0x21: {  	[sflag:s13] =	ssyncset.done $0x0  }
0x22: {  	s0 =	simm.s32 @!p0 $0x7;
	[sflag:s13] =	ssyncadd.s32 $0xFFFFD900  }
0x23: {  	[spmem:s21], [sflag:s19] =	dma.local @!p0 [hbm:s8], $0x100  }
0x24: {  	_ =	swait.ge @!p0 [sflag:s0], $0x100  }
0x25: {  	[sflag:s0] =	ssyncset.done @!p0 $0x0  }
0x26: {  	[sflag:s0] =	ssyncadd.s32 @!p0 $0xFFFFFF00  }
0x27: {  	s22 =	simm.s32 $0x13920;
	[bflag:$0x0] =	sbarrier.arrive $0xFFFF  }
0x28: {  	[tilespmem:s23], [sflag:$0x3] =	stream.indirect.gather [hbm4b:s4+s15], $0x80, s22, s15, $0xb8;
	[tilespmem:$0x1FEA0] =	vst v63  }
0x29: {  	_ =	swait.ge [sflag:s24], $0x2800  }
0x2a: {  	[sflag:s24] =	ssyncset.done $0x0  }
0x2b: {  	[sflag:s24] =	ssyncadd.s32 $0xFFFFD800  }
0x2c: {  	[spmem:s2] =	stream.indirect.scatter.add.f32 [tilespmem:s16], [sflag:$0x4], $0x80, s14, s15, $0xb8;
	[tilespmem:$0x1FEA0] =	vst v63  }
0x2d: {  	_ =	swait.ge [sflag:s25], $0x2800  }
0x2e: {  	[sflag:s25] =	ssyncset.done $0x0  }
0x2f: {  	s22 =	simm.s32 $0x13970;
	[sflag:s25] =	ssyncadd.s32 $0xFFFFD800  }
0x30: {  	[tilespmem:s16], [sflag:$0x1] =	stream.indirect.gather [hbm4b:s4+s15], $0x80, s22, s15, $0xb8;
	[tilespmem:$0x1FEA0] =	vst v63  }
0x31: {  	_ =	swait.ge [sflag:s28], $0x2800  }
0x32: {  	[sflag:s28] =	ssyncset.done $0x0  }
0x33: {  	s22 =	simm.s32 $0x15FE0;
	[sflag:s28] =	ssyncadd.s32 $0xFFFFD800  }
0x34: {  	[spmem:s2] =	stream.indirect.scatter.add.f32 [tilespmem:s18], [sflag:$0x5], $0x80, s22, s15, $0xb8;
	[tilespmem:$0x1FEA0] =	vst v63  }
0x35: {  	_ =	swait.ge [sflag:s30], $0x2800  }
0x36: {  	[sflag:s30] =	ssyncset.done $0x0  }
0x37: {  	s22 =	simm.s32 $0x139C0;
	[sflag:s30] =	ssyncadd.s32 $0xFFFFD800  }
0x38: {  	[tilespmem:s18], [sflag:$0x2] =	stream.indirect.gather [hbm4b:s4+s15], $0x80, s22, s15, $0xb8;
	[tilespmem:$0x1FEA0] =	vst v63  }
0x39: {  	_ =	swait.ge [sflag:s1], $0x2800  }
0x3a: {  	[sflag:s1] =	ssyncset.done $0x0  }
0x3b: {  	s22 =	simm.s32 $0x16030;
	[sflag:s1] =	ssyncadd.s32 $0xFFFFD800  }
0x3c: {  	[spmem:s2] =	stream.indirect.scatter.add.f32 [tilespmem:s23], [sflag:$0x6], $0x80, s22, s15, $0xb8;
	[tilespmem:$0x1FEA0] =	vst v63  }
0x3d: {  	_ =	swait.ge [sflag:s17], $0x2800  }
0x3e: {  	[sflag:s17] =	ssyncset.done $0x0  }
0x3f: {  	s22 =	simm.s32 $0x13A10;
	[sflag:s17] =	ssyncadd.s32 $0xFFFFD800  }
0x40: {  	[tilespmem:s23], [sflag:$0x3] =	stream.indirect.gather [hbm4b:s4+s15], $0x80, s22, s15, $0xb8;
	[tilespmem:$0x1FEA0] =	vst v63  }
0x41: {  	_ =	swait.ge [sflag:s24], $0x2800  }
0x42: {  	[sflag:s24] =	ssyncset.done $0x0  }
0x43: {  	s22 =	simm.s32 $0x16080;
	[sflag:s24] =	ssyncadd.s32 $0xFFFFD800  }
0x44: {  	[spmem:s2] =	stream.indirect.scatter.add.f32 [tilespmem:s16], [sflag:$0x4], $0x80, s22, s15, $0xb8;
	[tilespmem:$0x1FEA0] =	vst v63  }
0x45: {  	_ =	swait.ge [sflag:s25], $0x2800  }
0x46: {  	[sflag:s25] =	ssyncset.done $0x0  }
0x47: {  	s22 =	simm.s32 $0x13A60;
	[sflag:s25] =	ssyncadd.s32 $0xFFFFD800  }
0x48: {  	[tilespmem:s16], [sflag:$0x1] =	stream.indirect.gather [hbm4b:s4+s15], $0x80, s22, s15, $0xb8;
	[tilespmem:$0x1FEA0] =	vst v63  }
0x49: {  	_ =	swait.ge [sflag:s28], $0x2800  }
0x4a: {  	[sflag:s28] =	ssyncset.done $0x0  }
0x4b: {  	s22 =	simm.s32 $0x160D0;
	[sflag:s28] =	ssyncadd.s32 $0xFFFFD800  }
0x4c: {  	[spmem:s2] =	stream.indirect.scatter.add.f32 [tilespmem:s18], [sflag:$0x5], $0x80, s22, s15, $0xb8;
	[tilespmem:$0x1FEA0] =	vst v63  }
0x4d: {  	_ =	swait.ge [sflag:s30], $0x2800  }
0x4e: {  	[sflag:s30] =	ssyncset.done $0x0  }
0x4f: {  	s22 =	simm.s32 $0x13AB0;
	[sflag:s30] =	ssyncadd.s32 $0xFFFFD800  }
0x50: {  	[tilespmem:s18], [sflag:$0x2] =	stream.indirect.gather [hbm4b:s4+s15], $0x80, s22, s15, $0xb8;
	[tilespmem:$0x1FEA0] =	vst v63  }
0x51: {  	_ =	swait.ge [sflag:s1], $0x2800  }
0x52: {  	[sflag:s1] =	ssyncset.done $0x0  }
0x53: {  	s31 =	simm.s32 $0x3C0;
	s0 =	simm.s32 $0x16120;
	[sflag:s1] =	ssyncadd.s32 $0xFFFFD800  }
.LBB2_2:
0x54: {  	[spmem:s2] =	stream.indirect.scatter.add.f32 [tilespmem:s23], [sflag:$0x6], $0x80, s0, s15, $0xb8;
	[tilespmem:$0x1FEA0] =	vst v63  }
0x55: {  	s0 =	smov.u32 s31  }
0x56: {  	p1 =	sne.s32 s31, $0x9240;
	s31 =	sadd.s32 $0x3C0, s31;
	_ =	swait.ge [sflag:s17], $0x2800  }
0x57: {  	s0 =	sshra.s32 s0, $0x2;
	[sflag:s17] =	ssyncset.done $0x0  }
0x58: {  	s22 =	sadd.s32 $0x13A10, s0;
	[sflag:s17] =	ssyncadd.s32 $0xFFFFD800  }
0x59: {  	[tilespmem:s23], [sflag:$0x3] =	stream.indirect.gather [hbm4b:s4+s15], $0x80, s22, s15, $0xb8;
	[tilespmem:$0x1FEA0] =	vst v63  }
0x5a: {  	_ =	swait.ge [sflag:s24], $0x2800  }
0x5b: {  	[sflag:s24] =	ssyncset.done $0x0  }
0x5c: {  	s22 =	sadd.s32 $0x16080, s0;
	[sflag:s24] =	ssyncadd.s32 $0xFFFFD800  }
0x5d: {  	[spmem:s2] =	stream.indirect.scatter.add.f32 [tilespmem:s16], [sflag:$0x4], $0x80, s22, s15, $0xb8;
	[tilespmem:$0x1FEA0] =	vst v63  }
0x5e: {  	_ =	swait.ge [sflag:s25], $0x2800  }
0x5f: {  	[sflag:s25] =	ssyncset.done $0x0  }
0x60: {  	s22 =	sadd.s32 $0x13A60, s0;
	[sflag:s25] =	ssyncadd.s32 $0xFFFFD800  }
0x61: {  	[tilespmem:s16], [sflag:$0x1] =	stream.indirect.gather [hbm4b:s4+s15], $0x80, s22, s15, $0xb8;
	[tilespmem:$0x1FEA0] =	vst v63  }
0x62: {  	_ =	swait.ge [sflag:s28], $0x2800  }
0x63: {  	[sflag:s28] =	ssyncset.done $0x0  }
0x64: {  	s22 =	sadd.s32 $0x160D0, s0;
	[sflag:s28] =	ssyncadd.s32 $0xFFFFD800  }
0x65: {  	[spmem:s2] =	stream.indirect.scatter.add.f32 [tilespmem:s18], [sflag:$0x5], $0x80, s22, s15, $0xb8;
	[tilespmem:$0x1FEA0] =	vst v63  }
0x66: {  	_ =	swait.ge [sflag:s30], $0x2800  }
0x67: {  	[sflag:s30] =	ssyncset.done $0x0  }
.Ltmp0:
0x68: {  	s22 =	sadd.s32 $0x13AB0, s0;
	[sflag:s30] =	ssyncadd.s32 $0xFFFFD800;
	(pc) =	sbr.rel @p1 .LBB2_2-.Ltmp0, $4  }
0x69: {  	[tilespmem:s18], [sflag:$0x2] =	stream.indirect.gather [hbm4b:s4+s15], $0x80, s22, s15, $0xb8;
	[tilespmem:$0x1FEA0] =	vst v63  }
0x6a: {  	_ =	swait.ge [sflag:s1], $0x2800  }
0x6b: {  	[sflag:s1] =	ssyncset.done $0x0  }
0x6c: {  	s0 =	sadd.s32 $0x16120, s0;
	[sflag:s1] =	ssyncadd.s32 $0xFFFFD800  }
0x6d: {  	[spmem:s2] =	stream.indirect.scatter.add.f32 [tilespmem:s23], [sflag:$0x6], $0x80, s0, s15, $0xb8;
	[tilespmem:$0x1FEA0] =	vst v63  }
0x6e: {  	_ =	swait.ge [sflag:s24], $0x2800  }
0x6f: {  	[sflag:s24] =	ssyncset.done $0x0  }
0x70: {  	s31 =	simm.s32 $0x18600;
	[sflag:s24] =	ssyncadd.s32 $0xFFFFD800  }
0x71: {  	[spmem:s2] =	stream.indirect.scatter.add.f32 [tilespmem:s16], [sflag:$0x4], $0x80, s31, s15, $0xb8;
	[tilespmem:$0x1FEA0] =	vst v63  }
0x72: {  	_ =	swait.ge [sflag:s28], $0x2800  }
0x73: {  	[sflag:s28] =	ssyncset.done $0x0  }
0x74: {  	[sflag:s28] =	ssyncadd.s32 $0xFFFFD800  }
0x75: {  	[spmem:s2] =	stream.indirect.scatter.add.f32 [tilespmem:s18], [sflag:$0x5], $0x80, s26, s15, $0xb8;
	[tilespmem:$0x1FEA0] =	vst v63  }
0x76: {  	_ =	swait.ge [sflag:s17], $0x2800  }
0x77: {  	[sflag:s17] =	ssyncset.done $0x0  }
0x78: {  	[sflag:s17] =	ssyncadd.s32 $0xFFFFD800  }
0x79: {  	_ =	swait.ge [sflag:s25], $0x2800  }
0x7a: {  	[sflag:s25] =	ssyncset.done $0x0  }
0x7b: {  	[sflag:s25] =	ssyncadd.s32 $0xFFFFD800  }
0x7c: {  	_ =	swait.ge [sflag:s30], $0x2800  }
0x7d: {  	[sflag:s30] =	ssyncset.done $0x0  }
0x7e: {  	[sflag:s30] =	ssyncadd.s32 $0xFFFFD800  }
0x7f: {  	[bflag:$0x0] =	sbarrier.arrive $0xFFFF  }
0x80: {  	[hbm:s9], [sflag:s19] =	dma.local [spmem:s20], $0x2700  }
0x81: {  	s29 =	sadd.s32 $0x1, s29;
	_ =	swait.ge [sflag:s13], $0x2700  }
0x82: {  	p1 =	sne.s32 s29, s11;
	[sflag:s13] =	ssyncset.done $0x0  }
.Ltmp1:
0x83: {  	s0 =	simm.s32 @!p0 $0x7;
	[sflag:s13] =	ssyncadd.s32 $0xFFFFD900;
	(pc) =	sbr.rel @p1 .LBB2_1-.Ltmp1, $4  }
0x84: {  	[hbm:s10], [sflag:s19] =	dma.local @!p0 [spmem:s21], $0x100  }
0x85: {  	_ =	swait.ge @!p0 [sflag:s0], $0x100  }
0x86: {  	[sflag:s0] =	ssyncset.done @!p0 $0x0  }
0x87: {  	[sflag:s0] =	ssyncadd.s32 @!p0 $0xFFFFFF00  }
0x88: {  	_ =	sfence.sel $0x180000  }
0x89: {  	[bflag:$0x0] =	sbarrier.arrive $0xFFFF  }
0x8a: {  	_ =	strace $0x9000004D  }
0x8b: {  	s0 =	stileid.u32;
	[bflag:$0x2] =	sbarrier.arrive $0xFFFF  }
0x8c: {  	p0 =	sne.s32 s0, $0x0;
	s0 =	rddreg [dreg:$0x3]  }
0x8d: {  	s0 =	sadd.s32 @!p0 $0x100000, s0  }
0x8e: {  	[sflag:s0] =	ssyncadd.tile.s32 @!p0 $0x1;
	_ =	shalt  }
.Lfunc_end2:
_tile_overlayer_lowered:
.L_overlay_start_2:
0x8f: {  	(tag) =	ssettag $0x2  }
0x90: {  	s0 =	rddreg [dreg:$0x0];
	s2 =	stileid.u32  }
0x91: {  	s1 =	rddreg [dreg:$0x1];
	p0 =	sne.s32 s2, $0x0  }
0x92: {  	s3 =	rddreg [dreg:$0x2];
	[bflag:$0x3] =	sbarrier.arrive $0xFFFF;
	s2 =	simm.s32 @!p0 $0x1C07  }
0x93: {  	[timem:s3], [sflag:s2] =	dma.local @!p0 [hbm:s0], s1  }
0x94: {  	s0 =	simm.s32 @!p0 $0x7  }
0x95: {  	_ =	swait.ge @!p0 [sflag:s0], s1  }
0x96: {  	s1 =	ssub.s32 @!p0 $0x0, s1;
	[sflag:s0] =	ssyncset.done @!p0 $0x0  }
0x97: {  	[sflag:s0] =	ssyncadd.s32 @!p0 s1  }
0x98: {  	[bflag:$0x3] =	sbarrier.arrive $0xFFFF  }
0x99: {  	_ =	shalt  }

// kernel: kernel.9.cloned.1.call-start
scs
__scs_entry_jumppad:
0x0: {  	(pc) =	sbr.rel $0x88, $3  }
0x1: {  	(tag) =	ssettag $0x0;
	lr =	simm.s32 $0x1  }
0x2: {  	[smem:$0x3F97] =	sst lr;
	_ =	strace $0xD0000000  }
0x3: {  	_ = 	snop  }
0x4: {  	_ = 	snop  }
0x5: {  	_ = 	snop  }
0x6: {  	_ = 	snop  }
0x7: {  	_ = 	snop  }
__scs_overlays_trampoline_lowered:
0x8: {  	[smem:$0x3FA6] =	sst s0  }
0x9: {  	[smem:$0x3FA7] =	sst s1  }
0xa: {  	[smem:$0x3FA8] =	sst s2  }
0xb: {  	[smem:$0x3FA9] =	sst s3  }
0xc: {  	[smem:$0x3FAA] =	sst s4  }
0xd: {  	[smem:$0x3FAB] =	sst s5  }
0xe: {  	[smem:$0x3FAC] =	sst s6  }
0xf: {  	[smem:$0x3FAD] =	sst s7  }
0x10: {  	[smem:$0x3FAE] =	sst s8  }
0x11: {  	[smem:$0x3FAF] =	sst s9;
	s0 =	simm.s32 @!p0 $0x0  }
0x12: {  	s1 =	sld [smem:$0x3F95];
	s0 =	simm.s32 @p0 $0x1  }
0x13: {  	[smem:$0x3FB0] =	sst s0;
	s0 =	simm.s32 @!p1 $0x0  }
0x14: {  	s2 =	sld [smem:$0x3F94];
	s0 =	simm.s32 @p1 $0x1  }
0x15: {  	[smem:$0x3FB1] =	sst s0;
	s0 =	simm.s32 @!p2 $0x0  }
0x16: {  	s3 =	sld [smem:$0x3FDB];
	s0 =	simm.s32 @p2 $0x1  }
0x17: {  	s4 =	simm.s32 $0x1BF5;
	[smem:$0x3FB3] =	sst s0  }
0x18: {  	s0 =	sld [smem:$0x3F96];
	_ =	swait.ge [sflag:s4], $0x0  }
0x19: {  	s7 =	sld [smem:$0x3F97]  }
0x1a: {  	s8 =	sadd.s32 $0xFFFFE003, lr  }
0x1b: {  	s9 =	sadd.s32 $0xFFFFFEF7, lr;
	s5 =	simm.s32 $0xFFFFFFFF;
	p2 =	slt.u32 s8, $0xFFFFF086  }
0x1c: {  	p1 =	slt.u32 s9, $0xF7A;
	s5 =	simm.s32 @!p2 $0x0  }
0x1d: {  	s5 =	simm.s32 @p1 $0x1;
	p0 =	seq.s32 s7, s2  }
0x1e: {  	s7 =	smul.u32 @!p0 $0xF7A, s2;
	p2 =	seq.s32 @!p0 s5, $0x0  }
0x1f: {  	s9 =	smul.u32 $0xF7A, s1;
	s8 =	simm.s32 @!p0 $0x1BF5;
	p2 =	por !p2, p0  }
0x20: {  	[sflag:s8] =	ssyncset.s32 @!p0 $0xFFFFF086;
	s6 =	sadd.s32 @!p0 s3, s7;
	s7 =	simm.s32 @!p0 $0x108  }
0x21: {  	s3 =	sadd.s32 s3, s9;
	s6 =	sadd.s32 @!p0 $0x88, s6;
	s7 =	simm.s32 @p2 $0x1082  }
0x22: {  	[simem:s7], [sflag:s8] =	dma.local @!p0 [hbm:s6], $0xF7A  }
0x23: {  	s9 =	sor.u32 $0xD0000000, s2;
	s6 =	simm.s32 $0x108;
	_ =	swait.ge @!p0 [sflag:s8], $0x0  }
0x24: {  	s3 =	sadd.s32 $0x88, s3;
	s6 =	simm.s32 @!p1 $0x1082;
	[sflag:s4] =	ssyncset.s32 $0xFFFFF086  }
0x25: {  	[simem:s6], [sflag:s4] =	dma.local [hbm:s3], $0xF7A  }
0x26: {  	[smem:$0x3F97] =	sst s1;
	(tag) =	ssettag s2;
	_ =	strace s9  }
0x27: {  	s1 =	sld [smem:$0x3FA7]  }
0x28: {  	s2 =	sld [smem:$0x3FA8]  }
0x29: {  	s4 =	sld [smem:$0x3FAA]  }
0x2a: {  	p0 =	seq.s32 s5, $0x0;
	s5 =	sld [smem:$0x3FAB]  }
0x2b: {  	s6 =	sld [smem:$0x3FAC]  }
0x2c: {  	s7 =	sld [smem:$0x3FAD]  }
0x2d: {  	s3 =	simm.s32 $0x108;
	s8 =	sld [smem:$0x3FAE]  }
0x2e: {  	s3 =	simm.s32 @!p0 $0x1082;
	s9 =	sld [smem:$0x3FAF]  }
0x2f: {  	lr =	sadd.s32 s0, s3;
	s0 =	sld [smem:$0x3FA6]  }
0x30: {  	s3 =	sld [smem:$0x3FA9]  }
0x31: {  	[smem:$0x3FB2] =	sst s10  }
0x32: {  	s10 =	sld [smem:$0x3FB0];
	_ =	sdelay $0x3  }
0x33: {  	p0 =	seq.s32 s10, $0x1;
	s10 =	sld [smem:$0x3FB2];
	_ =	sdelay $0x3  }
0x34: {  	[smem:$0x3FB2] =	sst s10  }
0x35: {  	s10 =	sld [smem:$0x3FB1];
	_ =	sdelay $0x3  }
0x36: {  	p1 =	seq.s32 s10, $0x1;
	s10 =	sld [smem:$0x3FB2];
	_ =	sdelay $0x3  }
0x37: {  	[smem:$0x3FB2] =	sst s10  }
0x38: {  	s10 =	sld [smem:$0x3FB3]  }
0x39: {  	_ = 	snop;
	(pc) =	sbr.ind lr, $3  }
0x3a: {  	_ = 	snop  }
0x3b: {  	_ = 	snop  }
0x3c: {  	p2 =	seq.s32 s10, $0x1;
	s10 =	sld [smem:$0x3FB2]  }
0x3d: {  	_ =	shalt  }
0x3e: {  	_ =	shalt  }
0x3f: {  	_ =	shalt  }
0x40: {  	_ =	shalt  }
0x41: {  	_ =	shalt  }
0x42: {  	_ =	shalt  }
0x43: {  	_ =	shalt  }
0x44: {  	_ =	shalt  }
0x45: {  	_ =	shalt  }
0x46: {  	_ =	shalt  }
0x47: {  	_ =	shalt  }
0x48: {  	_ =	shalt  }
0x49: {  	_ =	shalt  }
0x4a: {  	_ =	shalt  }
0x4b: {  	_ =	shalt  }
0x4c: {  	_ =	shalt  }
0x4d: {  	_ =	shalt  }
0x4e: {  	_ =	shalt  }
0x4f: {  	_ =	shalt  }
0x50: {  	_ =	shalt  }
0x51: {  	_ =	shalt  }
0x52: {  	_ =	shalt  }
0x53: {  	_ =	shalt  }
0x54: {  	_ =	shalt  }
0x55: {  	_ =	shalt  }
0x56: {  	_ =	shalt  }
0x57: {  	_ =	shalt  }
0x58: {  	_ =	shalt  }
0x59: {  	_ =	shalt  }
0x5a: {  	_ =	shalt  }
0x5b: {  	_ =	shalt  }
0x5c: {  	_ =	shalt  }
0x5d: {  	_ =	shalt  }
0x5e: {  	_ =	shalt  }
0x5f: {  	_ =	shalt  }
0x60: {  	_ =	shalt  }
0x61: {  	_ =	shalt  }
0x62: {  	_ =	shalt  }
0x63: {  	_ =	shalt  }
0x64: {  	_ =	shalt  }
0x65: {  	_ =	shalt  }
0x66: {  	_ =	shalt  }
0x67: {  	_ =	shalt  }
0x68: {  	_ =	shalt  }
0x69: {  	_ =	shalt  }
0x6a: {  	_ =	shalt  }
0x6b: {  	_ =	shalt  }
0x6c: {  	_ =	shalt  }
0x6d: {  	_ =	shalt  }
0x6e: {  	_ =	shalt  }
0x6f: {  	_ =	shalt  }
0x70: {  	_ =	shalt  }
0x71: {  	_ =	shalt  }
0x72: {  	_ =	shalt  }
0x73: {  	_ =	shalt  }
0x74: {  	_ =	shalt  }
0x75: {  	_ =	shalt  }
0x76: {  	_ =	shalt  }
0x77: {  	_ =	shalt  }
0x78: {  	_ =	shalt  }
0x79: {  	_ =	shalt  }
0x7a: {  	_ =	shalt  }
0x7b: {  	_ =	shalt  }
0x7c: {  	_ =	shalt  }
0x7d: {  	_ =	shalt  }
0x7e: {  	_ =	shalt  }
0x7f: {  	_ =	shalt  }
0x80: {  	_ =	shalt  }
0x81: {  	_ =	shalt  }
0x82: {  	_ =	shalt  }
0x83: {  	_ =	shalt  }
0x84: {  	_ =	shalt  }
0x85: {  	_ =	shalt  }
0x86: {  	_ =	shalt  }
0x87: {  	_ =	shalt  }
.Lfunc_end0:
.L_simem_size_0:
called_computation_lowered:
.L_overlay_start_0:
0x88: {  	s2 =	sld [smem:$0x3FD9]  }
0x89: {  	s3 =	sld [smem:$0x3FFE];
	_ =	sdelay $0x1  }
0x8a: {  	s1 =	srdreg.scid  }
0x8b: {  	s0 =	sand.u32 $0x1, s1  }
0x8c: {  	s14 =	sshll.u32 s0, $0xA;
	s2 =	sadd.s32 s3, s2  }
0x8d: {  	s2 =	sadd.s32 s2, s14  }
0x8e: {  	[smem:$0x3FBE] =	sst s2  }
0x8f: {  	_ = 	snop  }
0x90: {  	s2 =	sld [smem:$0x3FD0];
	_ =	sdelay $0x2  }
0x91: {  	s15 =	simm.s32 $0xA;
	s4 =	simm.s32 $0x10  }
0x92: {  	[smem:s4], [sflag:s15] =	dma.local [hbm:s2], $0x1  }
0x93: {  	_ =	swait.eq [sflag:s15], $0x1  }
0x94: {  	[sflag:s15] =	ssyncset.done $0x0  }
0x95: {  	[sflag:s15] =	ssyncadd.s32 $0xFFFFFFFF  }
0x96: {  	s16 =	sld [smem:$0x11];
	(tm) =	ssettm $0x1  }
0x97: {  	s17 =	sld [smem:$0x3FFB];
	_ =	sdelay $0x3  }
0x98: {  	_ =	strace s17  }
0x99: {  	s3 =	sld [smem:$0x3FFC];
	_ =	sdelay $0x3  }
0x9a: {  	_ =	strace s3  }
0x9b: {  	s3 =	sld [smem:$0x3FFD];
	_ =	sdelay $0x3  }
0x9c: {  	_ =	strace s3  }
0x9d: {  	_ =	strace $0x8FFFFFFF  }
0x9e: {  	s18 =	sld [smem:$0x3FDB];
	_ =	sdelay $0x1  }
0x9f: {  	s19 =	simm.s32 $_scs_section_size  }
0xa0: {  	s5 =	simm.s32 $_size__tile_overlayer_lowered;
	s6 =	simm.s32 $_tile_overlayer_lowered  }
0xa1: {  	s22 =	simm.s32 $0x1BFF;
	s21 =	sshll.u32 s6, $0x1;
	s3 =	sadd.s32 s19, s18  }
0xa2: {  	s7 =	simm.s32 $0x0;
	s20 =	sshll.u32 s5, $0x1;
	s5 =	sadd.s32 s21, s3  }
0xa3: {  	[timem:s7], [sflag:s22] =	dma.local [hbm:s5], s20  }
0xa4: {  	_ =	swait.ge [sflag:s22], s20  }
0xa5: {  	s4 =	ssub.s32 $0x0, s20;
	[sflag:s22] =	ssyncset.done $0x0  }
0xa6: {  	[sflag:s22] =	ssyncadd.s32 s4;
	_ =	sdelay $0x1  }
0xa7: {  	s23 =	simm.s32 $0x1B8B  }
0xa8: {  	_ =	swait.ge [sflag:s23], $0x1  }
0xa9: {  	[sflag:s23] =	ssyncset.done $0x0  }
0xaa: {  	s25 =	simm.s32 $0x1B8E;
	s24 =	sld [smem:$0x3FFE];
	[sflag:s23] =	ssyncadd.s32 $0xFFFFFFFF  }
0xab: {  	s26 =	simm.s32 $execute0_lowered;
	[smem:$0x3FD2] =	sst s25  }
0xac: {  	s5 =	sshll.u32 s26, $0x1;
	_ =	strace $0x80000046;
	[dreg:$0x1] =	wrdreg $0xFFFFFFFF  }
0xad: {  	s28 =	simm.s32 $_size_execute0_lowered;
	s3 =	sadd.s32 s3, s5;
	[dreg:$0x0] =	wrdreg $0x0  }
0xae: {  	s5 =	sshll.u32 s28, $0x1;
	[dreg:$0x2] =	wrdreg s3  }
0xaf: {  	[dreg:$0x3] =	wrdreg s5  }
0xb0: {  	[dreg:$0x4] =	wrdreg $0xC0  }
0xb1: {  	_ =	task [dreg:s7], $0x5FFFF  }
0xb2: {  	[dreg:$0x1] =	wrdreg $0xFFFFFFFF  }
0xb3: {  	[dreg:$0x0] =	wrdreg $0x60  }
0xb4: {  	[dreg:$0x2] =	wrdreg s24  }
0xb5: {  	[dreg:$0x3] =	wrdreg s16  }
0xb6: {  	[dreg:$0x4] =	wrdreg $0x0  }
0xb7: {  	[dreg:$0x5] =	wrdreg $0x9  }
0xb8: {  	_ =	task.clear_ibuf [dreg:s7], $0x6FFFF;
	_ =	strace $0x90000046  }
0xb9: {  	s29 =	simm.s32 $0x9;
	_ =	strace $0x80000048  }
0xba: {  	_ =	swait.ge [sflag:s29], $0x1  }
0xbb: {  	[sflag:s29] =	ssyncadd.s32 $0xFFFFFFFF  }
0xbc: {  	_ =	strace $0x90000048  }
0xbd: {  	_ =	sfence  }
0xbe: {  	s30 =	sld [smem:$0x0];
	_ =	sdelay $0x2  }
0xbf: {  	s31 =	sshll.u32 s1, $0xD;
	s1 =	sshrl.u32 s1, $0x2  }
0xc0: {  	s3 =	sand.u32 $0x4000, s31;
	s1 =	sadd.s32 s1, s30  }
0xc1: {  	s0 =	sor.u32 s3, s0;
	s1 =	sshll.u32 s1, $0x11  }
0xc2: {  	s0 =	sor.u32 s1, s0  }
0xc3: {  	s0 =	sadd.s32 $0x8F2B, s0  }
0xc4: {  	[sflag:s0] =	ssyncadd.remote.s32 $0x1  }
0xc5: {  	_ =	sfence.sel $0xFFFF  }
0xc6: {  	[dreg:$0x0] =	wrdreg $0xFFFFFFFF;
	(pc) =	sbr.abs _section_cstart, $3  }
0xc7: {  	[dreg:$0x1] =	wrdreg $0xFFFFFFFF  }
0xc8: {  	_ =	task.clear_ibuf [dreg:s7], $0x2FFFF;
	_ =	strace $0x9FFFFFFF  }
0xc9: {  	(tm) =	ssettm $0x7FFFFFFF  }
tec
execute0_lowered:
.L_overlay_start_1:
0x0: {  	(tag) =	ssettag $0x1  }
0x1: {  	s0 =	rddreg [dreg:$0x0]  }
0x2: {  	s1 =	rddreg [dreg:$0x1];
	s3 =	srdreg.scid  }
0x3: {  	s19 =	stileid.u32;
	s2 =	rddreg [dreg:$0x2]  }
0x4: {  	s12 =	simm.s32 $0x13880;
	s13 =	simm.s32 $0x7;
	s14 =	simm.s32 $0x15F90  }
0x5: {  	s15 =	simm.s32 $0x50;
	s16 =	simm.s32 $0x186A0;
	s18 =	simm.s32 $0x1AEA0  }
0x6: {  	s28 =	simm.s32 $0x2;
	s30 =	simm.s32 $0x5;
	s29 =	simm.s32 $0x0  }
0x7: {  	s6 =	sand.u32 $0x1, s3;
	s4 =	sshll.u32 s19, $0x1;
	s3 =	simm.s32 $0x0  }
0x8: {  	s9 =	smul.u32 $0x13800, s19;
	s21 =	sadd.s32 $0x138000, s2;
	p0 =	sne.s32 s19, $0xF  }
0x9: {  	s31 =	sshll.u32 s19, $0x6;
	s4 =	sor.u32 s6, s4;
	[smem:$0x7FF] =	sst s3  }
0xa: {  	s7 =	ssub.s32 $0x2, s6;
	s24 =	smul.u32 $0x138800, s6;
	s19 =	sor.u32 $0x1C07, s31  }
0xb: {  	s21 =	sshrl.u32 @!p0 s21, $0x3;
	s5 =	smul.u32 $0x4E2, s4;
	_ =	strace $0x80000047  }
0xc: {  	s8 =	sshrl.u32 s7, $0x1;
	s4 =	sadd.s32 $0x17000, s0;
	s23 =	sshrl.u32 s9, $0x3  }
0xd: {  	s17 =	sadd.s32 s9, s2;
	s11 =	ssub.s32 s7, s8;
	s7 =	sadd.s32 s4, s23  }
0xe: {  	s9 =	sadd.s32 s9, s24;
	s25 =	sshrl.u32 s24, $0x3;
	s8 =	sadd.s32 $0x3E000, s0  }
0xf: {  	s20 =	sshrl.u32 s17, $0x3;
	s23 =	simm.s32 $0x1D6A0;
	s24 =	simm.s32 $0x1  }
0x10: {  	s17 =	simm.s32 $0x6;
	s10 =	sadd.s32 s5, s0;
	s26 =	sshrl.u32 s9, $0x3  }
0x11: {  	s11 =	smax.u32 s11, $0x1;
	s5 =	sadd.s32 $0xD200, s10;
	s6 =	sadd.s32 $0x3400, s10  }
0x12: {  	s10 =	sadd.s32 s1, s25;
	s9 =	sadd.s32 s1, s26;
	s25 =	simm.s32 $0x4  }
0x13: {  	s1 =	simm.s32 $0x3;
	s26 =	simm.s32 $0x18650;
	s10 =	sadd.s32 $0x27000, s10  }
.LBB2_1:
0x14: {  	[tilespmem:s12], [sflag:$0x7] =	stream.linear.gather [hbm4b:s5+s3], $0x2710, $0x38;
	[tilespmem:$0x1FEA0] =	vst v63  }
0x15: {  	_ =	swait.ge [sflag:s13], $0x2710  }
0x16: {  	[sflag:s13] =	ssyncset.done $0x0  }
0x17: {  	[sflag:s13] =	ssyncadd.s32 $0xFFFFD8F0  }
0x18: {  	[tilespmem:s14], [sflag:$0x7] =	stream.linear.gather [hbm4b:s6+s3], $0x2710, $0x38;
	[tilespmem:$0x1FEA0] =	vst v63  }
0x19: {  	_ =	swait.ge [sflag:s13], $0x2710  }
0x1a: {  	[sflag:s13] =	ssyncset.done $0x0  }
0x1b: {  	[sflag:s13] =	ssyncadd.s32 $0xFFFFD8F0  }
0x1c: {  	[tilespmem:s16], [sflag:$0x1] =	stream.indirect.gather [hbm4b:s4+s15], $0x80, s12, s15, $0xb8;
	[tilespmem:$0x1FEA0] =	vst v63  }
0x1d: {  	s0 =	simm.s32 $0x138D0  }
0x1e: {  	[tilespmem:s18], [sflag:$0x2] =	stream.indirect.gather [hbm4b:s4+s15], $0x80, s0, s15, $0xb8;
	[tilespmem:$0x1FEA0] =	vst v63  }
0x1f: {  	[spmem:s20], [sflag:s19] =	dma.local [hbm:s7], $0x2700  }
0x20: {  	_ =	swait.ge [sflag:s13], $0x2700  }
0x21: {  	[sflag:s13] =	ssyncset.done $0x0  }
0x22: {  	s0 =	simm.s32 @!p0 $0x7;
	[sflag:s13] =	ssyncadd.s32 $0xFFFFD900  }
0x23: {  	[spmem:s21], [sflag:s19] =	dma.local @!p0 [hbm:s8], $0x100  }
0x24: {  	_ =	swait.ge @!p0 [sflag:s0], $0x100  }
0x25: {  	[sflag:s0] =	ssyncset.done @!p0 $0x0  }
0x26: {  	[sflag:s0] =	ssyncadd.s32 @!p0 $0xFFFFFF00  }
0x27: {  	s22 =	simm.s32 $0x13920;
	[bflag:$0x0] =	sbarrier.arrive $0xFFFF  }
0x28: {  	[tilespmem:s23], [sflag:$0x3] =	stream.indirect.gather [hbm4b:s4+s15], $0x80, s22, s15, $0xb8;
	[tilespmem:$0x1FEA0] =	vst v63  }
0x29: {  	_ =	swait.ge [sflag:s24], $0x2800  }
0x2a: {  	[sflag:s24] =	ssyncset.done $0x0  }
0x2b: {  	[sflag:s24] =	ssyncadd.s32 $0xFFFFD800  }
0x2c: {  	[spmem:s2] =	stream.indirect.scatter.add.f32 [tilespmem:s16], [sflag:$0x4], $0x80, s14, s15, $0xb8;
	[tilespmem:$0x1FEA0] =	vst v63  }
0x2d: {  	_ =	swait.ge [sflag:s25], $0x2800  }
0x2e: {  	[sflag:s25] =	ssyncset.done $0x0  }
0x2f: {  	s22 =	simm.s32 $0x13970;
	[sflag:s25] =	ssyncadd.s32 $0xFFFFD800  }
0x30: {  	[tilespmem:s16], [sflag:$0x1] =	stream.indirect.gather [hbm4b:s4+s15], $0x80, s22, s15, $0xb8;
	[tilespmem:$0x1FEA0] =	vst v63  }
0x31: {  	_ =	swait.ge [sflag:s28], $0x2800  }
0x32: {  	[sflag:s28] =	ssyncset.done $0x0  }
0x33: {  	s22 =	simm.s32 $0x15FE0;
	[sflag:s28] =	ssyncadd.s32 $0xFFFFD800  }
0x34: {  	[spmem:s2] =	stream.indirect.scatter.add.f32 [tilespmem:s18], [sflag:$0x5], $0x80, s22, s15, $0xb8;
	[tilespmem:$0x1FEA0] =	vst v63  }
0x35: {  	_ =	swait.ge [sflag:s30], $0x2800  }
0x36: {  	[sflag:s30] =	ssyncset.done $0x0  }
0x37: {  	s22 =	simm.s32 $0x139C0;
	[sflag:s30] =	ssyncadd.s32 $0xFFFFD800  }
0x38: {  	[tilespmem:s18], [sflag:$0x2] =	stream.indirect.gather [hbm4b:s4+s15], $0x80, s22, s15, $0xb8;
	[tilespmem:$0x1FEA0] =	vst v63  }
0x39: {  	_ =	swait.ge [sflag:s1], $0x2800  }
0x3a: {  	[sflag:s1] =	ssyncset.done $0x0  }
0x3b: {  	s22 =	simm.s32 $0x16030;
	[sflag:s1] =	ssyncadd.s32 $0xFFFFD800  }
0x3c: {  	[spmem:s2] =	stream.indirect.scatter.add.f32 [tilespmem:s23], [sflag:$0x6], $0x80, s22, s15, $0xb8;
	[tilespmem:$0x1FEA0] =	vst v63  }
0x3d: {  	_ =	swait.ge [sflag:s17], $0x2800  }
0x3e: {  	[sflag:s17] =	ssyncset.done $0x0  }
0x3f: {  	s22 =	simm.s32 $0x13A10;
	[sflag:s17] =	ssyncadd.s32 $0xFFFFD800  }
0x40: {  	[tilespmem:s23], [sflag:$0x3] =	stream.indirect.gather [hbm4b:s4+s15], $0x80, s22, s15, $0xb8;
	[tilespmem:$0x1FEA0] =	vst v63  }
0x41: {  	_ =	swait.ge [sflag:s24], $0x2800  }
0x42: {  	[sflag:s24] =	ssyncset.done $0x0  }
0x43: {  	s22 =	simm.s32 $0x16080;
	[sflag:s24] =	ssyncadd.s32 $0xFFFFD800  }
0x44: {  	[spmem:s2] =	stream.indirect.scatter.add.f32 [tilespmem:s16], [sflag:$0x4], $0x80, s22, s15, $0xb8;
	[tilespmem:$0x1FEA0] =	vst v63  }
0x45: {  	_ =	swait.ge [sflag:s25], $0x2800  }
0x46: {  	[sflag:s25] =	ssyncset.done $0x0  }
0x47: {  	s22 =	simm.s32 $0x13A60;
	[sflag:s25] =	ssyncadd.s32 $0xFFFFD800  }
0x48: {  	[tilespmem:s16], [sflag:$0x1] =	stream.indirect.gather [hbm4b:s4+s15], $0x80, s22, s15, $0xb8;
	[tilespmem:$0x1FEA0] =	vst v63  }
0x49: {  	_ =	swait.ge [sflag:s28], $0x2800  }
0x4a: {  	[sflag:s28] =	ssyncset.done $0x0  }
0x4b: {  	s22 =	simm.s32 $0x160D0;
	[sflag:s28] =	ssyncadd.s32 $0xFFFFD800  }
0x4c: {  	[spmem:s2] =	stream.indirect.scatter.add.f32 [tilespmem:s18], [sflag:$0x5], $0x80, s22, s15, $0xb8;
	[tilespmem:$0x1FEA0] =	vst v63  }
0x4d: {  	_ =	swait.ge [sflag:s30], $0x2800  }
0x4e: {  	[sflag:s30] =	ssyncset.done $0x0  }
0x4f: {  	s22 =	simm.s32 $0x13AB0;
	[sflag:s30] =	ssyncadd.s32 $0xFFFFD800  }
0x50: {  	[tilespmem:s18], [sflag:$0x2] =	stream.indirect.gather [hbm4b:s4+s15], $0x80, s22, s15, $0xb8;
	[tilespmem:$0x1FEA0] =	vst v63  }
0x51: {  	_ =	swait.ge [sflag:s1], $0x2800  }
0x52: {  	[sflag:s1] =	ssyncset.done $0x0  }
0x53: {  	s31 =	simm.s32 $0x3C0;
	s0 =	simm.s32 $0x16120;
	[sflag:s1] =	ssyncadd.s32 $0xFFFFD800  }
.LBB2_2:
0x54: {  	[spmem:s2] =	stream.indirect.scatter.add.f32 [tilespmem:s23], [sflag:$0x6], $0x80, s0, s15, $0xb8;
	[tilespmem:$0x1FEA0] =	vst v63  }
0x55: {  	s0 =	smov.u32 s31  }
0x56: {  	p1 =	sne.s32 s31, $0x9240;
	s31 =	sadd.s32 $0x3C0, s31;
	_ =	swait.ge [sflag:s17], $0x2800  }
0x57: {  	s0 =	sshra.s32 s0, $0x2;
	[sflag:s17] =	ssyncset.done $0x0  }
0x58: {  	s22 =	sadd.s32 $0x13A10, s0;
	[sflag:s17] =	ssyncadd.s32 $0xFFFFD800  }
0x59: {  	[tilespmem:s23], [sflag:$0x3] =	stream.indirect.gather [hbm4b:s4+s15], $0x80, s22, s15, $0xb8;
	[tilespmem:$0x1FEA0] =	vst v63  }
0x5a: {  	_ =	swait.ge [sflag:s24], $0x2800  }
0x5b: {  	[sflag:s24] =	ssyncset.done $0x0  }
0x5c: {  	s22 =	sadd.s32 $0x16080, s0;
	[sflag:s24] =	ssyncadd.s32 $0xFFFFD800  }
0x5d: {  	[spmem:s2] =	stream.indirect.scatter.add.f32 [tilespmem:s16], [sflag:$0x4], $0x80, s22, s15, $0xb8;
	[tilespmem:$0x1FEA0] =	vst v63  }
0x5e: {  	_ =	swait.ge [sflag:s25], $0x2800  }
0x5f: {  	[sflag:s25] =	ssyncset.done $0x0  }
0x60: {  	s22 =	sadd.s32 $0x13A60, s0;
	[sflag:s25] =	ssyncadd.s32 $0xFFFFD800  }
0x61: {  	[tilespmem:s16], [sflag:$0x1] =	stream.indirect.gather [hbm4b:s4+s15], $0x80, s22, s15, $0xb8;
	[tilespmem:$0x1FEA0] =	vst v63  }
0x62: {  	_ =	swait.ge [sflag:s28], $0x2800  }
0x63: {  	[sflag:s28] =	ssyncset.done $0x0  }
0x64: {  	s22 =	sadd.s32 $0x160D0, s0;
	[sflag:s28] =	ssyncadd.s32 $0xFFFFD800  }
0x65: {  	[spmem:s2] =	stream.indirect.scatter.add.f32 [tilespmem:s18], [sflag:$0x5], $0x80, s22, s15, $0xb8;
	[tilespmem:$0x1FEA0] =	vst v63  }
0x66: {  	_ =	swait.ge [sflag:s30], $0x2800  }
0x67: {  	[sflag:s30] =	ssyncset.done $0x0  }
.Ltmp0:
0x68: {  	s22 =	sadd.s32 $0x13AB0, s0;
	[sflag:s30] =	ssyncadd.s32 $0xFFFFD800;
	(pc) =	sbr.rel @p1 .LBB2_2-.Ltmp0, $4  }
0x69: {  	[tilespmem:s18], [sflag:$0x2] =	stream.indirect.gather [hbm4b:s4+s15], $0x80, s22, s15, $0xb8;
	[tilespmem:$0x1FEA0] =	vst v63  }
0x6a: {  	_ =	swait.ge [sflag:s1], $0x2800  }
0x6b: {  	[sflag:s1] =	ssyncset.done $0x0  }
0x6c: {  	s0 =	sadd.s32 $0x16120, s0;
	[sflag:s1] =	ssyncadd.s32 $0xFFFFD800  }
0x6d: {  	[spmem:s2] =	stream.indirect.scatter.add.f32 [tilespmem:s23], [sflag:$0x6], $0x80, s0, s15, $0xb8;
	[tilespmem:$0x1FEA0] =	vst v63  }
0x6e: {  	_ =	swait.ge [sflag:s24], $0x2800  }
0x6f: {  	[sflag:s24] =	ssyncset.done $0x0  }
0x70: {  	s31 =	simm.s32 $0x18600;
	[sflag:s24] =	ssyncadd.s32 $0xFFFFD800  }
0x71: {  	[spmem:s2] =	stream.indirect.scatter.add.f32 [tilespmem:s16], [sflag:$0x4], $0x80, s31, s15, $0xb8;
	[tilespmem:$0x1FEA0] =	vst v63  }
0x72: {  	_ =	swait.ge [sflag:s28], $0x2800  }
0x73: {  	[sflag:s28] =	ssyncset.done $0x0  }
0x74: {  	[sflag:s28] =	ssyncadd.s32 $0xFFFFD800  }
0x75: {  	[spmem:s2] =	stream.indirect.scatter.add.f32 [tilespmem:s18], [sflag:$0x5], $0x80, s26, s15, $0xb8;
	[tilespmem:$0x1FEA0] =	vst v63  }
0x76: {  	_ =	swait.ge [sflag:s17], $0x2800  }
0x77: {  	[sflag:s17] =	ssyncset.done $0x0  }
0x78: {  	[sflag:s17] =	ssyncadd.s32 $0xFFFFD800  }
0x79: {  	_ =	swait.ge [sflag:s25], $0x2800  }
0x7a: {  	[sflag:s25] =	ssyncset.done $0x0  }
0x7b: {  	[sflag:s25] =	ssyncadd.s32 $0xFFFFD800  }
0x7c: {  	_ =	swait.ge [sflag:s30], $0x2800  }
0x7d: {  	[sflag:s30] =	ssyncset.done $0x0  }
0x7e: {  	[sflag:s30] =	ssyncadd.s32 $0xFFFFD800  }
0x7f: {  	[bflag:$0x0] =	sbarrier.arrive $0xFFFF  }
0x80: {  	[hbm:s9], [sflag:s19] =	dma.local [spmem:s20], $0x2700  }
0x81: {  	s29 =	sadd.s32 $0x1, s29;
	_ =	swait.ge [sflag:s13], $0x2700  }
0x82: {  	p1 =	sne.s32 s29, s11;
	[sflag:s13] =	ssyncset.done $0x0  }
.Ltmp1:
0x83: {  	s0 =	simm.s32 @!p0 $0x7;
	[sflag:s13] =	ssyncadd.s32 $0xFFFFD900;
	(pc) =	sbr.rel @p1 .LBB2_1-.Ltmp1, $4  }
0x84: {  	[hbm:s10], [sflag:s19] =	dma.local @!p0 [spmem:s21], $0x100  }
0x85: {  	_ =	swait.ge @!p0 [sflag:s0], $0x100  }
0x86: {  	[sflag:s0] =	ssyncset.done @!p0 $0x0  }
0x87: {  	[sflag:s0] =	ssyncadd.s32 @!p0 $0xFFFFFF00  }
0x88: {  	_ =	sfence.sel $0x180000  }
0x89: {  	[bflag:$0x0] =	sbarrier.arrive $0xFFFF  }
0x8a: {  	_ =	strace $0x90000047  }
0x8b: {  	s0 =	stileid.u32;
	[bflag:$0x2] =	sbarrier.arrive $0xFFFF  }
0x8c: {  	p0 =	sne.s32 s0, $0x0;
	s0 =	rddreg [dreg:$0x3]  }
0x8d: {  	s0 =	sadd.s32 @!p0 $0x100000, s0  }
0x8e: {  	[sflag:s0] =	ssyncadd.tile.s32 @!p0 $0x1;
	_ =	shalt  }
.Lfunc_end2:
_tile_overlayer_lowered:
.L_overlay_start_2:
0x8f: {  	(tag) =	ssettag $0x2  }
0x90: {  	s0 =	rddreg [dreg:$0x0];
	s2 =	stileid.u32  }
0x91: {  	s1 =	rddreg [dreg:$0x1];
	p0 =	sne.s32 s2, $0x0  }
0x92: {  	s3 =	rddreg [dreg:$0x2];
	[bflag:$0x3] =	sbarrier.arrive $0xFFFF;
	s2 =	simm.s32 @!p0 $0x1C07  }
0x93: {  	[timem:s3], [sflag:s2] =	dma.local @!p0 [hbm:s0], s1  }
0x94: {  	s0 =	simm.s32 @!p0 $0x7  }
0x95: {  	_ =	swait.ge @!p0 [sflag:s0], s1  }
0x96: {  	s1 =	ssub.s32 @!p0 $0x0, s1;
	[sflag:s0] =	ssyncset.done @!p0 $0x0  }
0x97: {  	[sflag:s0] =	ssyncadd.s32 @!p0 s1  }
0x98: {  	[bflag:$0x3] =	sbarrier.arrive $0xFFFF  }
0x99: {  	_ =	shalt  }

</sc_bundles>
